<compile_context>
chip_gen: v7x
topology: tpu7x:2x2x1
jax: 0.10.2.dev20260603
libtpu: 0.0.44.dev20260713+nightly
codegen_flags: <defaults>
</compile_context>

<pallas_src>
import functools
import math

import jax
import jax.numpy as jnp
from jax import lax
from jax.experimental import pallas as pl
from jax.experimental.pallas import tpu as pltpu
from jax.experimental.pallas import tpu_sc as plsc

B, T, D = 1, 2048, 768
CONV_K = 7
STATE_K = 4
MLP_H = 1536
MEM_H = 2
MEM_NBITS = 12
MEM_BUCKETS = 4096
MEM_ASSOC = 4
MEM_KEY_DIM = 64

TBLK = 256
NBLK = T // TBLK
BCH = 512
F32 = jnp.float32
BF16 = jnp.bfloat16
HIGH = jax.lax.Precision.HIGHEST


def _pass1_body(x_ref, convw_ref, gatew_ref, gateb_ref, upw_ref, upb_ref,
                downw_ref, downb_ref, sinw_ref, soutw_ref, L_ref, dpow_ref,
                keyw_ref, wvo_ref, hcat_ref, hbias_ref,
                acc_ref, q_ref, vvo_ref, auxf_ref,
                upad_ref, carry_ref):
    i = pl.program_id(0)
    xb = x_ref[...]
    u = xb * jax.lax.rsqrt(jnp.mean(xb * xb, axis=-1, keepdims=True) + 1e-6)

    @pl.when(i == 0)
    def _init():
        upad_ref[...] = jnp.zeros((8, D), F32)
        carry_ref[...] = jnp.zeros((8, D), F32)

    cat = jnp.concatenate([upad_ref[...], u], axis=0)
    v = jnp.zeros((TBLK, D), F32)
    for j in range(CONV_K):
        v = v + jax.lax.slice(cat, (2 + j, 0), (2 + j + TBLK, D)) \
            * convw_ref[j, :][None, :]
    upad_ref[...] = jax.lax.slice(u, (TBLK - 8, 0), (TBLK, D))

    ub = u
    dnt = (((1,), (1,)), ((), ()))
    g = jax.nn.sigmoid(
        jax.lax.dot_general(ub, gatew_ref[...], dnt,
                            preferred_element_type=F32)
        + gateb_ref[0, :][None, :])
    h = v * g
    mid = jax.nn.gelu(
        jax.lax.dot_general(h, upw_ref[...], dnt,
                            preferred_element_type=F32)
        + upb_ref[0, :][None, :])
    local = jax.lax.dot_general(mid, downw_ref[...], dnt,
                                preferred_element_type=F32) \
        + downb_ref[0, :][None, :]

    z = jax.lax.dot_general(ub, sinw_ref[...], dnt,
                            preferred_element_type=F32)
    long_out = jnp.zeros((TBLK, D), F32)
    for k in range(STATE_K):
        zk = z[:, k * D:(k + 1) * D]
        sk = jnp.dot(L_ref[k], zk, preferred_element_type=F32) \
            + dpow_ref[k, :][:, None] * carry_ref[k, :][None, :]
        long_out = long_out + jax.lax.dot_general(
            sk, soutw_ref[:, k * D:(k + 1) * D], dnt,
            preferred_element_type=F32)
        carry_ref[k, :] = sk[TBLK - 1, :]

    hl = jax.lax.dot_general(u, hcat_ref[...], dnt,
                             preferred_element_type=F32) \
        + hbias_ref[0, :][None, :]
    lane = jax.lax.broadcasted_iota(jnp.int32, (TBLK, 128), 1)
    bits = (hl > 0).astype(jnp.int32)
    w0 = jnp.where(lane < MEM_NBITS, jnp.int32(1) << jnp.minimum(lane, 30), 0)
    w1 = jnp.where((lane >= MEM_NBITS) & (lane < 2 * MEM_NBITS),
                   jnp.int32(1) << jnp.minimum(jnp.maximum(lane - MEM_NBITS, 0), 30), 0)
    b0 = jnp.sum(bits * w0, axis=1, keepdims=True)
    b1 = jnp.sum(bits * w1, axis=1, keepdims=True)
    gl = jax.nn.sigmoid(hl[:, 24:25])
    gm = jax.nn.sigmoid(hl[:, 25:26])

    acc_ref[...] = xb + local + gl * long_out
    q_ref[...] = jax.lax.dot_general(
        ub, keyw_ref[...], dnt, preferred_element_type=F32).astype(BF16)
    vvo_ref[...] = jax.lax.dot_general(
        ub, wvo_ref[...], dnt, preferred_element_type=F32).astype(BF16)
    auxf_ref[...] = jnp.where(lane == 0, gm, 0.0)


def _pass0_body(x_ref, hcat_ref, b2_ref):
    xb = x_ref[...]
    u = xb * jax.lax.rsqrt(jnp.mean(xb * xb, axis=-1, keepdims=True) + 1e-6)
    hl = jax.lax.dot_general(u, hcat_ref[...], (((1,), (1,)), ((), ())),
                             preferred_element_type=F32)
    lane = jax.lax.broadcasted_iota(jnp.int32, (TBLK, 128), 1)
    bits = (hl > 0).astype(jnp.int32)
    w0 = jnp.where(lane < MEM_NBITS, jnp.int32(1) << jnp.minimum(lane, 30), 0)
    w1 = jnp.where((lane >= MEM_NBITS) & (lane < 2 * MEM_NBITS),
                   jnp.int32(1) << jnp.minimum(jnp.maximum(lane - MEM_NBITS, 0), 30), 0)
    b0 = jnp.sum(bits * w0, axis=1, keepdims=True)
    b1 = jnp.sum(bits * w1, axis=1, keepdims=True)
    lane8 = jax.lax.broadcasted_iota(jnp.int32, (TBLK, 8), 1)
    xcols = (jnp.where(lane8 == 0, b0, 0)
             + jnp.where(lane8 == 1, b1, 0)).astype(F32)
    r = jax.lax.broadcasted_iota(jnp.int32, (TBLK, TBLK), 0)
    c = jax.lax.broadcasted_iota(jnp.int32, (TBLK, TBLK), 1)
    eye = (r == c).astype(F32)
    b2_ref[...] = jax.lax.dot_general(
        xcols, eye, (((0,), (0,)), ((), ())), precision=HIGH,
        preferred_element_type=F32).astype(jnp.int32)


def _sc_route_body(b2_hbm, icols_hbm, b2_v, wtab_v, idxcol_v, sem):
    wid = lax.axis_index("s") * 2 + lax.axis_index("c")

    @pl.when(wid < MEM_H * MEM_ASSOC)
    def _():
        h = wid // MEM_ASSOC
        a = wid % MEM_ASSOC
        pltpu.sync_copy(b2_hbm, b2_v)
        iota = jax.lax.broadcasted_iota(jnp.int32, (16,), 0)

        def memset_body(i, carry):
            wtab_v[pl.ds(i * 16, 16)] = jnp.full((16,), -1, jnp.int32)
            return carry

        lax.fori_loop(0, MEM_BUCKETS // 16, memset_body, 0)

        def build_body(m, carry):
            tvec = (a + 64 * m) + 4 * iota
            rank = m * 16 + iota
            bvec = plsc.load_gather(b2_v, [tvec + h * T])
            key = bvec * 512 + rank
            sk, sv = plsc.sort_key_val(key, tvec)
            bsort = jax.lax.shift_right_logical(sk, 9)
            idxcol_v[0:16] = bsort
            nxt = plsc.load_gather(idxcol_v, [jnp.minimum(iota + 1, 15)])
            keep = (iota == 15) | (bsort != nxt)
            plsc.store_scatter(wtab_v, [bsort], sv, mask=keep)
            return carry

        lax.fori_loop(0, (T // MEM_ASSOC) // 16, build_body, 0)

        def gather_body(g, carry):
            tvec = g * 16 + iota
            bvec = plsc.load_gather(b2_v, [tvec + h * T])
            ivec = plsc.load_gather(wtab_v, [bvec])
            idxcol_v[pl.ds(g * 16, 16)] = ivec
            return carry

        lax.fori_loop(0, T // 16, gather_body, 0)
        pltpu.sync_copy(idxcol_v, icols_hbm.at[wid])


def _sc_route(b2flat):
    mesh = plsc.VectorSubcoreMesh(core_axis_name="c", subcore_axis_name="s")
    return pl.kernel(
        _sc_route_body,
        mesh=mesh,
        compiler_params=pltpu.CompilerParams(needs_layout_passes=False),
        out_type=jax.ShapeDtypeStruct((MEM_H * MEM_ASSOC, T), jnp.int32),
        scratch_types=[
            pltpu.VMEM((T * 8,), jnp.int32),
            pltpu.VMEM((MEM_BUCKETS,), jnp.int32),
            pltpu.VMEM((T,), jnp.int32),
            pltpu.SemaphoreType.DMA,
        ],
    )(b2flat)


def _pass2b_body(idx2_ref, auxf_ref, q_ref, acc_ref, vvo_ref, out_ref):
    strip = idx2_ref[...].astype(F32)
    r8 = jax.lax.broadcasted_iota(jnp.int32, (8, 8), 0)
    c8 = jax.lax.broadcasted_iota(jnp.int32, (8, 8), 1)
    eye8 = (r8 == c8).astype(F32)
    idx_i = jax.lax.dot_general(
        strip, eye8, (((0,), (0,)), ((), ())), precision=HIGH,
        preferred_element_type=F32).astype(jnp.int32)
    valid = idx_i >= 0

    qblk = q_ref[pl.ds(pl.program_id(0) * TBLK, TBLK), :].astype(F32)
    sc_cols = []
    for ha in range(MEM_H * MEM_ASSOC):
        icol = idx_i[:, ha:ha + 1]
        qg = jnp.zeros((TBLK, MEM_KEY_DIM), F32)
        for c in range(T // BCH):
            lane = jax.lax.broadcasted_iota(jnp.int32, (TBLK, BCH), 1) + c * BCH
            oh = (icol == lane).astype(BF16)
            qg = qg + jnp.dot(oh, q_ref[pl.ds(c * BCH, BCH), :],
                              preferred_element_type=F32)
        sc_cols.append(jnp.sum(qblk * qg, axis=1, keepdims=True))
    sc = jnp.concatenate(sc_cols, axis=1) * (1.0 / math.sqrt(MEM_KEY_DIM))
    sc = jnp.where(valid, sc, -1e9)

    gm = auxf_ref[:, 0:1]
    cols = []
    for h in range(MEM_H):
        s = sc[:, h * MEM_ASSOC:(h + 1) * MEM_ASSOC]
        vmask = valid[:, h * MEM_ASSOC:(h + 1) * MEM_ASSOC].astype(F32)
        m = jnp.max(s, axis=1, keepdims=True)
        e = jnp.exp(s - m) * vmask
        w = e / jnp.sum(e, axis=1, keepdims=True)
        cols.append(w * (gm / MEM_H))
    coef = jnp.concatenate(cols, axis=1)

    mem = jnp.zeros((TBLK, D), F32)
    for c in range(T // TBLK):
        lane = jax.lax.broadcasted_iota(jnp.int32, (TBLK, TBLK), 1) + c * TBLK
        s_c = jnp.zeros((TBLK, TBLK), F32)
        for ha in range(MEM_H * MEM_ASSOC):
            s_c = s_c + jnp.where(idx_i[:, ha:ha + 1] == lane,
                                  coef[:, ha:ha + 1], 0.0)
        mem = mem + jnp.dot(s_c.astype(BF16), vvo_ref[pl.ds(c * TBLK, TBLK), :],
                            preferred_element_type=F32)
    out_ref[...] = acc_ref[...] + mem


def kernel(x, conv_w, gate_w, gate_b, up_w, up_b, down_w, down_b,
           sin_w, sout_w, decay_logit, gl_w, gl_b, gm_w, gm_b,
           key_w, hash_w, val_w, out_w):
    xf = x[0]

    conv_wT = conv_w.T
    gate_wb = gate_w
    up_wb = up_w
    down_wb = down_w
    sin_wb = sin_w
    sout_wb = sout_w
    key_wb = key_w
    wvo = jax.lax.dot_general(
        out_w, val_w, (((1,), (0,)), ((), ())), preferred_element_type=F32)
    hcat = jnp.concatenate([
        hash_w.reshape(MEM_H * MEM_NBITS, D), gl_w, gm_w,
        jnp.zeros((128 - MEM_H * MEM_NBITS - 2, D), F32)], axis=0)
    hbias = jnp.concatenate([
        jnp.zeros((MEM_H * MEM_NBITS,), F32), gl_b, gm_b,
        jnp.zeros((128 - MEM_H * MEM_NBITS - 2,), F32)])[None, :]

    decay = jax.nn.sigmoid(decay_logit)
    i_ar = jnp.arange(TBLK)
    Lmat = jnp.where(i_ar[:, None] >= i_ar[None, :],
                     decay[:, None, None] ** (i_ar[:, None] - i_ar[None, :]),
                     0.0).astype(F32)
    dpow = (decay[:, None] ** (i_ar[None, :] + 1)).astype(F32)

    def full(shape):
        return pl.BlockSpec(shape, lambda i: tuple(0 for _ in shape))

    def rowblk(w):
        return pl.BlockSpec((TBLK, w), lambda i: (i, 0))

    b2 = pl.pallas_call(
        _pass0_body,
        grid=(NBLK,),
        in_specs=[rowblk(D), full((128, D))],
        out_specs=pl.BlockSpec((8, TBLK), lambda i: (0, i)),
        out_shape=jax.ShapeDtypeStruct((8, T), jnp.int32),
    )(xf, hcat)
    icols = _sc_route(b2.reshape(-1))

    acc, q, vvo, auxf = pl.pallas_call(
        _pass1_body,
        grid=(NBLK,),
        in_specs=[
            rowblk(D),
            full((CONV_K, D)), full((D, D)), full((1, D)),
            full((MLP_H, D)), full((1, MLP_H)),
            full((D, MLP_H)), full((1, D)),
            full((STATE_K * D, D)), full((D, STATE_K * D)),
            full((STATE_K, TBLK, TBLK)), full((STATE_K, TBLK)),
            full((MEM_KEY_DIM, D)), full((D, D)), full((128, D)), full((1, 128)),
        ],
        out_specs=[rowblk(D), rowblk(MEM_KEY_DIM), rowblk(D),
                   rowblk(128)],
        out_shape=[
            jax.ShapeDtypeStruct((T, D), F32),
            jax.ShapeDtypeStruct((T, MEM_KEY_DIM), BF16),
            jax.ShapeDtypeStruct((T, D), BF16),
            jax.ShapeDtypeStruct((T, 128), F32),
        ],
        scratch_shapes=[
            pltpu.VMEM((8, D), F32),
            pltpu.VMEM((8, D), F32),
        ],
    )(xf, conv_wT, gate_wb, gate_b[None, :], up_wb, up_b[None, :],
      down_wb, down_b[None, :], sin_wb, sout_wb, Lmat, dpow,
      key_wb, wvo, hcat, hbias)

    out = pl.pallas_call(
        _pass2b_body,
        grid=(NBLK,),
        in_specs=[pl.BlockSpec((8, TBLK), lambda i: (0, i)), rowblk(128),
                  full((T, MEM_KEY_DIM)), rowblk(D), full((T, D))],
        out_specs=rowblk(D),
        out_shape=jax.ShapeDtypeStruct((T, D), F32),
    )(icols, auxf, q, acc, vvo)

    return out[None]

# --- scband reference (transcript-rebuilt; emitter-appended) ---
"""Pipeline reference for scband-mosaic-block-layer-81844896792922 (READ-ONLY COPY).

The authoritative reference and input builder live on the scoring server;
editing this copy changes nothing except your own understanding.
"""

import math
import jax
import jax.numpy as jnp
import numpy as np

B, T, D = 1, 2048, 768
CONV_K = 7
STATE_K = 4
MLP_H = 1536
MEM_H = 2
MEM_NBITS = 12
MEM_BUCKETS = 4096
MEM_ASSOC = 4
MEM_KEY_DIM = 64
MEM_DIM = 768


def setup_inputs(seed: int = 0):
    key = jax.random.key(seed)
    ks = jax.random.split(key, 16)
    s = 0.02
    decays = np.exp(np.linspace(math.log(0.9), math.log(0.999), STATE_K))
    decay_logit = jnp.asarray(np.log(decays) - np.log1p(-decays), jnp.float32)
    return {
        "x": jax.random.normal(ks[0], (B, T, D), jnp.float32),
        "conv_w": jax.random.normal(ks[1], (D, CONV_K), jnp.float32) * s,
        "gate_w": jax.random.normal(ks[2], (D, D), jnp.float32) * s,
        "gate_b": jnp.zeros((D,), jnp.float32),
        "up_w": jax.random.normal(ks[3], (MLP_H, D), jnp.float32) * s,
        "up_b": jnp.zeros((MLP_H,), jnp.float32),
        "down_w": jax.random.normal(ks[4], (D, MLP_H), jnp.float32) * s,
        "down_b": jnp.zeros((D,), jnp.float32),
        "sin_w": jax.random.normal(ks[5], (STATE_K * D, D), jnp.float32) * s,
        "sout_w": jax.random.normal(ks[6], (D, STATE_K * D), jnp.float32) * s,
        "decay_logit": decay_logit,
        "gl_w": jax.random.normal(ks[7], (1, D), jnp.float32) * s,
        "gl_b": jnp.zeros((1,), jnp.float32),
        "gm_w": jax.random.normal(ks[8], (1, D), jnp.float32) * s,
        "gm_b": jnp.zeros((1,), jnp.float32),
        "key_w": jax.random.normal(ks[9], (MEM_KEY_DIM, D), jnp.float32) * s,
        "hash_w": jax.random.normal(ks[10], (MEM_H, MEM_NBITS, D), jnp.float32),
        "val_w": jax.random.normal(ks[11], (MEM_DIM, D), jnp.float32) * s,
        "out_w": jax.random.normal(ks[12], (D, MEM_DIM), jnp.float32) * s,
    }


def _forward(x, conv_w, gate_w, gate_b, up_w, up_b, down_w, down_b,
             sin_w, sout_w, decay_logit, gl_w, gl_b, gm_w, gm_b,
             key_w, hash_w, val_w, out_w):
    b, t, d = x.shape
    k = conv_w.shape[1]
    K = decay_logit.shape[0]
    H, NB, _ = hash_w.shape
    Bk = 2 ** NB
    A = MEM_ASSOC
    dk = key_w.shape[0]
    dv = val_w.shape[0]

    # RmsNorm(eps=1e-6), weightless
    u = x * jax.lax.rsqrt(jnp.mean(x * x, axis=-1, keepdims=True) + 1e-6)

    # Local mixer: causal depthwise conv + sigmoid gate + GELU MLP
    up_pad = jnp.pad(u, ((0, 0), (k - 1, 0), (0, 0)))
    v = jnp.zeros_like(u)
    for j in range(k):
        v = v + up_pad[:, j:j + t, :] * conv_w[:, j][None, None, :]
    g = jax.nn.sigmoid(u @ gate_w.T + gate_b)
    h = v * g
    local = jax.nn.gelu(h @ up_w.T + up_b) @ down_w.T + down_b

    # State bank: K decayed linear states, s_t = decay * s_{t-1} + z_t
    z = (u @ sin_w.T).reshape(b, t, K, d)
    decay = jax.nn.sigmoid(decay_logit)

    def step(s, zt):
        s2 = decay[None, :, None] * s + zt
        return s2, s2

    _, s_seq = jax.lax.scan(step, jnp.zeros((b, K, d), x.dtype), jnp.transpose(z, (1, 0, 2, 3)))
    long_out = jnp.transpose(s_seq, (1, 0, 2, 3)).reshape(b, t, K * d) @ sout_w.T

    # Hashed associative memory: LSH-bucket routing, scatter-write, gather + attend read
    hl = jnp.einsum('btd,hnd->bhtn', u, hash_w)
    bit_w = jnp.asarray([2 ** i for i in range(NB)], jnp.int32)
    bucket = jnp.sum((hl > 0).astype(jnp.int32) * bit_w, axis=-1)  # (B,H,T)
    slot = jnp.broadcast_to((jnp.arange(t, dtype=jnp.int32) % A)[None, None, :], (b, H, t))
    q = u @ key_w.T
    vv = u @ val_w.T
    kb = jnp.broadcast_to(q[:, None], (b, H, t, dk))
    vb = jnp.broadcast_to(vv[:, None], (b, H, t, dv))
    bi = jnp.arange(b)[:, None, None]
    hi = jnp.arange(H)[None, :, None]
    mem_k = jnp.zeros((b, H, Bk, A, dk), x.dtype).at[bi, hi, bucket, slot].set(kb)
    mem_v = jnp.zeros((b, H, Bk, A, dv), x.dtype).at[bi, hi, bucket, slot].set(vb)
    tarr = jnp.broadcast_to(jnp.arange(t, dtype=jnp.int32)[None, None, :], (b, H, t))
    mem_last = jnp.full((b, H, Bk, A), -1, jnp.int32).at[bi, hi, bucket, slot].set(tarr)

    k_read = mem_k[bi, hi, bucket]          # (B,H,T,A,dk)
    v_read = mem_v[bi, hi, bucket]          # (B,H,T,A,dv)
    valid = mem_last[bi, hi, bucket] >= 0   # (B,H,T,A)
    scores = jnp.einsum('btd,bhtad->bhta', q, k_read) / math.sqrt(dk)
    scores = jnp.where(valid, scores, -1e9)
    w = jax.nn.softmax(scores, axis=-1)
    read = jnp.einsum('bhta,bhtad->bhtd', w, v_read).mean(axis=1)
    mem_out = read @ out_w.T

    gl = jax.nn.sigmoid(u @ gl_w.T + gl_b)
    gm = jax.nn.sigmoid(u @ gm_w.T + gm_b)
    return x + local + gl * long_out + gm * mem_out


def reference(x, conv_w, gate_w, gate_b, up_w, up_b, down_w, down_b,
              sin_w, sout_w, decay_logit, gl_w, gl_b, gm_w, gm_b,
              key_w, hash_w, val_w, out_w):
    return _forward(x, conv_w, gate_w, gate_b, up_w, up_b, down_w, down_b,
                    sin_w, sout_w, decay_logit, gl_w, gl_b, gm_w, gm_b,
                    key_w, hash_w, val_w, out_w)

if __name__ == "__main__":
    import jax
    _d = setup_inputs()
    print(jax.jit(kernel)(*tuple(_d.values())))

</pallas_src>

<mosaic_0001>
#map = affine_map<(d0, d1) -> (0)>
#map1 = affine_map<(d0, d1) -> (0, 0)>
module attributes {stable_mosaic.version = 14 : i64} {
  func.func @_sc_route_body(%arg0: i32, %arg1: i32, %arg2: memref<16384xi32, #tpu.memory_space<hbm>>, %arg3: memref<8x2048xi32, #tpu.memory_space<hbm>>, %arg4: memref<16384xi32, #tpu.memory_space<vmem>>, %arg5: memref<4096xi32, #tpu.memory_space<vmem>>, %arg6: memref<2048xi32, #tpu.memory_space<vmem>>, %arg7: memref<!tpu.dma_semaphore, #tpu.memory_space<semaphore_mem>>) attributes {dimension_semantics = [#tpu.dimension_semantics<core_parallel>, #tpu.dimension_semantics<subcore_parallel>], iteration_bounds = array<i64: 2, 16>, scalar_prefetch = 0 : i64, scratch_operands = 4 : i64, tpu.core_type = #tpu.core_type<sc_vector_subcore>, window_params = [{transform_indices = #map}, {transform_indices = #map1}]} {
    %mul3A = arith.constant 2 : i32
    %mul3A_0 = arith.muli %arg1, %mul3A : i32
    %add3A = arith.addi %mul3A_0, %arg0 : i32
    %lt3A = arith.constant 8 : i32
    %lt3A_1 = arith.cmpi slt, %add3A, %lt3A : i32
    %convert_element_type3A = arith.extui %lt3A_1 : i1 to i32
    %cond3A = arith.constant 0 : i32
    %cond3A_2 = arith.cmpi ne, %convert_element_type3A, %cond3A : i32
    scf.if %cond3A_2 {
      %jit3A = arith.constant 4 : i32
      %div3A = arith.divsi %add3A, %jit3A : i32
      %sign3A = arith.constant 0 : i32
      %sign3A_3 = arith.cmpi sgt, %add3A, %sign3A : i32
      %sign3A_4 = arith.extui %sign3A_3 : i1 to i32
      %sign3A_5 = arith.constant 0 : i32
      %sign3A_6 = arith.cmpi slt, %add3A, %sign3A_5 : i32
      %sign3A_7 = arith.extui %sign3A_6 : i1 to i32
      %sign3A_8 = arith.subi %sign3A_4, %sign3A_7 : i32
      %sign3A_9 = arith.constant 0 : i32
      %sign3A_10 = arith.cmpi sgt, %jit3A, %sign3A_9 : i32
      %sign3A_11 = arith.extui %sign3A_10 : i1 to i32
      %sign3A_12 = arith.constant 0 : i32
      %sign3A_13 = arith.cmpi slt, %jit3A, %sign3A_12 : i32
      %sign3A_14 = arith.extui %sign3A_13 : i1 to i32
      %sign3A_15 = arith.subi %sign3A_11, %sign3A_14 : i32
      %ne3A = arith.cmpi ne, %sign3A_8, %sign3A_15 : i32
      %rem3A = arith.remsi %add3A, %jit3A : i32
      %ne3A_16 = arith.constant 0 : i32
      %ne3A_17 = arith.cmpi ne, %rem3A, %ne3A_16 : i32
      %and3A = arith.andi %ne3A, %ne3A_17 : i1
      %sub3A = arith.constant 1 : i32
      %sub3A_18 = arith.subi %div3A, %sub3A : i32
      %select_n3A = arith.select %and3A, %sub3A_18, %div3A : i32
      %jit3A_19 = arith.constant 4 : i32
      %eq3A = arith.constant 0 : i32
      %eq3A_20 = arith.cmpi eq, %jit3A_19, %eq3A : i32
      %jit3A_21 = arith.constant 1 : i32
      %select_n3A_22 = arith.select %eq3A_20, %jit3A_21, %jit3A_19 : i32
      %rem3A_23 = arith.remsi %add3A, %select_n3A_22 : i32
      %ne3A_24 = arith.constant 0 : i32
      %ne3A_25 = arith.cmpi ne, %rem3A_23, %ne3A_24 : i32
      %lt3A_26 = arith.constant 0 : i32
      %lt3A_27 = arith.cmpi slt, %rem3A_23, %lt3A_26 : i32
      %lt3A_28 = arith.constant 0 : i32
      %lt3A_29 = arith.cmpi slt, %select_n3A_22, %lt3A_28 : i32
      %ne3A_30 = arith.xori %lt3A_27, %lt3A_29 : i1
      %and3A_31 = arith.andi %ne3A_30, %ne3A_25 : i1
      %add3A_32 = arith.addi %rem3A_23, %select_n3A_22 : i32
      %select_n3A_33 = arith.select %and3A_31, %add3A_32, %rem3A_23 : i32
      "tpu.region"() ({
        %run_scoped3A = tpu.sem_alloc : memref<!tpu.dma_semaphore, #tpu.memory_space<semaphore_mem>>
        tpu.enqueue_dma source(%arg2 : memref<16384xi32, #tpu.memory_space<hbm>>) target(%arg4 : memref<16384xi32, #tpu.memory_space<vmem>>) target_semaphore(%run_scoped3A : memref<!tpu.dma_semaphore, #tpu.memory_space<semaphore_mem>>)
        tpu.wait_dma2 semaphore(%run_scoped3A : memref<!tpu.dma_semaphore, #tpu.memory_space<semaphore_mem>>) src(%arg2 : memref<16384xi32, #tpu.memory_space<hbm>>) dst(%arg4 : memref<16384xi32, #tpu.memory_space<vmem>>)
        tpu.yield
      }) : () -> ()
      %iota3A = tpu.iota {dimensions = array<i32: 0>} : vector<16xi32>
      %scan3A = arith.constant 0 : i32
      %scan3A_34 = arith.constant 0 : i32
      %scan3A_35 = arith.constant 256 : i32
      %scan3A_36 = arith.addi %scan3A_34, %scan3A_35 : i32
      %scan3A_37 = arith.constant 1 : i32
      scf.for %scan3A_51 = %scan3A_34 to %scan3A_36 step %scan3A_37  : i32 {
        %broadcast_in_dim3A = arith.constant -1 : i32
        %broadcast_in_dim3A_52 = vector.broadcast %broadcast_in_dim3A : i32 to vector<16xi32>
        %mul3A_53 = arith.constant 16 : i32
        %mul3A_54 = arith.muli %scan3A_51, %mul3A_53 : i32
        %swap3A = arith.index_cast %mul3A_54 : i32 to index
        %swap3A_55 = tpu.vector_load %arg5[%swap3A] {strides = array<i32>} : memref<4096xi32, #tpu.memory_space<vmem>>, vector<16xi32>,
        tpu.vector_store %arg5[%swap3A], %broadcast_in_dim3A_52 {strides = array<i32>} : memref<4096xi32, #tpu.memory_space<vmem>>, vector<16xi32>,
      }
      %scan3A_38 = arith.constant 256 : i32
      %scan3A_39 = arith.constant 0 : i32
      %scan3A_40 = arith.constant 0 : i32
      %scan3A_41 = arith.constant 32 : i32
      %scan3A_42 = arith.addi %scan3A_40, %scan3A_41 : i32
      %scan3A_43 = arith.constant 1 : i32
      scf.for %scan3A_51 = %scan3A_40 to %scan3A_42 step %scan3A_43  : i32 {
        %mul3A_52 = arith.constant 64 : i32
        %mul3A_53 = arith.muli %mul3A_52, %scan3A_51 : i32
        %add3A_54 = arith.addi %select_n3A_33, %mul3A_53 : i32
        %mul3A_55 = arith.constant 4 : i32
        %mul3A_56 = vector.broadcast %mul3A_55 : i32 to vector<16xi32>
        %mul3A_57 = arith.muli %mul3A_56, %iota3A : vector<16xi32>
        %add3A_58 = vector.broadcast %add3A_54 : i32 to vector<16xi32>
        %add3A_59 = arith.addi %add3A_58, %mul3A_57 : vector<16xi32>
        %mul3A_60 = arith.constant 16 : i32
        %mul3A_61 = arith.muli %scan3A_51, %mul3A_60 : i32
        %add3A_62 = vector.broadcast %mul3A_61 : i32 to vector<16xi32>
        %add3A_63 = arith.addi %add3A_62, %iota3A : vector<16xi32>
        %mul3A_64 = arith.constant 2048 : i32
        %mul3A_65 = arith.muli %select_n3A, %mul3A_64 : i32
        %add3A_66 = vector.broadcast %mul3A_65 : i32 to vector<16xi32>
        %add3A_67 = arith.addi %add3A_59, %add3A_66 : vector<16xi32>
        %gather3A = tpu.vector_load_idx %arg4[%add3A_67] : memref<16384xi32, #tpu.memory_space<vmem>>[vector<16xi32>], vector<16xi32>,
        %mul3A_68 = arith.constant 512 : i32
        %mul3A_69 = vector.broadcast %mul3A_68 : i32 to vector<16xi32>
        %mul3A_70 = arith.muli %gather3A, %mul3A_69 : vector<16xi32>
        %add3A_71 = arith.addi %mul3A_70, %add3A_63 : vector<16xi32>
        %masked_sort3A = arith.constant dense<true> : vector<16xi1>
        %masked_sort3A_72 = arith.constant -2147483648 : i32
        %masked_sort3A_73 = vector.broadcast %masked_sort3A_72 : i32 to vector<16xi32>
        %masked_sort3A_74 = arith.xori %add3A_71, %masked_sort3A_73 : vector<16xi32>
        %masked_sort3A_75, %masked_sort3A_76, %masked_sort3A_77 = tpu.sort %masked_sort3A_74, %add3A_59 masked %masked_sort3A : (vector<16xi32>, vector<16xi32>, vector<16xi1>) -> (vector<16xi1>, vector<16xi32>, vector<16xi32>)
        %masked_sort3A_78 = arith.xori %masked_sort3A_76, %masked_sort3A_73 : vector<16xi32>
        %shift_right_logical3A = arith.constant 9 : i32
        %shift_right_logical3A_79 = vector.broadcast %shift_right_logical3A : i32 to vector<16xi32>
        %shift_right_logical3A_80 = arith.shrui %masked_sort3A_78, %shift_right_logical3A_79 : vector<16xi32>
        %swap3A = arith.constant 0 : index
        %swap3A_81 = tpu.vector_load %arg6[%swap3A] {strides = array<i32>} : memref<2048xi32, #tpu.memory_space<vmem>>, vector<16xi32>,
        tpu.vector_store %arg6[%swap3A], %shift_right_logical3A_80 {strides = array<i32>} : memref<2048xi32, #tpu.memory_space<vmem>>, vector<16xi32>,
        %add3A_82 = arith.constant 1 : i32
        %add3A_83 = vector.broadcast %add3A_82 : i32 to vector<16xi32>
        %add3A_84 = arith.addi %iota3A, %add3A_83 : vector<16xi32>
        %min3A = arith.constant 15 : i32
        %min3A_85 = vector.broadcast %min3A : i32 to vector<16xi32>
        %min3A_86 = arith.minsi %add3A_84, %min3A_85 : vector<16xi32>
        %gather3A_87 = tpu.vector_load_idx %arg6[%min3A_86] : memref<2048xi32, #tpu.memory_space<vmem>>[vector<16xi32>], vector<16xi32>,
        %eq3A_88 = arith.constant 15 : i32
        %eq3A_89 = vector.broadcast %eq3A_88 : i32 to vector<16xi32>
        %eq3A_90 = arith.cmpi eq, %iota3A, %eq3A_89 : vector<16xi32>
        %ne3A_91 = arith.cmpi ne, %shift_right_logical3A_80, %gather3A_87 : vector<16xi32>
        %or3A = arith.ori %eq3A_90, %ne3A_91 : vector<16xi1>
        tpu.vector_store_idx %arg5[%shift_right_logical3A_80], %masked_sort3A_77 masked %or3A : memref<4096xi32, #tpu.memory_space<vmem>>[vector<16xi32>], vector<16xi32>, vector<16xi1>
      }
      %scan3A_44 = arith.constant 32 : i32
      %scan3A_45 = arith.constant 0 : i32
      %scan3A_46 = arith.constant 0 : i32
      %scan3A_47 = arith.constant 128 : i32
      %scan3A_48 = arith.addi %scan3A_46, %scan3A_47 : i32
      %scan3A_49 = arith.constant 1 : i32
      scf.for %scan3A_51 = %scan3A_46 to %scan3A_48 step %scan3A_49  : i32 {
        %mul3A_52 = arith.constant 16 : i32
        %mul3A_53 = arith.muli %scan3A_51, %mul3A_52 : i32
        %add3A_54 = vector.broadcast %mul3A_53 : i32 to vector<16xi32>
        %add3A_55 = arith.addi %add3A_54, %iota3A : vector<16xi32>
        %mul3A_56 = arith.constant 2048 : i32
        %mul3A_57 = arith.muli %select_n3A, %mul3A_56 : i32
        %add3A_58 = vector.broadcast %mul3A_57 : i32 to vector<16xi32>
        %add3A_59 = arith.addi %add3A_55, %add3A_58 : vector<16xi32>
        %gather3A = tpu.vector_load_idx %arg4[%add3A_59] : memref<16384xi32, #tpu.memory_space<vmem>>[vector<16xi32>], vector<16xi32>,
        %gather3A_60 = tpu.vector_load_idx %arg5[%gather3A] : memref<4096xi32, #tpu.memory_space<vmem>>[vector<16xi32>], vector<16xi32>,
        %mul3A_61 = arith.constant 16 : i32
        %mul3A_62 = arith.muli %scan3A_51, %mul3A_61 : i32
        %swap3A = arith.index_cast %mul3A_62 : i32 to index
        %swap3A_63 = tpu.vector_load %arg6[%swap3A] {strides = array<i32>} : memref<2048xi32, #tpu.memory_space<vmem>>, vector<16xi32>,
        tpu.vector_store %arg6[%swap3A], %gather3A_60 {strides = array<i32>} : memref<2048xi32, #tpu.memory_space<vmem>>, vector<16xi32>,
      }
      %scan3A_50 = arith.constant 128 : i32
      "tpu.region"() ({
        %run_scoped3A = tpu.sem_alloc : memref<!tpu.dma_semaphore, #tpu.memory_space<semaphore_mem>>
        %dma_start3A = arith.constant 0 : i32
        %dma_start3A_51 = tpu.memref_slice %arg3[%add3A, %dma_start3A] : memref<8x2048xi32, #tpu.memory_space<hbm>> -> memref<1x2048xi32, #tpu.memory_space<hbm>>
        %dma_start3A_52 = tpu.memref_squeeze %dma_start3A_51 : memref<1x2048xi32, #tpu.memory_space<hbm>> -> memref<2048xi32, #tpu.memory_space<hbm>>
        %dma_start3A_53 = arith.constant 0 : i32
        %dma_start3A_54 = tpu.memref_slice %arg3[%add3A, %dma_start3A_53] : memref<8x2048xi32, #tpu.memory_space<hbm>> -> memref<1x2048xi32, #tpu.memory_space<hbm>>
        %dma_start3A_55 = tpu.memref_squeeze %dma_start3A_54 : memref<1x2048xi32, #tpu.memory_space<hbm>> -> memref<2048xi32, #tpu.memory_space<hbm>>
        tpu.enqueue_dma source(%arg6 : memref<2048xi32, #tpu.memory_space<vmem>>) target(%dma_start3A_55 : memref<2048xi32, #tpu.memory_space<hbm>>) target_semaphore(%run_scoped3A : memref<!tpu.dma_semaphore, #tpu.memory_space<semaphore_mem>>)
        %dma_wait3A = arith.constant 0 : i32
        %dma_wait3A_56 = tpu.memref_slice %arg3[%add3A, %dma_wait3A] : memref<8x2048xi32, #tpu.memory_space<hbm>> -> memref<1x2048xi32, #tpu.memory_space<hbm>>
        %dma_wait3A_57 = tpu.memref_squeeze %dma_wait3A_56 : memref<1x2048xi32, #tpu.memory_space<hbm>> -> memref<2048xi32, #tpu.memory_space<hbm>>
        %dma_wait3A_58 = arith.constant 0 : i32
        %dma_wait3A_59 = tpu.memref_slice %arg3[%add3A, %dma_wait3A_58] : memref<8x2048xi32, #tpu.memory_space<hbm>> -> memref<1x2048xi32, #tpu.memory_space<hbm>>
        %dma_wait3A_60 = tpu.memref_squeeze %dma_wait3A_59 : memref<1x2048xi32, #tpu.memory_space<hbm>> -> memref<2048xi32, #tpu.memory_space<hbm>>
        tpu.wait_dma2 semaphore(%run_scoped3A : memref<!tpu.dma_semaphore, #tpu.memory_space<semaphore_mem>>) src(%arg6 : memref<2048xi32, #tpu.memory_space<vmem>>) dst(%dma_wait3A_60 : memref<2048xi32, #tpu.memory_space<hbm>>)
        tpu.yield
      }) : () -> ()
    } else {
    }
    return
  }
}

module attributes {stable_mosaic.version = 14 : i64} {
  func.func @_pass0_body(%arg0: i32, %arg1: memref<256x768xf32, #tpu.memory_space<vmem>>, %arg2: memref<128x768xf32, #tpu.memory_space<vmem>>, %arg3: memref<8x256xi32, #tpu.memory_space<vmem>>) attributes {dimension_semantics = [#tpu.dimension_semantics<arbitrary>], iteration_bounds = array<i64: 8>, scalar_prefetch = 0 : i64, scratch_operands = 0 : i64, tpu.core_type = #tpu.core_type<tc>, window_params = [{transform_indices = @transform_0, window_bounds = array<i64: 256, 768>}, {pipeline_mode = #tpu.pipeline_mode<synchronous>, transform_indices = @transform_1, window_bounds = array<i64: 128, 768>}, {transform_indices = @transform_2, window_bounds = array<i64: 8, 256>}]} {
    %get3A = arith.constant 0 : index
    %get3A_0 = arith.constant 0 : index
    %get3A_1 = vector.load %arg1[%get3A, %get3A_0] : memref<256x768xf32, #tpu.memory_space<vmem>>, vector<256x768xf32>
    %mul3A = arith.mulf %get3A_1, %get3A_1 : vector<256x768xf32>
    %reduce_sum3A = arith.constant dense<0.000000e+00> : vector<256xf32>
    %reduce_sum3A_2 = vector.multi_reduction <add>, %mul3A, %reduce_sum3A [1] : vector<256x768xf32> to vector<256xf32>
    %broadcast_in_dim3A = vector.shape_cast %reduce_sum3A_2 : vector<256xf32> to vector<256x1xf32>
    %div3A = arith.constant 7.680000e+02 : f32
    %div3A_3 = vector.broadcast %div3A : f32 to vector<256x1xf32>
    %div3A_4 = arith.divf %broadcast_in_dim3A, %div3A_3 : vector<256x1xf32>
    %add3A = arith.constant 9.99999997E-7 : f32
    %add3A_5 = vector.broadcast %add3A : f32 to vector<256x1xf32>
    %add3A_6 = arith.addf %div3A_4, %add3A_5 : vector<256x1xf32>
    %rsqrt3A = math.rsqrt %add3A_6 : vector<256x1xf32>
    %mul3A_7 = vector.broadcast %rsqrt3A : vector<256x1xf32> to vector<256x768xf32>
    %mul3A_8 = arith.mulf %get3A_1, %mul3A_7 : vector<256x768xf32>
    %get3A_9 = arith.constant 0 : index
    %get3A_10 = arith.constant 0 : index
    %get3A_11 = vector.load %arg2[%get3A_9, %get3A_10] : memref<128x768xf32, #tpu.memory_space<vmem>>, vector<128x768xf32>
    %dot_general3A = arith.constant dense<0.000000e+00> : vector<256x128xf32>
    %dot_general3A_12 = tpu.matmul %mul3A_8, %get3A_11, %dot_general3A {dimension_numbers = #tpu.dot_dimension_numbers<[1], [1], [0], [0], [0, 0, 1, 0], [], []>, transpose_lhs_hint = false} : vector<256x768xf32>, vector<128x768xf32>, vector<256x128xf32> -> vector<256x128xf32>
    %iota3A = tpu.iota {dimensions = array<i32: 1>} : vector<256x128xi32>
    %gt3A = arith.constant 0.000000e+00 : f32
    %gt3A_13 = vector.broadcast %gt3A : f32 to vector<256x128xf32>
    %gt3A_14 = arith.cmpf ogt, %dot_general3A_12, %gt3A_13 : vector<256x128xf32>
    %convert_element_type3A = arith.extui %gt3A_14 : vector<256x128xi1> to vector<256x128xi32>
    %lt3A = arith.constant 12 : i32
    %lt3A_15 = vector.broadcast %lt3A : i32 to vector<256x128xi32>
    %lt3A_16 = arith.cmpi slt, %iota3A, %lt3A_15 : vector<256x128xi32>
    %min3A = arith.constant 30 : i32
    %min3A_17 = vector.broadcast %min3A : i32 to vector<256x128xi32>
    %min3A_18 = arith.minsi %iota3A, %min3A_17 : vector<256x128xi32>
    %shift_left3A = arith.constant 1 : i32
    %shift_left3A_19 = vector.broadcast %shift_left3A : i32 to vector<256x128xi32>
    %shift_left3A_20 = arith.shli %shift_left3A_19, %min3A_18 : vector<256x128xi32>
    %jit3A = arith.constant 0 : i32
    %broadcast_in_dim3A_21 = vector.broadcast %jit3A : i32 to vector<256x128xi32>
    %select_n3A = arith.select %lt3A_16, %shift_left3A_20, %broadcast_in_dim3A_21 : vector<256x128xi1>, vector<256x128xi32>
    %ge3A = arith.constant 12 : i32
    %ge3A_22 = vector.broadcast %ge3A : i32 to vector<256x128xi32>
    %ge3A_23 = arith.cmpi sge, %iota3A, %ge3A_22 : vector<256x128xi32>
    %lt3A_24 = arith.constant 24 : i32
    %lt3A_25 = vector.broadcast %lt3A_24 : i32 to vector<256x128xi32>
    %lt3A_26 = arith.cmpi slt, %iota3A, %lt3A_25 : vector<256x128xi32>
    %and3A = arith.andi %ge3A_23, %lt3A_26 : vector<256x128xi1>
    %sub3A = arith.constant 12 : i32
    %sub3A_27 = vector.broadcast %sub3A : i32 to vector<256x128xi32>
    %sub3A_28 = arith.subi %iota3A, %sub3A_27 : vector<256x128xi32>
    %max3A = arith.constant 0 : i32
    %max3A_29 = vector.broadcast %max3A : i32 to vector<256x128xi32>
    %max3A_30 = arith.maxsi %sub3A_28, %max3A_29 : vector<256x128xi32>
    %min3A_31 = arith.constant 30 : i32
    %min3A_32 = vector.broadcast %min3A_31 : i32 to vector<256x128xi32>
    %min3A_33 = arith.minsi %max3A_30, %min3A_32 : vector<256x128xi32>
    %shift_left3A_34 = arith.constant 1 : i32
    %shift_left3A_35 = vector.broadcast %shift_left3A_34 : i32 to vector<256x128xi32>
    %shift_left3A_36 = arith.shli %shift_left3A_35, %min3A_33 : vector<256x128xi32>
    %jit3A_37 = arith.constant 0 : i32
    %broadcast_in_dim3A_38 = vector.broadcast %jit3A_37 : i32 to vector<256x128xi32>
    %select_n3A_39 = arith.select %and3A, %shift_left3A_36, %broadcast_in_dim3A_38 : vector<256x128xi1>, vector<256x128xi32>
    %mul3A_40 = arith.muli %convert_element_type3A, %select_n3A : vector<256x128xi32>
    %reduce_sum3A_41 = arith.constant dense<0> : vector<256xi32>
    %reduce_sum3A_42 = vector.multi_reduction <add>, %mul3A_40, %reduce_sum3A_41 [1] : vector<256x128xi32> to vector<256xi32>
    %broadcast_in_dim3A_43 = vector.shape_cast %reduce_sum3A_42 : vector<256xi32> to vector<256x1xi32>
    %mul3A_44 = arith.muli %convert_element_type3A, %select_n3A_39 : vector<256x128xi32>
    %reduce_sum3A_45 = arith.constant dense<0> : vector<256xi32>
    %reduce_sum3A_46 = vector.multi_reduction <add>, %mul3A_44, %reduce_sum3A_45 [1] : vector<256x128xi32> to vector<256xi32>
    %broadcast_in_dim3A_47 = vector.shape_cast %reduce_sum3A_46 : vector<256xi32> to vector<256x1xi32>
    %iota3A_48 = tpu.iota {dimensions = array<i32: 1>} : vector<256x8xi32>
    %eq3A = arith.constant 0 : i32
    %eq3A_49 = vector.broadcast %eq3A : i32 to vector<256x8xi32>
    %eq3A_50 = arith.cmpi eq, %iota3A_48, %eq3A_49 : vector<256x8xi32>
    %jit3A_51 = arith.constant 0 : i32
    %broadcast_in_dim3A_52 = vector.shape_cast %broadcast_in_dim3A_43 : vector<256x1xi32> to vector<256x1xi32>
    %broadcast_in_dim3A_53 = vector.broadcast %broadcast_in_dim3A_52 : vector<256x1xi32> to vector<256x8xi32>
    %broadcast_in_dim3A_54 = vector.broadcast %jit3A_51 : i32 to vector<256x8xi32>
    %select_n3A_55 = arith.select %eq3A_50, %broadcast_in_dim3A_53, %broadcast_in_dim3A_54 : vector<256x8xi1>, vector<256x8xi32>
    %eq3A_56 = arith.constant 1 : i32
    %eq3A_57 = vector.broadcast %eq3A_56 : i32 to vector<256x8xi32>
    %eq3A_58 = arith.cmpi eq, %iota3A_48, %eq3A_57 : vector<256x8xi32>
    %jit3A_59 = arith.constant 0 : i32
    %broadcast_in_dim3A_60 = vector.shape_cast %broadcast_in_dim3A_47 : vector<256x1xi32> to vector<256x1xi32>
    %broadcast_in_dim3A_61 = vector.broadcast %broadcast_in_dim3A_60 : vector<256x1xi32> to vector<256x8xi32>
    %broadcast_in_dim3A_62 = vector.broadcast %jit3A_59 : i32 to vector<256x8xi32>
    %select_n3A_63 = arith.select %eq3A_58, %broadcast_in_dim3A_61, %broadcast_in_dim3A_62 : vector<256x8xi1>, vector<256x8xi32>
    %add3A_64 = arith.addi %select_n3A_55, %select_n3A_63 : vector<256x8xi32>
    %convert_element_type3A_65 = arith.sitofp %add3A_64 : vector<256x8xi32> to vector<256x8xf32>
    %iota3A_66 = tpu.iota {dimensions = array<i32: 0>} : vector<256x256xi32>
    %iota3A_67 = tpu.iota {dimensions = array<i32: 1>} : vector<256x256xi32>
    %eq3A_68 = arith.cmpi eq, %iota3A_66, %iota3A_67 : vector<256x256xi32>
    %convert_element_type3A_69 = arith.extui %eq3A_68 : vector<256x256xi1> to vector<256x256xi32>
    %convert_element_type3A_70 = arith.sitofp %convert_element_type3A_69 : vector<256x256xi32> to vector<256x256xf32>
    %dot_general3A_71 = arith.constant dense<0.000000e+00> : vector<8x256xf32>
    %dot_general3A_72 = tpu.matmul %convert_element_type3A_65, %convert_element_type3A_70, %dot_general3A_71 {dimension_numbers = #tpu.dot_dimension_numbers<[0], [0], [1], [1], [0, 1, 1, 1], [], []>, precision = #tpu.contract_precision<fp32>, transpose_lhs_hint = false} : vector<256x8xf32>, vector<256x256xf32>, vector<8x256xf32> -> vector<8x256xf32>
    %convert_element_type3A_73 = arith.fptosi %dot_general3A_72 : vector<8x256xf32> to vector<8x256xi32>
    %swap3A = arith.constant 0 : index
    %swap3A_74 = arith.constant 0 : index
    %swap3A_75 = vector.load %arg3[%swap3A, %swap3A_74] : memref<8x256xi32, #tpu.memory_space<vmem>>, vector<8x256xi32>
    tpu.vector_store %arg3[%swap3A, %swap3A_74], %convert_element_type3A_73 {strides = array<i32>} : memref<8x256xi32, #tpu.memory_space<vmem>>, vector<8x256xi32>,
    return
  }
  func.func @transform_0(%arg0: i32) -> (i32, i32) {
    %c0_i32 = arith.constant 0 : i32
    %c0_i32_0 = arith.constant 0 : i32
    return %arg0, %c0_i32 : i32, i32
  }
  func.func @transform_1(%arg0: i32) -> (i32, i32) {
    %c0_i32 = arith.constant 0 : i32
    %c0_i32_0 = arith.constant 0 : i32
    %c0_i32_1 = arith.constant 0 : i32
    return %c0_i32, %c0_i32_0 : i32, i32
  }
  func.func @transform_2(%arg0: i32) -> (i32, i32) {
    %c0_i32 = arith.constant 0 : i32
    %c0_i32_0 = arith.constant 0 : i32
    return %c0_i32, %arg0 : i32, i32
  }
}

module attributes {stable_mosaic.version = 14 : i64} {
  func.func @_pass1_body(%arg0: i32, %arg1: memref<256x768xf32, #tpu.memory_space<vmem>>, %arg2: memref<7x768xf32, #tpu.memory_space<vmem>>, %arg3: memref<768x768xf32, #tpu.memory_space<vmem>>, %arg4: memref<1x768xf32, #tpu.memory_space<vmem>>, %arg5: memref<1536x768xf32, #tpu.memory_space<vmem>>, %arg6: memref<1x1536xf32, #tpu.memory_space<vmem>>, %arg7: memref<768x1536xf32, #tpu.memory_space<vmem>>, %arg8: memref<1x768xf32, #tpu.memory_space<vmem>>, %arg9: memref<3072x768xf32, #tpu.memory_space<vmem>>, %arg10: memref<768x3072xf32, #tpu.memory_space<vmem>>, %arg11: memref<4x256x256xf32, #tpu.memory_space<vmem>>, %arg12: memref<4x256xf32, #tpu.memory_space<vmem>>, %arg13: memref<64x768xf32, #tpu.memory_space<vmem>>, %arg14: memref<768x768xf32, #tpu.memory_space<vmem>>, %arg15: memref<128x768xf32, #tpu.memory_space<vmem>>, %arg16: memref<1x128xf32, #tpu.memory_space<vmem>>, %arg17: memref<256x768xf32, #tpu.memory_space<vmem>>, %arg18: memref<256x64xbf16, #tpu.memory_space<vmem>>, %arg19: memref<256x768xbf16, #tpu.memory_space<vmem>>, %arg20: memref<256x128xf32, #tpu.memory_space<vmem>>, %arg21: memref<8x768xf32, #tpu.memory_space<vmem>>, %arg22: memref<8x768xf32, #tpu.memory_space<vmem>>) attributes {dimension_semantics = [#tpu.dimension_semantics<arbitrary>], iteration_bounds = array<i64: 8>, scalar_prefetch = 0 : i64, scratch_operands = 2 : i64, tpu.core_type = #tpu.core_type<tc>, window_params = [{transform_indices = @transform_0, window_bounds = array<i64: 256, 768>}, {pipeline_mode = #tpu.pipeline_mode<synchronous>, transform_indices = @transform_1, window_bounds = array<i64: 7, 768>}, {pipeline_mode = #tpu.pipeline_mode<synchronous>, transform_indices = @transform_2, window_bounds = array<i64: 768, 768>}, {pipeline_mode = #tpu.pipeline_mode<synchronous>, transform_indices = @transform_3, window_bounds = array<i64: 1, 768>}, {pipeline_mode = #tpu.pipeline_mode<synchronous>, transform_indices = @transform_4, window_bounds = array<i64: 1536, 768>}, {pipeline_mode = #tpu.pipeline_mode<synchronous>, transform_indices = @transform_5, window_bounds = array<i64: 1, 1536>}, {pipeline_mode = #tpu.pipeline_mode<synchronous>, transform_indices = @transform_6, window_bounds = array<i64: 768, 1536>}, {pipeline_mode = #tpu.pipeline_mode<synchronous>, transform_indices = @transform_7, window_bounds = array<i64: 1, 768>}, {pipeline_mode = #tpu.pipeline_mode<synchronous>, transform_indices = @transform_8, window_bounds = array<i64: 3072, 768>}, {pipeline_mode = #tpu.pipeline_mode<synchronous>, transform_indices = @transform_9, window_bounds = array<i64: 768, 3072>}, {pipeline_mode = #tpu.pipeline_mode<synchronous>, transform_indices = @transform_10, window_bounds = array<i64: 4, 256, 256>}, {pipeline_mode = #tpu.pipeline_mode<synchronous>, transform_indices = @transform_11, window_bounds = array<i64: 4, 256>}, {pipeline_mode = #tpu.pipeline_mode<synchronous>, transform_indices = @transform_12, window_bounds = array<i64: 64, 768>}, {pipeline_mode = #tpu.pipeline_mode<synchronous>, transform_indices = @transform_13, window_bounds = array<i64: 768, 768>}, {pipeline_mode = #tpu.pipeline_mode<synchronous>, transform_indices = @transform_14, window_bounds = array<i64: 128, 768>}, {pipeline_mode = #tpu.pipeline_mode<synchronous>, transform_indices = @transform_15, window_bounds = array<i64: 1, 128>}, {transform_indices = @transform_16, window_bounds = array<i64: 256, 768>}, {transform_indices = @transform_17, window_bounds = array<i64: 256, 64>}, {transform_indices = @transform_18, window_bounds = array<i64: 256, 768>}, {transform_indices = @transform_19, window_bounds = array<i64: 256, 128>}]} {
    %get3A = arith.constant 0 : index
    %get3A_0 = arith.constant 0 : index
    %get3A_1 = vector.load %arg1[%get3A, %get3A_0] : memref<256x768xf32, #tpu.memory_space<vmem>>, vector<256x768xf32>
    %mul3A = arith.mulf %get3A_1, %get3A_1 : vector<256x768xf32>
    %reduce_sum3A = arith.constant dense<0.000000e+00> : vector<256xf32>
    %reduce_sum3A_2 = vector.multi_reduction <add>, %mul3A, %reduce_sum3A [1] : vector<256x768xf32> to vector<256xf32>
    %broadcast_in_dim3A = vector.shape_cast %reduce_sum3A_2 : vector<256xf32> to vector<256x1xf32>
    %div3A = arith.constant 7.680000e+02 : f32
    %div3A_3 = vector.broadcast %div3A : f32 to vector<256x1xf32>
    %div3A_4 = arith.divf %broadcast_in_dim3A, %div3A_3 : vector<256x1xf32>
    %add3A = arith.constant 9.99999997E-7 : f32
    %add3A_5 = vector.broadcast %add3A : f32 to vector<256x1xf32>
    %add3A_6 = arith.addf %div3A_4, %add3A_5 : vector<256x1xf32>
    %rsqrt3A = math.rsqrt %add3A_6 : vector<256x1xf32>
    %mul3A_7 = vector.broadcast %rsqrt3A : vector<256x1xf32> to vector<256x768xf32>
    %mul3A_8 = arith.mulf %get3A_1, %mul3A_7 : vector<256x768xf32>
    %eq3A = arith.constant 0 : i32
    %eq3A_9 = arith.cmpi eq, %arg0, %eq3A : i32
    %convert_element_type3A = arith.extui %eq3A_9 : i1 to i32
    %cond3A = arith.constant 0 : i32
    %cond3A_10 = arith.cmpi ne, %convert_element_type3A, %cond3A : i32
    scf.if %cond3A_10 {
      %broadcast_in_dim3A_343 = arith.constant 0.000000e+00 : f32
      %broadcast_in_dim3A_344 = vector.broadcast %broadcast_in_dim3A_343 : f32 to vector<8x768xf32>
      %swap3A_345 = arith.constant 0 : index
      %swap3A_346 = arith.constant 0 : index
      %swap3A_347 = vector.load %arg21[%swap3A_345, %swap3A_346] : memref<8x768xf32, #tpu.memory_space<vmem>>, vector<8x768xf32>
      tpu.vector_store %arg21[%swap3A_345, %swap3A_346], %broadcast_in_dim3A_344 {strides = array<i32>} : memref<8x768xf32, #tpu.memory_space<vmem>>, vector<8x768xf32>,
      %broadcast_in_dim3A_348 = arith.constant 0.000000e+00 : f32
      %broadcast_in_dim3A_349 = vector.broadcast %broadcast_in_dim3A_348 : f32 to vector<8x768xf32>
      %swap3A_350 = arith.constant 0 : index
      %swap3A_351 = arith.constant 0 : index
      %swap3A_352 = vector.load %arg22[%swap3A_350, %swap3A_351] : memref<8x768xf32, #tpu.memory_space<vmem>>, vector<8x768xf32>
      tpu.vector_store %arg22[%swap3A_350, %swap3A_351], %broadcast_in_dim3A_349 {strides = array<i32>} : memref<8x768xf32, #tpu.memory_space<vmem>>, vector<8x768xf32>,
    } else {
    }
    %get3A_11 = arith.constant 0 : index
    %get3A_12 = arith.constant 0 : index
    %get3A_13 = vector.load %arg21[%get3A_11, %get3A_12] : memref<8x768xf32, #tpu.memory_space<vmem>>, vector<8x768xf32>
    %concatenate3A = tpu.concatenate %get3A_13, %mul3A_8 in 0 : vector<8x768xf32>, vector<256x768xf32> -> vector<264x768xf32>
    %broadcast_in_dim3A_14 = arith.constant 0.000000e+00 : f32
    %broadcast_in_dim3A_15 = vector.broadcast %broadcast_in_dim3A_14 : f32 to vector<256x768xf32>
    %slice3A = vector.extract_strided_slice %concatenate3A {offsets = [2, 0], sizes = [256, 768], strides = [1, 1]} : vector<264x768xf32> to vector<256x768xf32>
    %get3A_16 = arith.constant 0 : index
    %get3A_17 = arith.constant 0 : index
    %get3A_18 = vector.load %arg2[%get3A_16, %get3A_17] : memref<7x768xf32, #tpu.memory_space<vmem>>, vector<1x768xf32>
    %get3A_19 = vector.shape_cast %get3A_18 : vector<1x768xf32> to vector<768xf32>
    %broadcast_in_dim3A_20 = vector.shape_cast %get3A_19 : vector<768xf32> to vector<1x768xf32>
    %mul3A_21 = vector.broadcast %broadcast_in_dim3A_20 : vector<1x768xf32> to vector<256x768xf32>
    %mul3A_22 = arith.mulf %slice3A, %mul3A_21 : vector<256x768xf32>
    %add3A_23 = arith.addf %broadcast_in_dim3A_15, %mul3A_22 : vector<256x768xf32>
    %slice3A_24 = vector.extract_strided_slice %concatenate3A {offsets = [3, 0], sizes = [256, 768], strides = [1, 1]} : vector<264x768xf32> to vector<256x768xf32>
    %get3A_25 = arith.constant 1 : index
    %get3A_26 = arith.constant 0 : index
    %get3A_27 = vector.load %arg2[%get3A_25, %get3A_26] : memref<7x768xf32, #tpu.memory_space<vmem>>, vector<1x768xf32>
    %get3A_28 = vector.shape_cast %get3A_27 : vector<1x768xf32> to vector<768xf32>
    %broadcast_in_dim3A_29 = vector.shape_cast %get3A_28 : vector<768xf32> to vector<1x768xf32>
    %mul3A_30 = vector.broadcast %broadcast_in_dim3A_29 : vector<1x768xf32> to vector<256x768xf32>
    %mul3A_31 = arith.mulf %slice3A_24, %mul3A_30 : vector<256x768xf32>
    %add3A_32 = arith.addf %add3A_23, %mul3A_31 : vector<256x768xf32>
    %slice3A_33 = vector.extract_strided_slice %concatenate3A {offsets = [4, 0], sizes = [256, 768], strides = [1, 1]} : vector<264x768xf32> to vector<256x768xf32>
    %get3A_34 = arith.constant 2 : index
    %get3A_35 = arith.constant 0 : index
    %get3A_36 = vector.load %arg2[%get3A_34, %get3A_35] : memref<7x768xf32, #tpu.memory_space<vmem>>, vector<1x768xf32>
    %get3A_37 = vector.shape_cast %get3A_36 : vector<1x768xf32> to vector<768xf32>
    %broadcast_in_dim3A_38 = vector.shape_cast %get3A_37 : vector<768xf32> to vector<1x768xf32>
    %mul3A_39 = vector.broadcast %broadcast_in_dim3A_38 : vector<1x768xf32> to vector<256x768xf32>
    %mul3A_40 = arith.mulf %slice3A_33, %mul3A_39 : vector<256x768xf32>
    %add3A_41 = arith.addf %add3A_32, %mul3A_40 : vector<256x768xf32>
    %slice3A_42 = vector.extract_strided_slice %concatenate3A {offsets = [5, 0], sizes = [256, 768], strides = [1, 1]} : vector<264x768xf32> to vector<256x768xf32>
    %get3A_43 = arith.constant 3 : index
    %get3A_44 = arith.constant 0 : index
    %get3A_45 = vector.load %arg2[%get3A_43, %get3A_44] : memref<7x768xf32, #tpu.memory_space<vmem>>, vector<1x768xf32>
    %get3A_46 = vector.shape_cast %get3A_45 : vector<1x768xf32> to vector<768xf32>
    %broadcast_in_dim3A_47 = vector.shape_cast %get3A_46 : vector<768xf32> to vector<1x768xf32>
    %mul3A_48 = vector.broadcast %broadcast_in_dim3A_47 : vector<1x768xf32> to vector<256x768xf32>
    %mul3A_49 = arith.mulf %slice3A_42, %mul3A_48 : vector<256x768xf32>
    %add3A_50 = arith.addf %add3A_41, %mul3A_49 : vector<256x768xf32>
    %slice3A_51 = vector.extract_strided_slice %concatenate3A {offsets = [6, 0], sizes = [256, 768], strides = [1, 1]} : vector<264x768xf32> to vector<256x768xf32>
    %get3A_52 = arith.constant 4 : index
    %get3A_53 = arith.constant 0 : index
    %get3A_54 = vector.load %arg2[%get3A_52, %get3A_53] : memref<7x768xf32, #tpu.memory_space<vmem>>, vector<1x768xf32>
    %get3A_55 = vector.shape_cast %get3A_54 : vector<1x768xf32> to vector<768xf32>
    %broadcast_in_dim3A_56 = vector.shape_cast %get3A_55 : vector<768xf32> to vector<1x768xf32>
    %mul3A_57 = vector.broadcast %broadcast_in_dim3A_56 : vector<1x768xf32> to vector<256x768xf32>
    %mul3A_58 = arith.mulf %slice3A_51, %mul3A_57 : vector<256x768xf32>
    %add3A_59 = arith.addf %add3A_50, %mul3A_58 : vector<256x768xf32>
    %slice3A_60 = vector.extract_strided_slice %concatenate3A {offsets = [7, 0], sizes = [256, 768], strides = [1, 1]} : vector<264x768xf32> to vector<256x768xf32>
    %get3A_61 = arith.constant 5 : index
    %get3A_62 = arith.constant 0 : index
    %get3A_63 = vector.load %arg2[%get3A_61, %get3A_62] : memref<7x768xf32, #tpu.memory_space<vmem>>, vector<1x768xf32>
    %get3A_64 = vector.shape_cast %get3A_63 : vector<1x768xf32> to vector<768xf32>
    %broadcast_in_dim3A_65 = vector.shape_cast %get3A_64 : vector<768xf32> to vector<1x768xf32>
    %mul3A_66 = vector.broadcast %broadcast_in_dim3A_65 : vector<1x768xf32> to vector<256x768xf32>
    %mul3A_67 = arith.mulf %slice3A_60, %mul3A_66 : vector<256x768xf32>
    %add3A_68 = arith.addf %add3A_59, %mul3A_67 : vector<256x768xf32>
    %slice3A_69 = vector.extract_strided_slice %concatenate3A {offsets = [8, 0], sizes = [256, 768], strides = [1, 1]} : vector<264x768xf32> to vector<256x768xf32>
    %get3A_70 = arith.constant 6 : index
    %get3A_71 = arith.constant 0 : index
    %get3A_72 = vector.load %arg2[%get3A_70, %get3A_71] : memref<7x768xf32, #tpu.memory_space<vmem>>, vector<1x768xf32>
    %get3A_73 = vector.shape_cast %get3A_72 : vector<1x768xf32> to vector<768xf32>
    %broadcast_in_dim3A_74 = vector.shape_cast %get3A_73 : vector<768xf32> to vector<1x768xf32>
    %mul3A_75 = vector.broadcast %broadcast_in_dim3A_74 : vector<1x768xf32> to vector<256x768xf32>
    %mul3A_76 = arith.mulf %slice3A_69, %mul3A_75 : vector<256x768xf32>
    %add3A_77 = arith.addf %add3A_68, %mul3A_76 : vector<256x768xf32>
    %slice3A_78 = vector.extract_strided_slice %mul3A_8 {offsets = [248, 0], sizes = [8, 768], strides = [1, 1]} : vector<256x768xf32> to vector<8x768xf32>
    %swap3A = arith.constant 0 : index
    %swap3A_79 = arith.constant 0 : index
    %swap3A_80 = vector.load %arg21[%swap3A, %swap3A_79] : memref<8x768xf32, #tpu.memory_space<vmem>>, vector<8x768xf32>
    tpu.vector_store %arg21[%swap3A, %swap3A_79], %slice3A_78 {strides = array<i32>} : memref<8x768xf32, #tpu.memory_space<vmem>>, vector<8x768xf32>,
    %get3A_81 = arith.constant 0 : index
    %get3A_82 = arith.constant 0 : index
    %get3A_83 = vector.load %arg3[%get3A_81, %get3A_82] : memref<768x768xf32, #tpu.memory_space<vmem>>, vector<768x768xf32>
    %dot_general3A = arith.constant dense<0.000000e+00> : vector<256x768xf32>
    %dot_general3A_84 = tpu.matmul %mul3A_8, %get3A_83, %dot_general3A {dimension_numbers = #tpu.dot_dimension_numbers<[1], [1], [0], [0], [0, 0, 1, 0], [], []>, transpose_lhs_hint = false} : vector<256x768xf32>, vector<768x768xf32>, vector<256x768xf32> -> vector<256x768xf32>
    %get3A_85 = arith.constant 0 : index
    %get3A_86 = arith.constant 0 : index
    %get3A_87 = vector.load %arg4[%get3A_85, %get3A_86] : memref<1x768xf32, #tpu.memory_space<vmem>>, vector<1x768xf32>
    %get3A_88 = vector.shape_cast %get3A_87 : vector<1x768xf32> to vector<768xf32>
    %broadcast_in_dim3A_89 = vector.shape_cast %get3A_88 : vector<768xf32> to vector<1x768xf32>
    %add3A_90 = vector.broadcast %broadcast_in_dim3A_89 : vector<1x768xf32> to vector<256x768xf32>
    %add3A_91 = arith.addf %dot_general3A_84, %add3A_90 : vector<256x768xf32>
    %logistic3A = arith.negf %add3A_91 : vector<256x768xf32>
    %logistic3A_92 = math.exp %logistic3A : vector<256x768xf32>
    %logistic3A_93 = arith.constant 1.000000e+00 : f32
    %logistic3A_94 = vector.broadcast %logistic3A_93 : f32 to vector<256x768xf32>
    %logistic3A_95 = arith.addf %logistic3A_94, %logistic3A_92 : vector<256x768xf32>
    %logistic3A_96 = arith.divf %logistic3A_94, %logistic3A_95 : vector<256x768xf32>
    %mul3A_97 = arith.mulf %add3A_77, %logistic3A_96 : vector<256x768xf32>
    %get3A_98 = arith.constant 0 : index
    %get3A_99 = arith.constant 0 : index
    %get3A_100 = vector.load %arg5[%get3A_98, %get3A_99] : memref<1536x768xf32, #tpu.memory_space<vmem>>, vector<1536x768xf32>
    %dot_general3A_101 = arith.constant dense<0.000000e+00> : vector<256x1536xf32>
    %dot_general3A_102 = tpu.matmul %mul3A_97, %get3A_100, %dot_general3A_101 {dimension_numbers = #tpu.dot_dimension_numbers<[1], [1], [0], [0], [0, 0, 1, 0], [], []>, transpose_lhs_hint = false} : vector<256x768xf32>, vector<1536x768xf32>, vector<256x1536xf32> -> vector<256x1536xf32>
    %get3A_103 = arith.constant 0 : index
    %get3A_104 = arith.constant 0 : index
    %get3A_105 = vector.load %arg6[%get3A_103, %get3A_104] : memref<1x1536xf32, #tpu.memory_space<vmem>>, vector<1x1536xf32>
    %get3A_106 = vector.shape_cast %get3A_105 : vector<1x1536xf32> to vector<1536xf32>
    %broadcast_in_dim3A_107 = vector.shape_cast %get3A_106 : vector<1536xf32> to vector<1x1536xf32>
    %add3A_108 = vector.broadcast %broadcast_in_dim3A_107 : vector<1x1536xf32> to vector<256x1536xf32>
    %add3A_109 = arith.addf %dot_general3A_102, %add3A_108 : vector<256x1536xf32>
    %integer_pow3A = arith.mulf %add3A_109, %add3A_109 : vector<256x1536xf32>
    %integer_pow3A_110 = arith.mulf %add3A_109, %integer_pow3A : vector<256x1536xf32>
    %mul3A_111 = arith.constant 4.471500e-02 : f32
    %mul3A_112 = vector.broadcast %mul3A_111 : f32 to vector<256x1536xf32>
    %mul3A_113 = arith.mulf %mul3A_112, %integer_pow3A_110 : vector<256x1536xf32>
    %add3A_114 = arith.addf %add3A_109, %mul3A_113 : vector<256x1536xf32>
    %mul3A_115 = arith.constant 0.797884583 : f32
    %mul3A_116 = vector.broadcast %mul3A_115 : f32 to vector<256x1536xf32>
    %mul3A_117 = arith.mulf %mul3A_116, %add3A_114 : vector<256x1536xf32>
    %tanh3A = math.tanh %mul3A_117 : vector<256x1536xf32>
    %add3A_118 = arith.constant 1.000000e+00 : f32
    %add3A_119 = vector.broadcast %add3A_118 : f32 to vector<256x1536xf32>
    %add3A_120 = arith.addf %add3A_119, %tanh3A : vector<256x1536xf32>
    %mul3A_121 = arith.constant 5.000000e-01 : f32
    %mul3A_122 = vector.broadcast %mul3A_121 : f32 to vector<256x1536xf32>
    %mul3A_123 = arith.mulf %mul3A_122, %add3A_120 : vector<256x1536xf32>
    %mul3A_124 = arith.mulf %add3A_109, %mul3A_123 : vector<256x1536xf32>
    %get3A_125 = arith.constant 0 : index
    %get3A_126 = arith.constant 0 : index
    %get3A_127 = vector.load %arg7[%get3A_125, %get3A_126] : memref<768x1536xf32, #tpu.memory_space<vmem>>, vector<768x1536xf32>
    %dot_general3A_128 = arith.constant dense<0.000000e+00> : vector<256x768xf32>
    %dot_general3A_129 = tpu.matmul %mul3A_124, %get3A_127, %dot_general3A_128 {dimension_numbers = #tpu.dot_dimension_numbers<[1], [1], [0], [0], [0, 0, 1, 0], [], []>, transpose_lhs_hint = false} : vector<256x1536xf32>, vector<768x1536xf32>, vector<256x768xf32> -> vector<256x768xf32>
    %get3A_130 = arith.constant 0 : index
    %get3A_131 = arith.constant 0 : index
    %get3A_132 = vector.load %arg8[%get3A_130, %get3A_131] : memref<1x768xf32, #tpu.memory_space<vmem>>, vector<1x768xf32>
    %get3A_133 = vector.shape_cast %get3A_132 : vector<1x768xf32> to vector<768xf32>
    %broadcast_in_dim3A_134 = vector.shape_cast %get3A_133 : vector<768xf32> to vector<1x768xf32>
    %add3A_135 = vector.broadcast %broadcast_in_dim3A_134 : vector<1x768xf32> to vector<256x768xf32>
    %add3A_136 = arith.addf %dot_general3A_129, %add3A_135 : vector<256x768xf32>
    %get3A_137 = arith.constant 0 : index
    %get3A_138 = arith.constant 0 : index
    %get3A_139 = vector.load %arg9[%get3A_137, %get3A_138] : memref<3072x768xf32, #tpu.memory_space<vmem>>, vector<3072x768xf32>
    %dot_general3A_140 = arith.constant dense<0.000000e+00> : vector<256x3072xf32>
    %dot_general3A_141 = tpu.matmul %mul3A_8, %get3A_139, %dot_general3A_140 {dimension_numbers = #tpu.dot_dimension_numbers<[1], [1], [0], [0], [0, 0, 1, 0], [], []>, transpose_lhs_hint = false} : vector<256x768xf32>, vector<3072x768xf32>, vector<256x3072xf32> -> vector<256x3072xf32>
    %broadcast_in_dim3A_142 = arith.constant 0.000000e+00 : f32
    %broadcast_in_dim3A_143 = vector.broadcast %broadcast_in_dim3A_142 : f32 to vector<256x768xf32>
    %slice3A_144 = vector.extract_strided_slice %dot_general3A_141 {offsets = [0, 0], sizes = [256, 768], strides = [1, 1]} : vector<256x3072xf32> to vector<256x768xf32>
    %get3A_145 = arith.constant 0 : index
    %get3A_146 = arith.constant 0 : index
    %get3A_147 = arith.constant 0 : index
    %get3A_148 = vector.load %arg11[%get3A_145, %get3A_146, %get3A_147] : memref<4x256x256xf32, #tpu.memory_space<vmem>>, vector<1x256x256xf32>
    %get3A_149 = vector.shape_cast %get3A_148 : vector<1x256x256xf32> to vector<256x256xf32>
    %dot_general3A_150 = arith.constant dense<0.000000e+00> : vector<256x768xf32>
    %dot_general3A_151 = tpu.matmul %get3A_149, %slice3A_144, %dot_general3A_150 {dimension_numbers = #tpu.dot_dimension_numbers<[1], [0], [0], [1], [0, 0, 1, 1], [], []>, transpose_lhs_hint = false} : vector<256x256xf32>, vector<256x768xf32>, vector<256x768xf32> -> vector<256x768xf32>
    %get3A_152 = arith.constant 0 : index
    %get3A_153 = arith.constant 0 : index
    %get3A_154 = vector.load %arg12[%get3A_152, %get3A_153] : memref<4x256xf32, #tpu.memory_space<vmem>>, vector<1x256xf32>
    %get3A_155 = vector.shape_cast %get3A_154 : vector<1x256xf32> to vector<256xf32>
    %broadcast_in_dim3A_156 = vector.shape_cast %get3A_155 : vector<256xf32> to vector<256x1xf32>
    %get3A_157 = arith.constant 0 : index
    %get3A_158 = arith.constant 0 : index
    %get3A_159 = vector.load %arg22[%get3A_157, %get3A_158] : memref<8x768xf32, #tpu.memory_space<vmem>>, vector<1x768xf32>
    %get3A_160 = vector.shape_cast %get3A_159 : vector<1x768xf32> to vector<768xf32>
    %broadcast_in_dim3A_161 = vector.shape_cast %get3A_160 : vector<768xf32> to vector<1x768xf32>
    %mul3A_162 = vector.broadcast %broadcast_in_dim3A_156 : vector<256x1xf32> to vector<256x768xf32>
    %mul3A_163 = vector.broadcast %broadcast_in_dim3A_161 : vector<1x768xf32> to vector<256x768xf32>
    %mul3A_164 = arith.mulf %mul3A_162, %mul3A_163 : vector<256x768xf32>
    %add3A_165 = arith.addf %dot_general3A_151, %mul3A_164 : vector<256x768xf32>
    %get3A_166 = arith.constant 0 : index
    %get3A_167 = arith.constant 0 : index
    %get3A_168 = vector.load %arg10[%get3A_166, %get3A_167] : memref<768x3072xf32, #tpu.memory_space<vmem>>, vector<768x768xf32>
    %dot_general3A_169 = arith.constant dense<0.000000e+00> : vector<256x768xf32>
    %dot_general3A_170 = tpu.matmul %add3A_165, %get3A_168, %dot_general3A_169 {dimension_numbers = #tpu.dot_dimension_numbers<[1], [1], [0], [0], [0, 0, 1, 0], [], []>, transpose_lhs_hint = false} : vector<256x768xf32>, vector<768x768xf32>, vector<256x768xf32> -> vector<256x768xf32>
    %add3A_171 = arith.addf %broadcast_in_dim3A_143, %dot_general3A_170 : vector<256x768xf32>
    %slice3A_172 = vector.extract_strided_slice %add3A_165 {offsets = [255, 0], sizes = [1, 768], strides = [1, 1]} : vector<256x768xf32> to vector<1x768xf32>
    %squeeze3A = vector.shape_cast %slice3A_172 : vector<1x768xf32> to vector<768xf32>
    %swap3A_173 = arith.constant 0 : index
    %swap3A_174 = arith.constant 0 : index
    %swap3A_175 = vector.load %arg22[%swap3A_173, %swap3A_174] : memref<8x768xf32, #tpu.memory_space<vmem>>, vector<1x768xf32>
    %swap3A_176 = vector.shape_cast %swap3A_175 : vector<1x768xf32> to vector<768xf32>
    %swap3A_177 = vector.shape_cast %squeeze3A : vector<768xf32> to vector<1x768xf32>
    tpu.vector_store %arg22[%swap3A_173, %swap3A_174], %swap3A_177 {strides = array<i32>} : memref<8x768xf32, #tpu.memory_space<vmem>>, vector<1x768xf32>,
    %slice3A_178 = vector.extract_strided_slice %dot_general3A_141 {offsets = [0, 768], sizes = [256, 768], strides = [1, 1]} : vector<256x3072xf32> to vector<256x768xf32>
    %get3A_179 = arith.constant 1 : index
    %get3A_180 = arith.constant 0 : index
    %get3A_181 = arith.constant 0 : index
    %get3A_182 = vector.load %arg11[%get3A_179, %get3A_180, %get3A_181] : memref<4x256x256xf32, #tpu.memory_space<vmem>>, vector<1x256x256xf32>
    %get3A_183 = vector.shape_cast %get3A_182 : vector<1x256x256xf32> to vector<256x256xf32>
    %dot_general3A_184 = arith.constant dense<0.000000e+00> : vector<256x768xf32>
    %dot_general3A_185 = tpu.matmul %get3A_183, %slice3A_178, %dot_general3A_184 {dimension_numbers = #tpu.dot_dimension_numbers<[1], [0], [0], [1], [0, 0, 1, 1], [], []>, transpose_lhs_hint = false} : vector<256x256xf32>, vector<256x768xf32>, vector<256x768xf32> -> vector<256x768xf32>
    %get3A_186 = arith.constant 1 : index
    %get3A_187 = arith.constant 0 : index
    %get3A_188 = vector.load %arg12[%get3A_186, %get3A_187] : memref<4x256xf32, #tpu.memory_space<vmem>>, vector<1x256xf32>
    %get3A_189 = vector.shape_cast %get3A_188 : vector<1x256xf32> to vector<256xf32>
    %broadcast_in_dim3A_190 = vector.shape_cast %get3A_189 : vector<256xf32> to vector<256x1xf32>
    %get3A_191 = arith.constant 1 : index
    %get3A_192 = arith.constant 0 : index
    %get3A_193 = vector.load %arg22[%get3A_191, %get3A_192] : memref<8x768xf32, #tpu.memory_space<vmem>>, vector<1x768xf32>
    %get3A_194 = vector.shape_cast %get3A_193 : vector<1x768xf32> to vector<768xf32>
    %broadcast_in_dim3A_195 = vector.shape_cast %get3A_194 : vector<768xf32> to vector<1x768xf32>
    %mul3A_196 = vector.broadcast %broadcast_in_dim3A_190 : vector<256x1xf32> to vector<256x768xf32>
    %mul3A_197 = vector.broadcast %broadcast_in_dim3A_195 : vector<1x768xf32> to vector<256x768xf32>
    %mul3A_198 = arith.mulf %mul3A_196, %mul3A_197 : vector<256x768xf32>
    %add3A_199 = arith.addf %dot_general3A_185, %mul3A_198 : vector<256x768xf32>
    %get3A_200 = arith.constant 0 : index
    %get3A_201 = arith.constant 768 : index
    %get3A_202 = vector.load %arg10[%get3A_200, %get3A_201] : memref<768x3072xf32, #tpu.memory_space<vmem>>, vector<768x768xf32>
    %dot_general3A_203 = arith.constant dense<0.000000e+00> : vector<256x768xf32>
    %dot_general3A_204 = tpu.matmul %add3A_199, %get3A_202, %dot_general3A_203 {dimension_numbers = #tpu.dot_dimension_numbers<[1], [1], [0], [0], [0, 0, 1, 0], [], []>, transpose_lhs_hint = false} : vector<256x768xf32>, vector<768x768xf32>, vector<256x768xf32> -> vector<256x768xf32>
    %add3A_205 = arith.addf %add3A_171, %dot_general3A_204 : vector<256x768xf32>
    %slice3A_206 = vector.extract_strided_slice %add3A_199 {offsets = [255, 0], sizes = [1, 768], strides = [1, 1]} : vector<256x768xf32> to vector<1x768xf32>
    %squeeze3A_207 = vector.shape_cast %slice3A_206 : vector<1x768xf32> to vector<768xf32>
    %swap3A_208 = arith.constant 1 : index
    %swap3A_209 = arith.constant 0 : index
    %swap3A_210 = vector.load %arg22[%swap3A_208, %swap3A_209] : memref<8x768xf32, #tpu.memory_space<vmem>>, vector<1x768xf32>
    %swap3A_211 = vector.shape_cast %swap3A_210 : vector<1x768xf32> to vector<768xf32>
    %swap3A_212 = vector.shape_cast %squeeze3A_207 : vector<768xf32> to vector<1x768xf32>
    tpu.vector_store %arg22[%swap3A_208, %swap3A_209], %swap3A_212 {strides = array<i32>} : memref<8x768xf32, #tpu.memory_space<vmem>>, vector<1x768xf32>,
    %slice3A_213 = vector.extract_strided_slice %dot_general3A_141 {offsets = [0, 1536], sizes = [256, 768], strides = [1, 1]} : vector<256x3072xf32> to vector<256x768xf32>
    %get3A_214 = arith.constant 2 : index
    %get3A_215 = arith.constant 0 : index
    %get3A_216 = arith.constant 0 : index
    %get3A_217 = vector.load %arg11[%get3A_214, %get3A_215, %get3A_216] : memref<4x256x256xf32, #tpu.memory_space<vmem>>, vector<1x256x256xf32>
    %get3A_218 = vector.shape_cast %get3A_217 : vector<1x256x256xf32> to vector<256x256xf32>
    %dot_general3A_219 = arith.constant dense<0.000000e+00> : vector<256x768xf32>
    %dot_general3A_220 = tpu.matmul %get3A_218, %slice3A_213, %dot_general3A_219 {dimension_numbers = #tpu.dot_dimension_numbers<[1], [0], [0], [1], [0, 0, 1, 1], [], []>, transpose_lhs_hint = false} : vector<256x256xf32>, vector<256x768xf32>, vector<256x768xf32> -> vector<256x768xf32>
    %get3A_221 = arith.constant 2 : index
    %get3A_222 = arith.constant 0 : index
    %get3A_223 = vector.load %arg12[%get3A_221, %get3A_222] : memref<4x256xf32, #tpu.memory_space<vmem>>, vector<1x256xf32>
    %get3A_224 = vector.shape_cast %get3A_223 : vector<1x256xf32> to vector<256xf32>
    %broadcast_in_dim3A_225 = vector.shape_cast %get3A_224 : vector<256xf32> to vector<256x1xf32>
    %get3A_226 = arith.constant 2 : index
    %get3A_227 = arith.constant 0 : index
    %get3A_228 = vector.load %arg22[%get3A_226, %get3A_227] : memref<8x768xf32, #tpu.memory_space<vmem>>, vector<1x768xf32>
    %get3A_229 = vector.shape_cast %get3A_228 : vector<1x768xf32> to vector<768xf32>
    %broadcast_in_dim3A_230 = vector.shape_cast %get3A_229 : vector<768xf32> to vector<1x768xf32>
    %mul3A_231 = vector.broadcast %broadcast_in_dim3A_225 : vector<256x1xf32> to vector<256x768xf32>
    %mul3A_232 = vector.broadcast %broadcast_in_dim3A_230 : vector<1x768xf32> to vector<256x768xf32>
    %mul3A_233 = arith.mulf %mul3A_231, %mul3A_232 : vector<256x768xf32>
    %add3A_234 = arith.addf %dot_general3A_220, %mul3A_233 : vector<256x768xf32>
    %get3A_235 = arith.constant 0 : index
    %get3A_236 = arith.constant 1536 : index
    %get3A_237 = vector.load %arg10[%get3A_235, %get3A_236] : memref<768x3072xf32, #tpu.memory_space<vmem>>, vector<768x768xf32>
    %dot_general3A_238 = arith.constant dense<0.000000e+00> : vector<256x768xf32>
    %dot_general3A_239 = tpu.matmul %add3A_234, %get3A_237, %dot_general3A_238 {dimension_numbers = #tpu.dot_dimension_numbers<[1], [1], [0], [0], [0, 0, 1, 0], [], []>, transpose_lhs_hint = false} : vector<256x768xf32>, vector<768x768xf32>, vector<256x768xf32> -> vector<256x768xf32>
    %add3A_240 = arith.addf %add3A_205, %dot_general3A_239 : vector<256x768xf32>
    %slice3A_241 = vector.extract_strided_slice %add3A_234 {offsets = [255, 0], sizes = [1, 768], strides = [1, 1]} : vector<256x768xf32> to vector<1x768xf32>
    %squeeze3A_242 = vector.shape_cast %slice3A_241 : vector<1x768xf32> to vector<768xf32>
    %swap3A_243 = arith.constant 2 : index
    %swap3A_244 = arith.constant 0 : index
    %swap3A_245 = vector.load %arg22[%swap3A_243, %swap3A_244] : memref<8x768xf32, #tpu.memory_space<vmem>>, vector<1x768xf32>
    %swap3A_246 = vector.shape_cast %swap3A_245 : vector<1x768xf32> to vector<768xf32>
    %swap3A_247 = vector.shape_cast %squeeze3A_242 : vector<768xf32> to vector<1x768xf32>
    tpu.vector_store %arg22[%swap3A_243, %swap3A_244], %swap3A_247 {strides = array<i32>} : memref<8x768xf32, #tpu.memory_space<vmem>>, vector<1x768xf32>,
    %slice3A_248 = vector.extract_strided_slice %dot_general3A_141 {offsets = [0, 2304], sizes = [256, 768], strides = [1, 1]} : vector<256x3072xf32> to vector<256x768xf32>
    %get3A_249 = arith.constant 3 : index
    %get3A_250 = arith.constant 0 : index
    %get3A_251 = arith.constant 0 : index
    %get3A_252 = vector.load %arg11[%get3A_249, %get3A_250, %get3A_251] : memref<4x256x256xf32, #tpu.memory_space<vmem>>, vector<1x256x256xf32>
    %get3A_253 = vector.shape_cast %get3A_252 : vector<1x256x256xf32> to vector<256x256xf32>
    %dot_general3A_254 = arith.constant dense<0.000000e+00> : vector<256x768xf32>
    %dot_general3A_255 = tpu.matmul %get3A_253, %slice3A_248, %dot_general3A_254 {dimension_numbers = #tpu.dot_dimension_numbers<[1], [0], [0], [1], [0, 0, 1, 1], [], []>, transpose_lhs_hint = false} : vector<256x256xf32>, vector<256x768xf32>, vector<256x768xf32> -> vector<256x768xf32>
    %get3A_256 = arith.constant 3 : index
    %get3A_257 = arith.constant 0 : index
    %get3A_258 = vector.load %arg12[%get3A_256, %get3A_257] : memref<4x256xf32, #tpu.memory_space<vmem>>, vector<1x256xf32>
    %get3A_259 = vector.shape_cast %get3A_258 : vector<1x256xf32> to vector<256xf32>
    %broadcast_in_dim3A_260 = vector.shape_cast %get3A_259 : vector<256xf32> to vector<256x1xf32>
    %get3A_261 = arith.constant 3 : index
    %get3A_262 = arith.constant 0 : index
    %get3A_263 = vector.load %arg22[%get3A_261, %get3A_262] : memref<8x768xf32, #tpu.memory_space<vmem>>, vector<1x768xf32>
    %get3A_264 = vector.shape_cast %get3A_263 : vector<1x768xf32> to vector<768xf32>
    %broadcast_in_dim3A_265 = vector.shape_cast %get3A_264 : vector<768xf32> to vector<1x768xf32>
    %mul3A_266 = vector.broadcast %broadcast_in_dim3A_260 : vector<256x1xf32> to vector<256x768xf32>
    %mul3A_267 = vector.broadcast %broadcast_in_dim3A_265 : vector<1x768xf32> to vector<256x768xf32>
    %mul3A_268 = arith.mulf %mul3A_266, %mul3A_267 : vector<256x768xf32>
    %add3A_269 = arith.addf %dot_general3A_255, %mul3A_268 : vector<256x768xf32>
    %get3A_270 = arith.constant 0 : index
    %get3A_271 = arith.constant 2304 : index
    %get3A_272 = vector.load %arg10[%get3A_270, %get3A_271] : memref<768x3072xf32, #tpu.memory_space<vmem>>, vector<768x768xf32>
    %dot_general3A_273 = arith.constant dense<0.000000e+00> : vector<256x768xf32>
    %dot_general3A_274 = tpu.matmul %add3A_269, %get3A_272, %dot_general3A_273 {dimension_numbers = #tpu.dot_dimension_numbers<[1], [1], [0], [0], [0, 0, 1, 0], [], []>, transpose_lhs_hint = false} : vector<256x768xf32>, vector<768x768xf32>, vector<256x768xf32> -> vector<256x768xf32>
    %add3A_275 = arith.addf %add3A_240, %dot_general3A_274 : vector<256x768xf32>
    %slice3A_276 = vector.extract_strided_slice %add3A_269 {offsets = [255, 0], sizes = [1, 768], strides = [1, 1]} : vector<256x768xf32> to vector<1x768xf32>
    %squeeze3A_277 = vector.shape_cast %slice3A_276 : vector<1x768xf32> to vector<768xf32>
    %swap3A_278 = arith.constant 3 : index
    %swap3A_279 = arith.constant 0 : index
    %swap3A_280 = vector.load %arg22[%swap3A_278, %swap3A_279] : memref<8x768xf32, #tpu.memory_space<vmem>>, vector<1x768xf32>
    %swap3A_281 = vector.shape_cast %swap3A_280 : vector<1x768xf32> to vector<768xf32>
    %swap3A_282 = vector.shape_cast %squeeze3A_277 : vector<768xf32> to vector<1x768xf32>
    tpu.vector_store %arg22[%swap3A_278, %swap3A_279], %swap3A_282 {strides = array<i32>} : memref<8x768xf32, #tpu.memory_space<vmem>>, vector<1x768xf32>,
    %get3A_283 = arith.constant 0 : index
    %get3A_284 = arith.constant 0 : index
    %get3A_285 = vector.load %arg15[%get3A_283, %get3A_284] : memref<128x768xf32, #tpu.memory_space<vmem>>, vector<128x768xf32>
    %dot_general3A_286 = arith.constant dense<0.000000e+00> : vector<256x128xf32>
    %dot_general3A_287 = tpu.matmul %mul3A_8, %get3A_285, %dot_general3A_286 {dimension_numbers = #tpu.dot_dimension_numbers<[1], [1], [0], [0], [0, 0, 1, 0], [], []>, transpose_lhs_hint = false} : vector<256x768xf32>, vector<128x768xf32>, vector<256x128xf32> -> vector<256x128xf32>
    %get3A_288 = arith.constant 0 : index
    %get3A_289 = arith.constant 0 : index
    %get3A_290 = vector.load %arg16[%get3A_288, %get3A_289] : memref<1x128xf32, #tpu.memory_space<vmem>>, vector<1x128xf32>
    %get3A_291 = vector.shape_cast %get3A_290 : vector<1x128xf32> to vector<128xf32>
    %broadcast_in_dim3A_292 = vector.shape_cast %get3A_291 : vector<128xf32> to vector<1x128xf32>
    %add3A_293 = vector.broadcast %broadcast_in_dim3A_292 : vector<1x128xf32> to vector<256x128xf32>
    %add3A_294 = arith.addf %dot_general3A_287, %add3A_293 : vector<256x128xf32>
    %iota3A = tpu.iota {dimensions = array<i32: 1>} : vector<256x128xi32>
    %slice3A_295 = vector.extract_strided_slice %add3A_294 {offsets = [0, 24], sizes = [256, 1], strides = [1, 1]} : vector<256x128xf32> to vector<256x1xf32>
    %logistic3A_296 = arith.negf %slice3A_295 : vector<256x1xf32>
    %logistic3A_297 = math.exp %logistic3A_296 : vector<256x1xf32>
    %logistic3A_298 = arith.constant 1.000000e+00 : f32
    %logistic3A_299 = vector.broadcast %logistic3A_298 : f32 to vector<256x1xf32>
    %logistic3A_300 = arith.addf %logistic3A_299, %logistic3A_297 : vector<256x1xf32>
    %logistic3A_301 = arith.divf %logistic3A_299, %logistic3A_300 : vector<256x1xf32>
    %slice3A_302 = vector.extract_strided_slice %add3A_294 {offsets = [0, 25], sizes = [256, 1], strides = [1, 1]} : vector<256x128xf32> to vector<256x1xf32>
    %logistic3A_303 = arith.negf %slice3A_302 : vector<256x1xf32>
    %logistic3A_304 = math.exp %logistic3A_303 : vector<256x1xf32>
    %logistic3A_305 = arith.constant 1.000000e+00 : f32
    %logistic3A_306 = vector.broadcast %logistic3A_305 : f32 to vector<256x1xf32>
    %logistic3A_307 = arith.addf %logistic3A_306, %logistic3A_304 : vector<256x1xf32>
    %logistic3A_308 = arith.divf %logistic3A_306, %logistic3A_307 : vector<256x1xf32>
    %add3A_309 = arith.addf %get3A_1, %add3A_136 : vector<256x768xf32>
    %mul3A_310 = vector.broadcast %logistic3A_301 : vector<256x1xf32> to vector<256x768xf32>
    %mul3A_311 = arith.mulf %mul3A_310, %add3A_275 : vector<256x768xf32>
    %add3A_312 = arith.addf %add3A_309, %mul3A_311 : vector<256x768xf32>
    %swap3A_313 = arith.constant 0 : index
    %swap3A_314 = arith.constant 0 : index
    %swap3A_315 = vector.load %arg17[%swap3A_313, %swap3A_314] : memref<256x768xf32, #tpu.memory_space<vmem>>, vector<256x768xf32>
    tpu.vector_store %arg17[%swap3A_313, %swap3A_314], %add3A_312 {strides = array<i32>} : memref<256x768xf32, #tpu.memory_space<vmem>>, vector<256x768xf32>,
    %get3A_316 = arith.constant 0 : index
    %get3A_317 = arith.constant 0 : index
    %get3A_318 = vector.load %arg13[%get3A_316, %get3A_317] : memref<64x768xf32, #tpu.memory_space<vmem>>, vector<64x768xf32>
    %dot_general3A_319 = arith.constant dense<0.000000e+00> : vector<256x64xf32>
    %dot_general3A_320 = tpu.matmul %mul3A_8, %get3A_318, %dot_general3A_319 {dimension_numbers = #tpu.dot_dimension_numbers<[1], [1], [0], [0], [0, 0, 1, 0], [], []>, transpose_lhs_hint = false} : vector<256x768xf32>, vector<64x768xf32>, vector<256x64xf32> -> vector<256x64xf32>
    %convert_element_type3A_321 = arith.truncf %dot_general3A_320 : vector<256x64xf32> to vector<256x64xbf16>
    %swap3A_322 = arith.constant 0 : index
    %swap3A_323 = arith.constant 0 : index
    %swap3A_324 = vector.load %arg18[%swap3A_322, %swap3A_323] : memref<256x64xbf16, #tpu.memory_space<vmem>>, vector<256x64xbf16>
    tpu.vector_store %arg18[%swap3A_322, %swap3A_323], %convert_element_type3A_321 {strides = array<i32>} : memref<256x64xbf16, #tpu.memory_space<vmem>>, vector<256x64xbf16>,
    %get3A_325 = arith.constant 0 : index
    %get3A_326 = arith.constant 0 : index
    %get3A_327 = vector.load %arg14[%get3A_325, %get3A_326] : memref<768x768xf32, #tpu.memory_space<vmem>>, vector<768x768xf32>
    %dot_general3A_328 = arith.constant dense<0.000000e+00> : vector<256x768xf32>
    %dot_general3A_329 = tpu.matmul %mul3A_8, %get3A_327, %dot_general3A_328 {dimension_numbers = #tpu.dot_dimension_numbers<[1], [1], [0], [0], [0, 0, 1, 0], [], []>, transpose_lhs_hint = false} : vector<256x768xf32>, vector<768x768xf32>, vector<256x768xf32> -> vector<256x768xf32>
    %convert_element_type3A_330 = arith.truncf %dot_general3A_329 : vector<256x768xf32> to vector<256x768xbf16>
    %swap3A_331 = arith.constant 0 : index
    %swap3A_332 = arith.constant 0 : index
    %swap3A_333 = vector.load %arg19[%swap3A_331, %swap3A_332] : memref<256x768xbf16, #tpu.memory_space<vmem>>, vector<256x768xbf16>
    tpu.vector_store %arg19[%swap3A_331, %swap3A_332], %convert_element_type3A_330 {strides = array<i32>} : memref<256x768xbf16, #tpu.memory_space<vmem>>, vector<256x768xbf16>,
    %eq3A_334 = arith.constant 0 : i32
    %eq3A_335 = vector.broadcast %eq3A_334 : i32 to vector<256x128xi32>
    %eq3A_336 = arith.cmpi eq, %iota3A, %eq3A_335 : vector<256x128xi32>
    %jit3A = arith.constant 0.000000e+00 : f32
    %broadcast_in_dim3A_337 = vector.shape_cast %logistic3A_308 : vector<256x1xf32> to vector<256x1xf32>
    %broadcast_in_dim3A_338 = vector.broadcast %broadcast_in_dim3A_337 : vector<256x1xf32> to vector<256x128xf32>
    %broadcast_in_dim3A_339 = vector.broadcast %jit3A : f32 to vector<256x128xf32>
    %select_n3A = arith.select %eq3A_336, %broadcast_in_dim3A_338, %broadcast_in_dim3A_339 : vector<256x128xi1>, vector<256x128xf32>
    %swap3A_340 = arith.constant 0 : index
    %swap3A_341 = arith.constant 0 : index
    %swap3A_342 = vector.load %arg20[%swap3A_340, %swap3A_341] : memref<256x128xf32, #tpu.memory_space<vmem>>, vector<256x128xf32>
    tpu.vector_store %arg20[%swap3A_340, %swap3A_341], %select_n3A {strides = array<i32>} : memref<256x128xf32, #tpu.memory_space<vmem>>, vector<256x128xf32>,
    return
  }
  func.func @transform_0(%arg0: i32) -> (i32, i32) {
    %c0_i32 = arith.constant 0 : i32
    %c0_i32_0 = arith.constant 0 : i32
    return %arg0, %c0_i32 : i32, i32
  }
  func.func @transform_1(%arg0: i32) -> (i32, i32) {
    %c0_i32 = arith.constant 0 : i32
    %c0_i32_0 = arith.constant 0 : i32
    %c0_i32_1 = arith.constant 0 : i32
    return %c0_i32, %c0_i32_0 : i32, i32
  }
  func.func @transform_2(%arg0: i32) -> (i32, i32) {
    %c0_i32 = arith.constant 0 : i32
    %c0_i32_0 = arith.constant 0 : i32
    %c0_i32_1 = arith.constant 0 : i32
    return %c0_i32, %c0_i32_0 : i32, i32
  }
  func.func @transform_3(%arg0: i32) -> (i32, i32) {
    %c0_i32 = arith.constant 0 : i32
    %c0_i32_0 = arith.constant 0 : i32
    %c0_i32_1 = arith.constant 0 : i32
    return %c0_i32, %c0_i32_0 : i32, i32
  }
  func.func @transform_4(%arg0: i32) -> (i32, i32) {
    %c0_i32 = arith.constant 0 : i32
    %c0_i32_0 = arith.constant 0 : i32
    %c0_i32_1 = arith.constant 0 : i32
    return %c0_i32, %c0_i32_0 : i32, i32
  }
  func.func @transform_5(%arg0: i32) -> (i32, i32) {
    %c0_i32 = arith.constant 0 : i32
    %c0_i32_0 = arith.constant 0 : i32
    %c0_i32_1 = arith.constant 0 : i32
    return %c0_i32, %c0_i32_0 : i32, i32
  }
  func.func @transform_6(%arg0: i32) -> (i32, i32) {
    %c0_i32 = arith.constant 0 : i32
    %c0_i32_0 = arith.constant 0 : i32
    %c0_i32_1 = arith.constant 0 : i32
    return %c0_i32, %c0_i32_0 : i32, i32
  }
  func.func @transform_7(%arg0: i32) -> (i32, i32) {
    %c0_i32 = arith.constant 0 : i32
    %c0_i32_0 = arith.constant 0 : i32
    %c0_i32_1 = arith.constant 0 : i32
    return %c0_i32, %c0_i32_0 : i32, i32
  }
  func.func @transform_8(%arg0: i32) -> (i32, i32) {
    %c0_i32 = arith.constant 0 : i32
    %c0_i32_0 = arith.constant 0 : i32
    %c0_i32_1 = arith.constant 0 : i32
    return %c0_i32, %c0_i32_0 : i32, i32
  }
  func.func @transform_9(%arg0: i32) -> (i32, i32) {
    %c0_i32 = arith.constant 0 : i32
    %c0_i32_0 = arith.constant 0 : i32
    %c0_i32_1 = arith.constant 0 : i32
    return %c0_i32, %c0_i32_0 : i32, i32
  }
  func.func @transform_10(%arg0: i32) -> (i32, i32, i32) {
    %c0_i32 = arith.constant 0 : i32
    %c0_i32_0 = arith.constant 0 : i32
    %c0_i32_1 = arith.constant 0 : i32
    %c0_i32_2 = arith.constant 0 : i32
    return %c0_i32, %c0_i32_0, %c0_i32_1 : i32, i32, i32
  }
  func.func @transform_11(%arg0: i32) -> (i32, i32) {
    %c0_i32 = arith.constant 0 : i32
    %c0_i32_0 = arith.constant 0 : i32
    %c0_i32_1 = arith.constant 0 : i32
    return %c0_i32, %c0_i32_0 : i32, i32
  }
  func.func @transform_12(%arg0: i32) -> (i32, i32) {
    %c0_i32 = arith.constant 0 : i32
    %c0_i32_0 = arith.constant 0 : i32
    %c0_i32_1 = arith.constant 0 : i32
    return %c0_i32, %c0_i32_0 : i32, i32
  }
  func.func @transform_13(%arg0: i32) -> (i32, i32) {
    %c0_i32 = arith.constant 0 : i32
    %c0_i32_0 = arith.constant 0 : i32
    %c0_i32_1 = arith.constant 0 : i32
    return %c0_i32, %c0_i32_0 : i32, i32
  }
  func.func @transform_14(%arg0: i32) -> (i32, i32) {
    %c0_i32 = arith.constant 0 : i32
    %c0_i32_0 = arith.constant 0 : i32
    %c0_i32_1 = arith.constant 0 : i32
    return %c0_i32, %c0_i32_0 : i32, i32
  }
  func.func @transform_15(%arg0: i32) -> (i32, i32) {
    %c0_i32 = arith.constant 0 : i32
    %c0_i32_0 = arith.constant 0 : i32
    %c0_i32_1 = arith.constant 0 : i32
    return %c0_i32, %c0_i32_0 : i32, i32
  }
  func.func @transform_16(%arg0: i32) -> (i32, i32) {
    %c0_i32 = arith.constant 0 : i32
    %c0_i32_0 = arith.constant 0 : i32
    return %arg0, %c0_i32 : i32, i32
  }
  func.func @transform_17(%arg0: i32) -> (i32, i32) {
    %c0_i32 = arith.constant 0 : i32
    %c0_i32_0 = arith.constant 0 : i32
    return %arg0, %c0_i32 : i32, i32
  }
  func.func @transform_18(%arg0: i32) -> (i32, i32) {
    %c0_i32 = arith.constant 0 : i32
    %c0_i32_0 = arith.constant 0 : i32
    return %arg0, %c0_i32 : i32, i32
  }
  func.func @transform_19(%arg0: i32) -> (i32, i32) {
    %c0_i32 = arith.constant 0 : i32
    %c0_i32_0 = arith.constant 0 : i32
    return %arg0, %c0_i32 : i32, i32
  }
}

module attributes {stable_mosaic.version = 14 : i64} {
  func.func @_pass2b_body(%arg0: i32, %arg1: memref<8x256xi32, #tpu.memory_space<vmem>>, %arg2: memref<256x128xf32, #tpu.memory_space<vmem>>, %arg3: memref<2048x64xbf16, #tpu.memory_space<vmem>>, %arg4: memref<256x768xf32, #tpu.memory_space<vmem>>, %arg5: memref<2048x768xbf16, #tpu.memory_space<vmem>>, %arg6: memref<256x768xf32, #tpu.memory_space<vmem>>) attributes {dimension_semantics = [#tpu.dimension_semantics<arbitrary>], iteration_bounds = array<i64: 8>, scalar_prefetch = 0 : i64, scratch_operands = 0 : i64, tpu.core_type = #tpu.core_type<tc>, window_params = [{transform_indices = @transform_0, window_bounds = array<i64: 8, 256>}, {transform_indices = @transform_1, window_bounds = array<i64: 256, 128>}, {pipeline_mode = #tpu.pipeline_mode<synchronous>, transform_indices = @transform_2, window_bounds = array<i64: 2048, 64>}, {transform_indices = @transform_3, window_bounds = array<i64: 256, 768>}, {pipeline_mode = #tpu.pipeline_mode<synchronous>, transform_indices = @transform_4, window_bounds = array<i64: 2048, 768>}, {transform_indices = @transform_5, window_bounds = array<i64: 256, 768>}]} {
    %get3A = arith.constant 0 : index
    %get3A_0 = arith.constant 0 : index
    %get3A_1 = vector.load %arg1[%get3A, %get3A_0] : memref<8x256xi32, #tpu.memory_space<vmem>>, vector<8x256xi32>
    %convert_element_type3A = arith.sitofp %get3A_1 : vector<8x256xi32> to vector<8x256xf32>
    %iota3A = tpu.iota {dimensions = array<i32: 0>} : vector<8x8xi32>
    %iota3A_2 = tpu.iota {dimensions = array<i32: 1>} : vector<8x8xi32>
    %eq3A = arith.cmpi eq, %iota3A, %iota3A_2 : vector<8x8xi32>
    %convert_element_type3A_3 = arith.extui %eq3A : vector<8x8xi1> to vector<8x8xi32>
    %convert_element_type3A_4 = arith.sitofp %convert_element_type3A_3 : vector<8x8xi32> to vector<8x8xf32>
    %dot_general3A = arith.constant dense<0.000000e+00> : vector<256x8xf32>
    %dot_general3A_5 = tpu.matmul %convert_element_type3A, %convert_element_type3A_4, %dot_general3A {dimension_numbers = #tpu.dot_dimension_numbers<[0], [0], [1], [1], [0, 1, 1, 1], [], []>, precision = #tpu.contract_precision<fp32>, transpose_lhs_hint = false} : vector<8x256xf32>, vector<8x8xf32>, vector<256x8xf32> -> vector<256x8xf32>
    %convert_element_type3A_6 = arith.fptosi %dot_general3A_5 : vector<256x8xf32> to vector<256x8xi32>
    %ge3A = arith.constant 0 : i32
    %ge3A_7 = vector.broadcast %ge3A : i32 to vector<256x8xi32>
    %ge3A_8 = arith.cmpi sge, %convert_element_type3A_6, %ge3A_7 : vector<256x8xi32>
    %mul3A = arith.constant 256 : i32
    %mul3A_9 = arith.muli %arg0, %mul3A : i32
    %get3A_10 = arith.index_cast %mul3A_9 : i32 to index
    %get3A_11 = arith.constant 0 : index
    %get3A_12 = vector.load %arg3[%get3A_10, %get3A_11] : memref<2048x64xbf16, #tpu.memory_space<vmem>>, vector<256x64xbf16>
    %convert_element_type3A_13 = arith.extf %get3A_12 : vector<256x64xbf16> to vector<256x64xf32>
    %slice3A = vector.extract_strided_slice %convert_element_type3A_6 {offsets = [0, 0], sizes = [256, 1], strides = [1, 1]} : vector<256x8xi32> to vector<256x1xi32>
    %broadcast_in_dim3A = arith.constant 0.000000e+00 : f32
    %broadcast_in_dim3A_14 = vector.broadcast %broadcast_in_dim3A : f32 to vector<256x64xf32>
    %iota3A_15 = tpu.iota {dimensions = array<i32: 1>} : vector<256x512xi32>
    %add3A = arith.constant 0 : i32
    %add3A_16 = vector.broadcast %add3A : i32 to vector<256x512xi32>
    %add3A_17 = arith.addi %iota3A_15, %add3A_16 : vector<256x512xi32>
    %eq3A_18 = vector.broadcast %slice3A : vector<256x1xi32> to vector<256x512xi32>
    %eq3A_19 = arith.cmpi eq, %eq3A_18, %add3A_17 : vector<256x512xi32>
    %convert_element_type3A_20 = arith.extui %eq3A_19 : vector<256x512xi1> to vector<256x512xi32>
    %convert_element_type3A_21 = arith.sitofp %convert_element_type3A_20 : vector<256x512xi32> to vector<256x512xf32>
    %convert_element_type3A_22 = arith.truncf %convert_element_type3A_21 : vector<256x512xf32> to vector<256x512xbf16>
    %get3A_23 = arith.constant 0 : index
    %get3A_24 = arith.constant 0 : index
    %get3A_25 = vector.load %arg3[%get3A_23, %get3A_24] : memref<2048x64xbf16, #tpu.memory_space<vmem>>, vector<512x64xbf16>
    %dot_general3A_26 = arith.constant dense<0.000000e+00> : vector<256x64xf32>
    %dot_general3A_27 = tpu.matmul %convert_element_type3A_22, %get3A_25, %dot_general3A_26 {dimension_numbers = #tpu.dot_dimension_numbers<[1], [0], [0], [1], [0, 0, 1, 1], [], []>, transpose_lhs_hint = false} : vector<256x512xbf16>, vector<512x64xbf16>, vector<256x64xf32> -> vector<256x64xf32>
    %add3A_28 = arith.addf %broadcast_in_dim3A_14, %dot_general3A_27 : vector<256x64xf32>
    %iota3A_29 = tpu.iota {dimensions = array<i32: 1>} : vector<256x512xi32>
    %add3A_30 = arith.constant 512 : i32
    %add3A_31 = vector.broadcast %add3A_30 : i32 to vector<256x512xi32>
    %add3A_32 = arith.addi %iota3A_29, %add3A_31 : vector<256x512xi32>
    %eq3A_33 = vector.broadcast %slice3A : vector<256x1xi32> to vector<256x512xi32>
    %eq3A_34 = arith.cmpi eq, %eq3A_33, %add3A_32 : vector<256x512xi32>
    %convert_element_type3A_35 = arith.extui %eq3A_34 : vector<256x512xi1> to vector<256x512xi32>
    %convert_element_type3A_36 = arith.sitofp %convert_element_type3A_35 : vector<256x512xi32> to vector<256x512xf32>
    %convert_element_type3A_37 = arith.truncf %convert_element_type3A_36 : vector<256x512xf32> to vector<256x512xbf16>
    %get3A_38 = arith.constant 512 : index
    %get3A_39 = arith.constant 0 : index
    %get3A_40 = vector.load %arg3[%get3A_38, %get3A_39] : memref<2048x64xbf16, #tpu.memory_space<vmem>>, vector<512x64xbf16>
    %dot_general3A_41 = arith.constant dense<0.000000e+00> : vector<256x64xf32>
    %dot_general3A_42 = tpu.matmul %convert_element_type3A_37, %get3A_40, %dot_general3A_41 {dimension_numbers = #tpu.dot_dimension_numbers<[1], [0], [0], [1], [0, 0, 1, 1], [], []>, transpose_lhs_hint = false} : vector<256x512xbf16>, vector<512x64xbf16>, vector<256x64xf32> -> vector<256x64xf32>
    %add3A_43 = arith.addf %add3A_28, %dot_general3A_42 : vector<256x64xf32>
    %iota3A_44 = tpu.iota {dimensions = array<i32: 1>} : vector<256x512xi32>
    %add3A_45 = arith.constant 1024 : i32
    %add3A_46 = vector.broadcast %add3A_45 : i32 to vector<256x512xi32>
    %add3A_47 = arith.addi %iota3A_44, %add3A_46 : vector<256x512xi32>
    %eq3A_48 = vector.broadcast %slice3A : vector<256x1xi32> to vector<256x512xi32>
    %eq3A_49 = arith.cmpi eq, %eq3A_48, %add3A_47 : vector<256x512xi32>
    %convert_element_type3A_50 = arith.extui %eq3A_49 : vector<256x512xi1> to vector<256x512xi32>
    %convert_element_type3A_51 = arith.sitofp %convert_element_type3A_50 : vector<256x512xi32> to vector<256x512xf32>
    %convert_element_type3A_52 = arith.truncf %convert_element_type3A_51 : vector<256x512xf32> to vector<256x512xbf16>
    %get3A_53 = arith.constant 1024 : index
    %get3A_54 = arith.constant 0 : index
    %get3A_55 = vector.load %arg3[%get3A_53, %get3A_54] : memref<2048x64xbf16, #tpu.memory_space<vmem>>, vector<512x64xbf16>
    %dot_general3A_56 = arith.constant dense<0.000000e+00> : vector<256x64xf32>
    %dot_general3A_57 = tpu.matmul %convert_element_type3A_52, %get3A_55, %dot_general3A_56 {dimension_numbers = #tpu.dot_dimension_numbers<[1], [0], [0], [1], [0, 0, 1, 1], [], []>, transpose_lhs_hint = false} : vector<256x512xbf16>, vector<512x64xbf16>, vector<256x64xf32> -> vector<256x64xf32>
    %add3A_58 = arith.addf %add3A_43, %dot_general3A_57 : vector<256x64xf32>
    %iota3A_59 = tpu.iota {dimensions = array<i32: 1>} : vector<256x512xi32>
    %add3A_60 = arith.constant 1536 : i32
    %add3A_61 = vector.broadcast %add3A_60 : i32 to vector<256x512xi32>
    %add3A_62 = arith.addi %iota3A_59, %add3A_61 : vector<256x512xi32>
    %eq3A_63 = vector.broadcast %slice3A : vector<256x1xi32> to vector<256x512xi32>
    %eq3A_64 = arith.cmpi eq, %eq3A_63, %add3A_62 : vector<256x512xi32>
    %convert_element_type3A_65 = arith.extui %eq3A_64 : vector<256x512xi1> to vector<256x512xi32>
    %convert_element_type3A_66 = arith.sitofp %convert_element_type3A_65 : vector<256x512xi32> to vector<256x512xf32>
    %convert_element_type3A_67 = arith.truncf %convert_element_type3A_66 : vector<256x512xf32> to vector<256x512xbf16>
    %get3A_68 = arith.constant 1536 : index
    %get3A_69 = arith.constant 0 : index
    %get3A_70 = vector.load %arg3[%get3A_68, %get3A_69] : memref<2048x64xbf16, #tpu.memory_space<vmem>>, vector<512x64xbf16>
    %dot_general3A_71 = arith.constant dense<0.000000e+00> : vector<256x64xf32>
    %dot_general3A_72 = tpu.matmul %convert_element_type3A_67, %get3A_70, %dot_general3A_71 {dimension_numbers = #tpu.dot_dimension_numbers<[1], [0], [0], [1], [0, 0, 1, 1], [], []>, transpose_lhs_hint = false} : vector<256x512xbf16>, vector<512x64xbf16>, vector<256x64xf32> -> vector<256x64xf32>
    %add3A_73 = arith.addf %add3A_58, %dot_general3A_72 : vector<256x64xf32>
    %mul3A_74 = arith.mulf %convert_element_type3A_13, %add3A_73 : vector<256x64xf32>
    %reduce_sum3A = arith.constant dense<0.000000e+00> : vector<256xf32>
    %reduce_sum3A_75 = vector.multi_reduction <add>, %mul3A_74, %reduce_sum3A [1] : vector<256x64xf32> to vector<256xf32>
    %broadcast_in_dim3A_76 = vector.shape_cast %reduce_sum3A_75 : vector<256xf32> to vector<256x1xf32>
    %slice3A_77 = vector.extract_strided_slice %convert_element_type3A_6 {offsets = [0, 1], sizes = [256, 1], strides = [1, 1]} : vector<256x8xi32> to vector<256x1xi32>
    %broadcast_in_dim3A_78 = arith.constant 0.000000e+00 : f32
    %broadcast_in_dim3A_79 = vector.broadcast %broadcast_in_dim3A_78 : f32 to vector<256x64xf32>
    %iota3A_80 = tpu.iota {dimensions = array<i32: 1>} : vector<256x512xi32>
    %add3A_81 = arith.constant 0 : i32
    %add3A_82 = vector.broadcast %add3A_81 : i32 to vector<256x512xi32>
    %add3A_83 = arith.addi %iota3A_80, %add3A_82 : vector<256x512xi32>
    %eq3A_84 = vector.broadcast %slice3A_77 : vector<256x1xi32> to vector<256x512xi32>
    %eq3A_85 = arith.cmpi eq, %eq3A_84, %add3A_83 : vector<256x512xi32>
    %convert_element_type3A_86 = arith.extui %eq3A_85 : vector<256x512xi1> to vector<256x512xi32>
    %convert_element_type3A_87 = arith.sitofp %convert_element_type3A_86 : vector<256x512xi32> to vector<256x512xf32>
    %convert_element_type3A_88 = arith.truncf %convert_element_type3A_87 : vector<256x512xf32> to vector<256x512xbf16>
    %get3A_89 = arith.constant 0 : index
    %get3A_90 = arith.constant 0 : index
    %get3A_91 = vector.load %arg3[%get3A_89, %get3A_90] : memref<2048x64xbf16, #tpu.memory_space<vmem>>, vector<512x64xbf16>
    %dot_general3A_92 = arith.constant dense<0.000000e+00> : vector<256x64xf32>
    %dot_general3A_93 = tpu.matmul %convert_element_type3A_88, %get3A_91, %dot_general3A_92 {dimension_numbers = #tpu.dot_dimension_numbers<[1], [0], [0], [1], [0, 0, 1, 1], [], []>, transpose_lhs_hint = false} : vector<256x512xbf16>, vector<512x64xbf16>, vector<256x64xf32> -> vector<256x64xf32>
    %add3A_94 = arith.addf %broadcast_in_dim3A_79, %dot_general3A_93 : vector<256x64xf32>
    %iota3A_95 = tpu.iota {dimensions = array<i32: 1>} : vector<256x512xi32>
    %add3A_96 = arith.constant 512 : i32
    %add3A_97 = vector.broadcast %add3A_96 : i32 to vector<256x512xi32>
    %add3A_98 = arith.addi %iota3A_95, %add3A_97 : vector<256x512xi32>
    %eq3A_99 = vector.broadcast %slice3A_77 : vector<256x1xi32> to vector<256x512xi32>
    %eq3A_100 = arith.cmpi eq, %eq3A_99, %add3A_98 : vector<256x512xi32>
    %convert_element_type3A_101 = arith.extui %eq3A_100 : vector<256x512xi1> to vector<256x512xi32>
    %convert_element_type3A_102 = arith.sitofp %convert_element_type3A_101 : vector<256x512xi32> to vector<256x512xf32>
    %convert_element_type3A_103 = arith.truncf %convert_element_type3A_102 : vector<256x512xf32> to vector<256x512xbf16>
    %get3A_104 = arith.constant 512 : index
    %get3A_105 = arith.constant 0 : index
    %get3A_106 = vector.load %arg3[%get3A_104, %get3A_105] : memref<2048x64xbf16, #tpu.memory_space<vmem>>, vector<512x64xbf16>
    %dot_general3A_107 = arith.constant dense<0.000000e+00> : vector<256x64xf32>
    %dot_general3A_108 = tpu.matmul %convert_element_type3A_103, %get3A_106, %dot_general3A_107 {dimension_numbers = #tpu.dot_dimension_numbers<[1], [0], [0], [1], [0, 0, 1, 1], [], []>, transpose_lhs_hint = false} : vector<256x512xbf16>, vector<512x64xbf16>, vector<256x64xf32> -> vector<256x64xf32>
    %add3A_109 = arith.addf %add3A_94, %dot_general3A_108 : vector<256x64xf32>
    %iota3A_110 = tpu.iota {dimensions = array<i32: 1>} : vector<256x512xi32>
    %add3A_111 = arith.constant 1024 : i32
    %add3A_112 = vector.broadcast %add3A_111 : i32 to vector<256x512xi32>
    %add3A_113 = arith.addi %iota3A_110, %add3A_112 : vector<256x512xi32>
    %eq3A_114 = vector.broadcast %slice3A_77 : vector<256x1xi32> to vector<256x512xi32>
    %eq3A_115 = arith.cmpi eq, %eq3A_114, %add3A_113 : vector<256x512xi32>
    %convert_element_type3A_116 = arith.extui %eq3A_115 : vector<256x512xi1> to vector<256x512xi32>
    %convert_element_type3A_117 = arith.sitofp %convert_element_type3A_116 : vector<256x512xi32> to vector<256x512xf32>
    %convert_element_type3A_118 = arith.truncf %convert_element_type3A_117 : vector<256x512xf32> to vector<256x512xbf16>
    %get3A_119 = arith.constant 1024 : index
    %get3A_120 = arith.constant 0 : index
    %get3A_121 = vector.load %arg3[%get3A_119, %get3A_120] : memref<2048x64xbf16, #tpu.memory_space<vmem>>, vector<512x64xbf16>
    %dot_general3A_122 = arith.constant dense<0.000000e+00> : vector<256x64xf32>
    %dot_general3A_123 = tpu.matmul %convert_element_type3A_118, %get3A_121, %dot_general3A_122 {dimension_numbers = #tpu.dot_dimension_numbers<[1], [0], [0], [1], [0, 0, 1, 1], [], []>, transpose_lhs_hint = false} : vector<256x512xbf16>, vector<512x64xbf16>, vector<256x64xf32> -> vector<256x64xf32>
    %add3A_124 = arith.addf %add3A_109, %dot_general3A_123 : vector<256x64xf32>
    %iota3A_125 = tpu.iota {dimensions = array<i32: 1>} : vector<256x512xi32>
    %add3A_126 = arith.constant 1536 : i32
    %add3A_127 = vector.broadcast %add3A_126 : i32 to vector<256x512xi32>
    %add3A_128 = arith.addi %iota3A_125, %add3A_127 : vector<256x512xi32>
    %eq3A_129 = vector.broadcast %slice3A_77 : vector<256x1xi32> to vector<256x512xi32>
    %eq3A_130 = arith.cmpi eq, %eq3A_129, %add3A_128 : vector<256x512xi32>
    %convert_element_type3A_131 = arith.extui %eq3A_130 : vector<256x512xi1> to vector<256x512xi32>
    %convert_element_type3A_132 = arith.sitofp %convert_element_type3A_131 : vector<256x512xi32> to vector<256x512xf32>
    %convert_element_type3A_133 = arith.truncf %convert_element_type3A_132 : vector<256x512xf32> to vector<256x512xbf16>
    %get3A_134 = arith.constant 1536 : index
    %get3A_135 = arith.constant 0 : index
    %get3A_136 = vector.load %arg3[%get3A_134, %get3A_135] : memref<2048x64xbf16, #tpu.memory_space<vmem>>, vector<512x64xbf16>
    %dot_general3A_137 = arith.constant dense<0.000000e+00> : vector<256x64xf32>
    %dot_general3A_138 = tpu.matmul %convert_element_type3A_133, %get3A_136, %dot_general3A_137 {dimension_numbers = #tpu.dot_dimension_numbers<[1], [0], [0], [1], [0, 0, 1, 1], [], []>, transpose_lhs_hint = false} : vector<256x512xbf16>, vector<512x64xbf16>, vector<256x64xf32> -> vector<256x64xf32>
    %add3A_139 = arith.addf %add3A_124, %dot_general3A_138 : vector<256x64xf32>
    %mul3A_140 = arith.mulf %convert_element_type3A_13, %add3A_139 : vector<256x64xf32>
    %reduce_sum3A_141 = arith.constant dense<0.000000e+00> : vector<256xf32>
    %reduce_sum3A_142 = vector.multi_reduction <add>, %mul3A_140, %reduce_sum3A_141 [1] : vector<256x64xf32> to vector<256xf32>
    %broadcast_in_dim3A_143 = vector.shape_cast %reduce_sum3A_142 : vector<256xf32> to vector<256x1xf32>
    %slice3A_144 = vector.extract_strided_slice %convert_element_type3A_6 {offsets = [0, 2], sizes = [256, 1], strides = [1, 1]} : vector<256x8xi32> to vector<256x1xi32>
    %broadcast_in_dim3A_145 = arith.constant 0.000000e+00 : f32
    %broadcast_in_dim3A_146 = vector.broadcast %broadcast_in_dim3A_145 : f32 to vector<256x64xf32>
    %iota3A_147 = tpu.iota {dimensions = array<i32: 1>} : vector<256x512xi32>
    %add3A_148 = arith.constant 0 : i32
    %add3A_149 = vector.broadcast %add3A_148 : i32 to vector<256x512xi32>
    %add3A_150 = arith.addi %iota3A_147, %add3A_149 : vector<256x512xi32>
    %eq3A_151 = vector.broadcast %slice3A_144 : vector<256x1xi32> to vector<256x512xi32>
    %eq3A_152 = arith.cmpi eq, %eq3A_151, %add3A_150 : vector<256x512xi32>
    %convert_element_type3A_153 = arith.extui %eq3A_152 : vector<256x512xi1> to vector<256x512xi32>
    %convert_element_type3A_154 = arith.sitofp %convert_element_type3A_153 : vector<256x512xi32> to vector<256x512xf32>
    %convert_element_type3A_155 = arith.truncf %convert_element_type3A_154 : vector<256x512xf32> to vector<256x512xbf16>
    %get3A_156 = arith.constant 0 : index
    %get3A_157 = arith.constant 0 : index
    %get3A_158 = vector.load %arg3[%get3A_156, %get3A_157] : memref<2048x64xbf16, #tpu.memory_space<vmem>>, vector<512x64xbf16>
    %dot_general3A_159 = arith.constant dense<0.000000e+00> : vector<256x64xf32>
    %dot_general3A_160 = tpu.matmul %convert_element_type3A_155, %get3A_158, %dot_general3A_159 {dimension_numbers = #tpu.dot_dimension_numbers<[1], [0], [0], [1], [0, 0, 1, 1], [], []>, transpose_lhs_hint = false} : vector<256x512xbf16>, vector<512x64xbf16>, vector<256x64xf32> -> vector<256x64xf32>
    %add3A_161 = arith.addf %broadcast_in_dim3A_146, %dot_general3A_160 : vector<256x64xf32>
    %iota3A_162 = tpu.iota {dimensions = array<i32: 1>} : vector<256x512xi32>
    %add3A_163 = arith.constant 512 : i32
    %add3A_164 = vector.broadcast %add3A_163 : i32 to vector<256x512xi32>
    %add3A_165 = arith.addi %iota3A_162, %add3A_164 : vector<256x512xi32>
    %eq3A_166 = vector.broadcast %slice3A_144 : vector<256x1xi32> to vector<256x512xi32>
    %eq3A_167 = arith.cmpi eq, %eq3A_166, %add3A_165 : vector<256x512xi32>
    %convert_element_type3A_168 = arith.extui %eq3A_167 : vector<256x512xi1> to vector<256x512xi32>
    %convert_element_type3A_169 = arith.sitofp %convert_element_type3A_168 : vector<256x512xi32> to vector<256x512xf32>
    %convert_element_type3A_170 = arith.truncf %convert_element_type3A_169 : vector<256x512xf32> to vector<256x512xbf16>
    %get3A_171 = arith.constant 512 : index
    %get3A_172 = arith.constant 0 : index
    %get3A_173 = vector.load %arg3[%get3A_171, %get3A_172] : memref<2048x64xbf16, #tpu.memory_space<vmem>>, vector<512x64xbf16>
    %dot_general3A_174 = arith.constant dense<0.000000e+00> : vector<256x64xf32>
    %dot_general3A_175 = tpu.matmul %convert_element_type3A_170, %get3A_173, %dot_general3A_174 {dimension_numbers = #tpu.dot_dimension_numbers<[1], [0], [0], [1], [0, 0, 1, 1], [], []>, transpose_lhs_hint = false} : vector<256x512xbf16>, vector<512x64xbf16>, vector<256x64xf32> -> vector<256x64xf32>
    %add3A_176 = arith.addf %add3A_161, %dot_general3A_175 : vector<256x64xf32>
    %iota3A_177 = tpu.iota {dimensions = array<i32: 1>} : vector<256x512xi32>
    %add3A_178 = arith.constant 1024 : i32
    %add3A_179 = vector.broadcast %add3A_178 : i32 to vector<256x512xi32>
    %add3A_180 = arith.addi %iota3A_177, %add3A_179 : vector<256x512xi32>
    %eq3A_181 = vector.broadcast %slice3A_144 : vector<256x1xi32> to vector<256x512xi32>
    %eq3A_182 = arith.cmpi eq, %eq3A_181, %add3A_180 : vector<256x512xi32>
    %convert_element_type3A_183 = arith.extui %eq3A_182 : vector<256x512xi1> to vector<256x512xi32>
    %convert_element_type3A_184 = arith.sitofp %convert_element_type3A_183 : vector<256x512xi32> to vector<256x512xf32>
    %convert_element_type3A_185 = arith.truncf %convert_element_type3A_184 : vector<256x512xf32> to vector<256x512xbf16>
    %get3A_186 = arith.constant 1024 : index
    %get3A_187 = arith.constant 0 : index
    %get3A_188 = vector.load %arg3[%get3A_186, %get3A_187] : memref<2048x64xbf16, #tpu.memory_space<vmem>>, vector<512x64xbf16>
    %dot_general3A_189 = arith.constant dense<0.000000e+00> : vector<256x64xf32>
    %dot_general3A_190 = tpu.matmul %convert_element_type3A_185, %get3A_188, %dot_general3A_189 {dimension_numbers = #tpu.dot_dimension_numbers<[1], [0], [0], [1], [0, 0, 1, 1], [], []>, transpose_lhs_hint = false} : vector<256x512xbf16>, vector<512x64xbf16>, vector<256x64xf32> -> vector<256x64xf32>
    %add3A_191 = arith.addf %add3A_176, %dot_general3A_190 : vector<256x64xf32>
    %iota3A_192 = tpu.iota {dimensions = array<i32: 1>} : vector<256x512xi32>
    %add3A_193 = arith.constant 1536 : i32
    %add3A_194 = vector.broadcast %add3A_193 : i32 to vector<256x512xi32>
    %add3A_195 = arith.addi %iota3A_192, %add3A_194 : vector<256x512xi32>
    %eq3A_196 = vector.broadcast %slice3A_144 : vector<256x1xi32> to vector<256x512xi32>
    %eq3A_197 = arith.cmpi eq, %eq3A_196, %add3A_195 : vector<256x512xi32>
    %convert_element_type3A_198 = arith.extui %eq3A_197 : vector<256x512xi1> to vector<256x512xi32>
    %convert_element_type3A_199 = arith.sitofp %convert_element_type3A_198 : vector<256x512xi32> to vector<256x512xf32>
    %convert_element_type3A_200 = arith.truncf %convert_element_type3A_199 : vector<256x512xf32> to vector<256x512xbf16>
    %get3A_201 = arith.constant 1536 : index
    %get3A_202 = arith.constant 0 : index
    %get3A_203 = vector.load %arg3[%get3A_201, %get3A_202] : memref<2048x64xbf16, #tpu.memory_space<vmem>>, vector<512x64xbf16>
    %dot_general3A_204 = arith.constant dense<0.000000e+00> : vector<256x64xf32>
    %dot_general3A_205 = tpu.matmul %convert_element_type3A_200, %get3A_203, %dot_general3A_204 {dimension_numbers = #tpu.dot_dimension_numbers<[1], [0], [0], [1], [0, 0, 1, 1], [], []>, transpose_lhs_hint = false} : vector<256x512xbf16>, vector<512x64xbf16>, vector<256x64xf32> -> vector<256x64xf32>
    %add3A_206 = arith.addf %add3A_191, %dot_general3A_205 : vector<256x64xf32>
    %mul3A_207 = arith.mulf %convert_element_type3A_13, %add3A_206 : vector<256x64xf32>
    %reduce_sum3A_208 = arith.constant dense<0.000000e+00> : vector<256xf32>
    %reduce_sum3A_209 = vector.multi_reduction <add>, %mul3A_207, %reduce_sum3A_208 [1] : vector<256x64xf32> to vector<256xf32>
    %broadcast_in_dim3A_210 = vector.shape_cast %reduce_sum3A_209 : vector<256xf32> to vector<256x1xf32>
    %slice3A_211 = vector.extract_strided_slice %convert_element_type3A_6 {offsets = [0, 3], sizes = [256, 1], strides = [1, 1]} : vector<256x8xi32> to vector<256x1xi32>
    %broadcast_in_dim3A_212 = arith.constant 0.000000e+00 : f32
    %broadcast_in_dim3A_213 = vector.broadcast %broadcast_in_dim3A_212 : f32 to vector<256x64xf32>
    %iota3A_214 = tpu.iota {dimensions = array<i32: 1>} : vector<256x512xi32>
    %add3A_215 = arith.constant 0 : i32
    %add3A_216 = vector.broadcast %add3A_215 : i32 to vector<256x512xi32>
    %add3A_217 = arith.addi %iota3A_214, %add3A_216 : vector<256x512xi32>
    %eq3A_218 = vector.broadcast %slice3A_211 : vector<256x1xi32> to vector<256x512xi32>
    %eq3A_219 = arith.cmpi eq, %eq3A_218, %add3A_217 : vector<256x512xi32>
    %convert_element_type3A_220 = arith.extui %eq3A_219 : vector<256x512xi1> to vector<256x512xi32>
    %convert_element_type3A_221 = arith.sitofp %convert_element_type3A_220 : vector<256x512xi32> to vector<256x512xf32>
    %convert_element_type3A_222 = arith.truncf %convert_element_type3A_221 : vector<256x512xf32> to vector<256x512xbf16>
    %get3A_223 = arith.constant 0 : index
    %get3A_224 = arith.constant 0 : index
    %get3A_225 = vector.load %arg3[%get3A_223, %get3A_224] : memref<2048x64xbf16, #tpu.memory_space<vmem>>, vector<512x64xbf16>
    %dot_general3A_226 = arith.constant dense<0.000000e+00> : vector<256x64xf32>
    %dot_general3A_227 = tpu.matmul %convert_element_type3A_222, %get3A_225, %dot_general3A_226 {dimension_numbers = #tpu.dot_dimension_numbers<[1], [0], [0], [1], [0, 0, 1, 1], [], []>, transpose_lhs_hint = false} : vector<256x512xbf16>, vector<512x64xbf16>, vector<256x64xf32> -> vector<256x64xf32>
    %add3A_228 = arith.addf %broadcast_in_dim3A_213, %dot_general3A_227 : vector<256x64xf32>
    %iota3A_229 = tpu.iota {dimensions = array<i32: 1>} : vector<256x512xi32>
    %add3A_230 = arith.constant 512 : i32
    %add3A_231 = vector.broadcast %add3A_230 : i32 to vector<256x512xi32>
    %add3A_232 = arith.addi %iota3A_229, %add3A_231 : vector<256x512xi32>
    %eq3A_233 = vector.broadcast %slice3A_211 : vector<256x1xi32> to vector<256x512xi32>
    %eq3A_234 = arith.cmpi eq, %eq3A_233, %add3A_232 : vector<256x512xi32>
    %convert_element_type3A_235 = arith.extui %eq3A_234 : vector<256x512xi1> to vector<256x512xi32>
    %convert_element_type3A_236 = arith.sitofp %convert_element_type3A_235 : vector<256x512xi32> to vector<256x512xf32>
    %convert_element_type3A_237 = arith.truncf %convert_element_type3A_236 : vector<256x512xf32> to vector<256x512xbf16>
    %get3A_238 = arith.constant 512 : index
    %get3A_239 = arith.constant 0 : index
    %get3A_240 = vector.load %arg3[%get3A_238, %get3A_239] : memref<2048x64xbf16, #tpu.memory_space<vmem>>, vector<512x64xbf16>
    %dot_general3A_241 = arith.constant dense<0.000000e+00> : vector<256x64xf32>
    %dot_general3A_242 = tpu.matmul %convert_element_type3A_237, %get3A_240, %dot_general3A_241 {dimension_numbers = #tpu.dot_dimension_numbers<[1], [0], [0], [1], [0, 0, 1, 1], [], []>, transpose_lhs_hint = false} : vector<256x512xbf16>, vector<512x64xbf16>, vector<256x64xf32> -> vector<256x64xf32>
    %add3A_243 = arith.addf %add3A_228, %dot_general3A_242 : vector<256x64xf32>
    %iota3A_244 = tpu.iota {dimensions = array<i32: 1>} : vector<256x512xi32>
    %add3A_245 = arith.constant 1024 : i32
    %add3A_246 = vector.broadcast %add3A_245 : i32 to vector<256x512xi32>
    %add3A_247 = arith.addi %iota3A_244, %add3A_246 : vector<256x512xi32>
    %eq3A_248 = vector.broadcast %slice3A_211 : vector<256x1xi32> to vector<256x512xi32>
    %eq3A_249 = arith.cmpi eq, %eq3A_248, %add3A_247 : vector<256x512xi32>
    %convert_element_type3A_250 = arith.extui %eq3A_249 : vector<256x512xi1> to vector<256x512xi32>
    %convert_element_type3A_251 = arith.sitofp %convert_element_type3A_250 : vector<256x512xi32> to vector<256x512xf32>
    %convert_element_type3A_252 = arith.truncf %convert_element_type3A_251 : vector<256x512xf32> to vector<256x512xbf16>
    %get3A_253 = arith.constant 1024 : index
    %get3A_254 = arith.constant 0 : index
    %get3A_255 = vector.load %arg3[%get3A_253, %get3A_254] : memref<2048x64xbf16, #tpu.memory_space<vmem>>, vector<512x64xbf16>
    %dot_general3A_256 = arith.constant dense<0.000000e+00> : vector<256x64xf32>
    %dot_general3A_257 = tpu.matmul %convert_element_type3A_252, %get3A_255, %dot_general3A_256 {dimension_numbers = #tpu.dot_dimension_numbers<[1], [0], [0], [1], [0, 0, 1, 1], [], []>, transpose_lhs_hint = false} : vector<256x512xbf16>, vector<512x64xbf16>, vector<256x64xf32> -> vector<256x64xf32>
    %add3A_258 = arith.addf %add3A_243, %dot_general3A_257 : vector<256x64xf32>
    %iota3A_259 = tpu.iota {dimensions = array<i32: 1>} : vector<256x512xi32>
    %add3A_260 = arith.constant 1536 : i32
    %add3A_261 = vector.broadcast %add3A_260 : i32 to vector<256x512xi32>
    %add3A_262 = arith.addi %iota3A_259, %add3A_261 : vector<256x512xi32>
    %eq3A_263 = vector.broadcast %slice3A_211 : vector<256x1xi32> to vector<256x512xi32>
    %eq3A_264 = arith.cmpi eq, %eq3A_263, %add3A_262 : vector<256x512xi32>
    %convert_element_type3A_265 = arith.extui %eq3A_264 : vector<256x512xi1> to vector<256x512xi32>
    %convert_element_type3A_266 = arith.sitofp %convert_element_type3A_265 : vector<256x512xi32> to vector<256x512xf32>
    %convert_element_type3A_267 = arith.truncf %convert_element_type3A_266 : vector<256x512xf32> to vector<256x512xbf16>
    %get3A_268 = arith.constant 1536 : index
    %get3A_269 = arith.constant 0 : index
    %get3A_270 = vector.load %arg3[%get3A_268, %get3A_269] : memref<2048x64xbf16, #tpu.memory_space<vmem>>, vector<512x64xbf16>
    %dot_general3A_271 = arith.constant dense<0.000000e+00> : vector<256x64xf32>
    %dot_general3A_272 = tpu.matmul %convert_element_type3A_267, %get3A_270, %dot_general3A_271 {dimension_numbers = #tpu.dot_dimension_numbers<[1], [0], [0], [1], [0, 0, 1, 1], [], []>, transpose_lhs_hint = false} : vector<256x512xbf16>, vector<512x64xbf16>, vector<256x64xf32> -> vector<256x64xf32>
    %add3A_273 = arith.addf %add3A_258, %dot_general3A_272 : vector<256x64xf32>
    %mul3A_274 = arith.mulf %convert_element_type3A_13, %add3A_273 : vector<256x64xf32>
    %reduce_sum3A_275 = arith.constant dense<0.000000e+00> : vector<256xf32>
    %reduce_sum3A_276 = vector.multi_reduction <add>, %mul3A_274, %reduce_sum3A_275 [1] : vector<256x64xf32> to vector<256xf32>
    %broadcast_in_dim3A_277 = vector.shape_cast %reduce_sum3A_276 : vector<256xf32> to vector<256x1xf32>
    %slice3A_278 = vector.extract_strided_slice %convert_element_type3A_6 {offsets = [0, 4], sizes = [256, 1], strides = [1, 1]} : vector<256x8xi32> to vector<256x1xi32>
    %broadcast_in_dim3A_279 = arith.constant 0.000000e+00 : f32
    %broadcast_in_dim3A_280 = vector.broadcast %broadcast_in_dim3A_279 : f32 to vector<256x64xf32>
    %iota3A_281 = tpu.iota {dimensions = array<i32: 1>} : vector<256x512xi32>
    %add3A_282 = arith.constant 0 : i32
    %add3A_283 = vector.broadcast %add3A_282 : i32 to vector<256x512xi32>
    %add3A_284 = arith.addi %iota3A_281, %add3A_283 : vector<256x512xi32>
    %eq3A_285 = vector.broadcast %slice3A_278 : vector<256x1xi32> to vector<256x512xi32>
    %eq3A_286 = arith.cmpi eq, %eq3A_285, %add3A_284 : vector<256x512xi32>
    %convert_element_type3A_287 = arith.extui %eq3A_286 : vector<256x512xi1> to vector<256x512xi32>
    %convert_element_type3A_288 = arith.sitofp %convert_element_type3A_287 : vector<256x512xi32> to vector<256x512xf32>
    %convert_element_type3A_289 = arith.truncf %convert_element_type3A_288 : vector<256x512xf32> to vector<256x512xbf16>
    %get3A_290 = arith.constant 0 : index
    %get3A_291 = arith.constant 0 : index
    %get3A_292 = vector.load %arg3[%get3A_290, %get3A_291] : memref<2048x64xbf16, #tpu.memory_space<vmem>>, vector<512x64xbf16>
    %dot_general3A_293 = arith.constant dense<0.000000e+00> : vector<256x64xf32>
    %dot_general3A_294 = tpu.matmul %convert_element_type3A_289, %get3A_292, %dot_general3A_293 {dimension_numbers = #tpu.dot_dimension_numbers<[1], [0], [0], [1], [0, 0, 1, 1], [], []>, transpose_lhs_hint = false} : vector<256x512xbf16>, vector<512x64xbf16>, vector<256x64xf32> -> vector<256x64xf32>
    %add3A_295 = arith.addf %broadcast_in_dim3A_280, %dot_general3A_294 : vector<256x64xf32>
    %iota3A_296 = tpu.iota {dimensions = array<i32: 1>} : vector<256x512xi32>
    %add3A_297 = arith.constant 512 : i32
    %add3A_298 = vector.broadcast %add3A_297 : i32 to vector<256x512xi32>
    %add3A_299 = arith.addi %iota3A_296, %add3A_298 : vector<256x512xi32>
    %eq3A_300 = vector.broadcast %slice3A_278 : vector<256x1xi32> to vector<256x512xi32>
    %eq3A_301 = arith.cmpi eq, %eq3A_300, %add3A_299 : vector<256x512xi32>
    %convert_element_type3A_302 = arith.extui %eq3A_301 : vector<256x512xi1> to vector<256x512xi32>
    %convert_element_type3A_303 = arith.sitofp %convert_element_type3A_302 : vector<256x512xi32> to vector<256x512xf32>
    %convert_element_type3A_304 = arith.truncf %convert_element_type3A_303 : vector<256x512xf32> to vector<256x512xbf16>
    %get3A_305 = arith.constant 512 : index
    %get3A_306 = arith.constant 0 : index
    %get3A_307 = vector.load %arg3[%get3A_305, %get3A_306] : memref<2048x64xbf16, #tpu.memory_space<vmem>>, vector<512x64xbf16>
    %dot_general3A_308 = arith.constant dense<0.000000e+00> : vector<256x64xf32>
    %dot_general3A_309 = tpu.matmul %convert_element_type3A_304, %get3A_307, %dot_general3A_308 {dimension_numbers = #tpu.dot_dimension_numbers<[1], [0], [0], [1], [0, 0, 1, 1], [], []>, transpose_lhs_hint = false} : vector<256x512xbf16>, vector<512x64xbf16>, vector<256x64xf32> -> vector<256x64xf32>
    %add3A_310 = arith.addf %add3A_295, %dot_general3A_309 : vector<256x64xf32>
    %iota3A_311 = tpu.iota {dimensions = array<i32: 1>} : vector<256x512xi32>
    %add3A_312 = arith.constant 1024 : i32
    %add3A_313 = vector.broadcast %add3A_312 : i32 to vector<256x512xi32>
    %add3A_314 = arith.addi %iota3A_311, %add3A_313 : vector<256x512xi32>
    %eq3A_315 = vector.broadcast %slice3A_278 : vector<256x1xi32> to vector<256x512xi32>
    %eq3A_316 = arith.cmpi eq, %eq3A_315, %add3A_314 : vector<256x512xi32>
    %convert_element_type3A_317 = arith.extui %eq3A_316 : vector<256x512xi1> to vector<256x512xi32>
    %convert_element_type3A_318 = arith.sitofp %convert_element_type3A_317 : vector<256x512xi32> to vector<256x512xf32>
    %convert_element_type3A_319 = arith.truncf %convert_element_type3A_318 : vector<256x512xf32> to vector<256x512xbf16>
    %get3A_320 = arith.constant 1024 : index
    %get3A_321 = arith.constant 0 : index
    %get3A_322 = vector.load %arg3[%get3A_320, %get3A_321] : memref<2048x64xbf16, #tpu.memory_space<vmem>>, vector<512x64xbf16>
    %dot_general3A_323 = arith.constant dense<0.000000e+00> : vector<256x64xf32>
    %dot_general3A_324 = tpu.matmul %convert_element_type3A_319, %get3A_322, %dot_general3A_323 {dimension_numbers = #tpu.dot_dimension_numbers<[1], [0], [0], [1], [0, 0, 1, 1], [], []>, transpose_lhs_hint = false} : vector<256x512xbf16>, vector<512x64xbf16>, vector<256x64xf32> -> vector<256x64xf32>
    %add3A_325 = arith.addf %add3A_310, %dot_general3A_324 : vector<256x64xf32>
    %iota3A_326 = tpu.iota {dimensions = array<i32: 1>} : vector<256x512xi32>
    %add3A_327 = arith.constant 1536 : i32
    %add3A_328 = vector.broadcast %add3A_327 : i32 to vector<256x512xi32>
    %add3A_329 = arith.addi %iota3A_326, %add3A_328 : vector<256x512xi32>
    %eq3A_330 = vector.broadcast %slice3A_278 : vector<256x1xi32> to vector<256x512xi32>
    %eq3A_331 = arith.cmpi eq, %eq3A_330, %add3A_329 : vector<256x512xi32>
    %convert_element_type3A_332 = arith.extui %eq3A_331 : vector<256x512xi1> to vector<256x512xi32>
    %convert_element_type3A_333 = arith.sitofp %convert_element_type3A_332 : vector<256x512xi32> to vector<256x512xf32>
    %convert_element_type3A_334 = arith.truncf %convert_element_type3A_333 : vector<256x512xf32> to vector<256x512xbf16>
    %get3A_335 = arith.constant 1536 : index
    %get3A_336 = arith.constant 0 : index
    %get3A_337 = vector.load %arg3[%get3A_335, %get3A_336] : memref<2048x64xbf16, #tpu.memory_space<vmem>>, vector<512x64xbf16>
    %dot_general3A_338 = arith.constant dense<0.000000e+00> : vector<256x64xf32>
    %dot_general3A_339 = tpu.matmul %convert_element_type3A_334, %get3A_337, %dot_general3A_338 {dimension_numbers = #tpu.dot_dimension_numbers<[1], [0], [0], [1], [0, 0, 1, 1], [], []>, transpose_lhs_hint = false} : vector<256x512xbf16>, vector<512x64xbf16>, vector<256x64xf32> -> vector<256x64xf32>
    %add3A_340 = arith.addf %add3A_325, %dot_general3A_339 : vector<256x64xf32>
    %mul3A_341 = arith.mulf %convert_element_type3A_13, %add3A_340 : vector<256x64xf32>
    %reduce_sum3A_342 = arith.constant dense<0.000000e+00> : vector<256xf32>
    %reduce_sum3A_343 = vector.multi_reduction <add>, %mul3A_341, %reduce_sum3A_342 [1] : vector<256x64xf32> to vector<256xf32>
    %broadcast_in_dim3A_344 = vector.shape_cast %reduce_sum3A_343 : vector<256xf32> to vector<256x1xf32>
    %slice3A_345 = vector.extract_strided_slice %convert_element_type3A_6 {offsets = [0, 5], sizes = [256, 1], strides = [1, 1]} : vector<256x8xi32> to vector<256x1xi32>
    %broadcast_in_dim3A_346 = arith.constant 0.000000e+00 : f32
    %broadcast_in_dim3A_347 = vector.broadcast %broadcast_in_dim3A_346 : f32 to vector<256x64xf32>
    %iota3A_348 = tpu.iota {dimensions = array<i32: 1>} : vector<256x512xi32>
    %add3A_349 = arith.constant 0 : i32
    %add3A_350 = vector.broadcast %add3A_349 : i32 to vector<256x512xi32>
    %add3A_351 = arith.addi %iota3A_348, %add3A_350 : vector<256x512xi32>
    %eq3A_352 = vector.broadcast %slice3A_345 : vector<256x1xi32> to vector<256x512xi32>
    %eq3A_353 = arith.cmpi eq, %eq3A_352, %add3A_351 : vector<256x512xi32>
    %convert_element_type3A_354 = arith.extui %eq3A_353 : vector<256x512xi1> to vector<256x512xi32>
    %convert_element_type3A_355 = arith.sitofp %convert_element_type3A_354 : vector<256x512xi32> to vector<256x512xf32>
    %convert_element_type3A_356 = arith.truncf %convert_element_type3A_355 : vector<256x512xf32> to vector<256x512xbf16>
    %get3A_357 = arith.constant 0 : index
    %get3A_358 = arith.constant 0 : index
    %get3A_359 = vector.load %arg3[%get3A_357, %get3A_358] : memref<2048x64xbf16, #tpu.memory_space<vmem>>, vector<512x64xbf16>
    %dot_general3A_360 = arith.constant dense<0.000000e+00> : vector<256x64xf32>
    %dot_general3A_361 = tpu.matmul %convert_element_type3A_356, %get3A_359, %dot_general3A_360 {dimension_numbers = #tpu.dot_dimension_numbers<[1], [0], [0], [1], [0, 0, 1, 1], [], []>, transpose_lhs_hint = false} : vector<256x512xbf16>, vector<512x64xbf16>, vector<256x64xf32> -> vector<256x64xf32>
    %add3A_362 = arith.addf %broadcast_in_dim3A_347, %dot_general3A_361 : vector<256x64xf32>
    %iota3A_363 = tpu.iota {dimensions = array<i32: 1>} : vector<256x512xi32>
    %add3A_364 = arith.constant 512 : i32
    %add3A_365 = vector.broadcast %add3A_364 : i32 to vector<256x512xi32>
    %add3A_366 = arith.addi %iota3A_363, %add3A_365 : vector<256x512xi32>
    %eq3A_367 = vector.broadcast %slice3A_345 : vector<256x1xi32> to vector<256x512xi32>
    %eq3A_368 = arith.cmpi eq, %eq3A_367, %add3A_366 : vector<256x512xi32>
    %convert_element_type3A_369 = arith.extui %eq3A_368 : vector<256x512xi1> to vector<256x512xi32>
    %convert_element_type3A_370 = arith.sitofp %convert_element_type3A_369 : vector<256x512xi32> to vector<256x512xf32>
    %convert_element_type3A_371 = arith.truncf %convert_element_type3A_370 : vector<256x512xf32> to vector<256x512xbf16>
    %get3A_372 = arith.constant 512 : index
    %get3A_373 = arith.constant 0 : index
    %get3A_374 = vector.load %arg3[%get3A_372, %get3A_373] : memref<2048x64xbf16, #tpu.memory_space<vmem>>, vector<512x64xbf16>
    %dot_general3A_375 = arith.constant dense<0.000000e+00> : vector<256x64xf32>
    %dot_general3A_376 = tpu.matmul %convert_element_type3A_371, %get3A_374, %dot_general3A_375 {dimension_numbers = #tpu.dot_dimension_numbers<[1], [0], [0], [1], [0, 0, 1, 1], [], []>, transpose_lhs_hint = false} : vector<256x512xbf16>, vector<512x64xbf16>, vector<256x64xf32> -> vector<256x64xf32>
    %add3A_377 = arith.addf %add3A_362, %dot_general3A_376 : vector<256x64xf32>
    %iota3A_378 = tpu.iota {dimensions = array<i32: 1>} : vector<256x512xi32>
    %add3A_379 = arith.constant 1024 : i32
    %add3A_380 = vector.broadcast %add3A_379 : i32 to vector<256x512xi32>
    %add3A_381 = arith.addi %iota3A_378, %add3A_380 : vector<256x512xi32>
    %eq3A_382 = vector.broadcast %slice3A_345 : vector<256x1xi32> to vector<256x512xi32>
    %eq3A_383 = arith.cmpi eq, %eq3A_382, %add3A_381 : vector<256x512xi32>
    %convert_element_type3A_384 = arith.extui %eq3A_383 : vector<256x512xi1> to vector<256x512xi32>
    %convert_element_type3A_385 = arith.sitofp %convert_element_type3A_384 : vector<256x512xi32> to vector<256x512xf32>
    %convert_element_type3A_386 = arith.truncf %convert_element_type3A_385 : vector<256x512xf32> to vector<256x512xbf16>
    %get3A_387 = arith.constant 1024 : index
    %get3A_388 = arith.constant 0 : index
    %get3A_389 = vector.load %arg3[%get3A_387, %get3A_388] : memref<2048x64xbf16, #tpu.memory_space<vmem>>, vector<512x64xbf16>
    %dot_general3A_390 = arith.constant dense<0.000000e+00> : vector<256x64xf32>
    %dot_general3A_391 = tpu.matmul %convert_element_type3A_386, %get3A_389, %dot_general3A_390 {dimension_numbers = #tpu.dot_dimension_numbers<[1], [0], [0], [1], [0, 0, 1, 1], [], []>, transpose_lhs_hint = false} : vector<256x512xbf16>, vector<512x64xbf16>, vector<256x64xf32> -> vector<256x64xf32>
    %add3A_392 = arith.addf %add3A_377, %dot_general3A_391 : vector<256x64xf32>
    %iota3A_393 = tpu.iota {dimensions = array<i32: 1>} : vector<256x512xi32>
    %add3A_394 = arith.constant 1536 : i32
    %add3A_395 = vector.broadcast %add3A_394 : i32 to vector<256x512xi32>
    %add3A_396 = arith.addi %iota3A_393, %add3A_395 : vector<256x512xi32>
    %eq3A_397 = vector.broadcast %slice3A_345 : vector<256x1xi32> to vector<256x512xi32>
    %eq3A_398 = arith.cmpi eq, %eq3A_397, %add3A_396 : vector<256x512xi32>
    %convert_element_type3A_399 = arith.extui %eq3A_398 : vector<256x512xi1> to vector<256x512xi32>
    %convert_element_type3A_400 = arith.sitofp %convert_element_type3A_399 : vector<256x512xi32> to vector<256x512xf32>
    %convert_element_type3A_401 = arith.truncf %convert_element_type3A_400 : vector<256x512xf32> to vector<256x512xbf16>
    %get3A_402 = arith.constant 1536 : index
    %get3A_403 = arith.constant 0 : index
    %get3A_404 = vector.load %arg3[%get3A_402, %get3A_403] : memref<2048x64xbf16, #tpu.memory_space<vmem>>, vector<512x64xbf16>
    %dot_general3A_405 = arith.constant dense<0.000000e+00> : vector<256x64xf32>
    %dot_general3A_406 = tpu.matmul %convert_element_type3A_401, %get3A_404, %dot_general3A_405 {dimension_numbers = #tpu.dot_dimension_numbers<[1], [0], [0], [1], [0, 0, 1, 1], [], []>, transpose_lhs_hint = false} : vector<256x512xbf16>, vector<512x64xbf16>, vector<256x64xf32> -> vector<256x64xf32>
    %add3A_407 = arith.addf %add3A_392, %dot_general3A_406 : vector<256x64xf32>
    %mul3A_408 = arith.mulf %convert_element_type3A_13, %add3A_407 : vector<256x64xf32>
    %reduce_sum3A_409 = arith.constant dense<0.000000e+00> : vector<256xf32>
    %reduce_sum3A_410 = vector.multi_reduction <add>, %mul3A_408, %reduce_sum3A_409 [1] : vector<256x64xf32> to vector<256xf32>
    %broadcast_in_dim3A_411 = vector.shape_cast %reduce_sum3A_410 : vector<256xf32> to vector<256x1xf32>
    %slice3A_412 = vector.extract_strided_slice %convert_element_type3A_6 {offsets = [0, 6], sizes = [256, 1], strides = [1, 1]} : vector<256x8xi32> to vector<256x1xi32>
    %broadcast_in_dim3A_413 = arith.constant 0.000000e+00 : f32
    %broadcast_in_dim3A_414 = vector.broadcast %broadcast_in_dim3A_413 : f32 to vector<256x64xf32>
    %iota3A_415 = tpu.iota {dimensions = array<i32: 1>} : vector<256x512xi32>
    %add3A_416 = arith.constant 0 : i32
    %add3A_417 = vector.broadcast %add3A_416 : i32 to vector<256x512xi32>
    %add3A_418 = arith.addi %iota3A_415, %add3A_417 : vector<256x512xi32>
    %eq3A_419 = vector.broadcast %slice3A_412 : vector<256x1xi32> to vector<256x512xi32>
    %eq3A_420 = arith.cmpi eq, %eq3A_419, %add3A_418 : vector<256x512xi32>
    %convert_element_type3A_421 = arith.extui %eq3A_420 : vector<256x512xi1> to vector<256x512xi32>
    %convert_element_type3A_422 = arith.sitofp %convert_element_type3A_421 : vector<256x512xi32> to vector<256x512xf32>
    %convert_element_type3A_423 = arith.truncf %convert_element_type3A_422 : vector<256x512xf32> to vector<256x512xbf16>
    %get3A_424 = arith.constant 0 : index
    %get3A_425 = arith.constant 0 : index
    %get3A_426 = vector.load %arg3[%get3A_424, %get3A_425] : memref<2048x64xbf16, #tpu.memory_space<vmem>>, vector<512x64xbf16>
    %dot_general3A_427 = arith.constant dense<0.000000e+00> : vector<256x64xf32>
    %dot_general3A_428 = tpu.matmul %convert_element_type3A_423, %get3A_426, %dot_general3A_427 {dimension_numbers = #tpu.dot_dimension_numbers<[1], [0], [0], [1], [0, 0, 1, 1], [], []>, transpose_lhs_hint = false} : vector<256x512xbf16>, vector<512x64xbf16>, vector<256x64xf32> -> vector<256x64xf32>
    %add3A_429 = arith.addf %broadcast_in_dim3A_414, %dot_general3A_428 : vector<256x64xf32>
    %iota3A_430 = tpu.iota {dimensions = array<i32: 1>} : vector<256x512xi32>
    %add3A_431 = arith.constant 512 : i32
    %add3A_432 = vector.broadcast %add3A_431 : i32 to vector<256x512xi32>
    %add3A_433 = arith.addi %iota3A_430, %add3A_432 : vector<256x512xi32>
    %eq3A_434 = vector.broadcast %slice3A_412 : vector<256x1xi32> to vector<256x512xi32>
    %eq3A_435 = arith.cmpi eq, %eq3A_434, %add3A_433 : vector<256x512xi32>
    %convert_element_type3A_436 = arith.extui %eq3A_435 : vector<256x512xi1> to vector<256x512xi32>
    %convert_element_type3A_437 = arith.sitofp %convert_element_type3A_436 : vector<256x512xi32> to vector<256x512xf32>
    %convert_element_type3A_438 = arith.truncf %convert_element_type3A_437 : vector<256x512xf32> to vector<256x512xbf16>
    %get3A_439 = arith.constant 512 : index
    %get3A_440 = arith.constant 0 : index
    %get3A_441 = vector.load %arg3[%get3A_439, %get3A_440] : memref<2048x64xbf16, #tpu.memory_space<vmem>>, vector<512x64xbf16>
    %dot_general3A_442 = arith.constant dense<0.000000e+00> : vector<256x64xf32>
    %dot_general3A_443 = tpu.matmul %convert_element_type3A_438, %get3A_441, %dot_general3A_442 {dimension_numbers = #tpu.dot_dimension_numbers<[1], [0], [0], [1], [0, 0, 1, 1], [], []>, transpose_lhs_hint = false} : vector<256x512xbf16>, vector<512x64xbf16>, vector<256x64xf32> -> vector<256x64xf32>
    %add3A_444 = arith.addf %add3A_429, %dot_general3A_443 : vector<256x64xf32>
    %iota3A_445 = tpu.iota {dimensions = array<i32: 1>} : vector<256x512xi32>
    %add3A_446 = arith.constant 1024 : i32
    %add3A_447 = vector.broadcast %add3A_446 : i32 to vector<256x512xi32>
    %add3A_448 = arith.addi %iota3A_445, %add3A_447 : vector<256x512xi32>
    %eq3A_449 = vector.broadcast %slice3A_412 : vector<256x1xi32> to vector<256x512xi32>
    %eq3A_450 = arith.cmpi eq, %eq3A_449, %add3A_448 : vector<256x512xi32>
    %convert_element_type3A_451 = arith.extui %eq3A_450 : vector<256x512xi1> to vector<256x512xi32>
    %convert_element_type3A_452 = arith.sitofp %convert_element_type3A_451 : vector<256x512xi32> to vector<256x512xf32>
    %convert_element_type3A_453 = arith.truncf %convert_element_type3A_452 : vector<256x512xf32> to vector<256x512xbf16>
    %get3A_454 = arith.constant 1024 : index
    %get3A_455 = arith.constant 0 : index
    %get3A_456 = vector.load %arg3[%get3A_454, %get3A_455] : memref<2048x64xbf16, #tpu.memory_space<vmem>>, vector<512x64xbf16>
    %dot_general3A_457 = arith.constant dense<0.000000e+00> : vector<256x64xf32>
    %dot_general3A_458 = tpu.matmul %convert_element_type3A_453, %get3A_456, %dot_general3A_457 {dimension_numbers = #tpu.dot_dimension_numbers<[1], [0], [0], [1], [0, 0, 1, 1], [], []>, transpose_lhs_hint = false} : vector<256x512xbf16>, vector<512x64xbf16>, vector<256x64xf32> -> vector<256x64xf32>
    %add3A_459 = arith.addf %add3A_444, %dot_general3A_458 : vector<256x64xf32>
    %iota3A_460 = tpu.iota {dimensions = array<i32: 1>} : vector<256x512xi32>
    %add3A_461 = arith.constant 1536 : i32
    %add3A_462 = vector.broadcast %add3A_461 : i32 to vector<256x512xi32>
    %add3A_463 = arith.addi %iota3A_460, %add3A_462 : vector<256x512xi32>
    %eq3A_464 = vector.broadcast %slice3A_412 : vector<256x1xi32> to vector<256x512xi32>
    %eq3A_465 = arith.cmpi eq, %eq3A_464, %add3A_463 : vector<256x512xi32>
    %convert_element_type3A_466 = arith.extui %eq3A_465 : vector<256x512xi1> to vector<256x512xi32>
    %convert_element_type3A_467 = arith.sitofp %convert_element_type3A_466 : vector<256x512xi32> to vector<256x512xf32>
    %convert_element_type3A_468 = arith.truncf %convert_element_type3A_467 : vector<256x512xf32> to vector<256x512xbf16>
    %get3A_469 = arith.constant 1536 : index
    %get3A_470 = arith.constant 0 : index
    %get3A_471 = vector.load %arg3[%get3A_469, %get3A_470] : memref<2048x64xbf16, #tpu.memory_space<vmem>>, vector<512x64xbf16>
    %dot_general3A_472 = arith.constant dense<0.000000e+00> : vector<256x64xf32>
    %dot_general3A_473 = tpu.matmul %convert_element_type3A_468, %get3A_471, %dot_general3A_472 {dimension_numbers = #tpu.dot_dimension_numbers<[1], [0], [0], [1], [0, 0, 1, 1], [], []>, transpose_lhs_hint = false} : vector<256x512xbf16>, vector<512x64xbf16>, vector<256x64xf32> -> vector<256x64xf32>
    %add3A_474 = arith.addf %add3A_459, %dot_general3A_473 : vector<256x64xf32>
    %mul3A_475 = arith.mulf %convert_element_type3A_13, %add3A_474 : vector<256x64xf32>
    %reduce_sum3A_476 = arith.constant dense<0.000000e+00> : vector<256xf32>
    %reduce_sum3A_477 = vector.multi_reduction <add>, %mul3A_475, %reduce_sum3A_476 [1] : vector<256x64xf32> to vector<256xf32>
    %broadcast_in_dim3A_478 = vector.shape_cast %reduce_sum3A_477 : vector<256xf32> to vector<256x1xf32>
    %slice3A_479 = vector.extract_strided_slice %convert_element_type3A_6 {offsets = [0, 7], sizes = [256, 1], strides = [1, 1]} : vector<256x8xi32> to vector<256x1xi32>
    %broadcast_in_dim3A_480 = arith.constant 0.000000e+00 : f32
    %broadcast_in_dim3A_481 = vector.broadcast %broadcast_in_dim3A_480 : f32 to vector<256x64xf32>
    %iota3A_482 = tpu.iota {dimensions = array<i32: 1>} : vector<256x512xi32>
    %add3A_483 = arith.constant 0 : i32
    %add3A_484 = vector.broadcast %add3A_483 : i32 to vector<256x512xi32>
    %add3A_485 = arith.addi %iota3A_482, %add3A_484 : vector<256x512xi32>
    %eq3A_486 = vector.broadcast %slice3A_479 : vector<256x1xi32> to vector<256x512xi32>
    %eq3A_487 = arith.cmpi eq, %eq3A_486, %add3A_485 : vector<256x512xi32>
    %convert_element_type3A_488 = arith.extui %eq3A_487 : vector<256x512xi1> to vector<256x512xi32>
    %convert_element_type3A_489 = arith.sitofp %convert_element_type3A_488 : vector<256x512xi32> to vector<256x512xf32>
    %convert_element_type3A_490 = arith.truncf %convert_element_type3A_489 : vector<256x512xf32> to vector<256x512xbf16>
    %get3A_491 = arith.constant 0 : index
    %get3A_492 = arith.constant 0 : index
    %get3A_493 = vector.load %arg3[%get3A_491, %get3A_492] : memref<2048x64xbf16, #tpu.memory_space<vmem>>, vector<512x64xbf16>
    %dot_general3A_494 = arith.constant dense<0.000000e+00> : vector<256x64xf32>
    %dot_general3A_495 = tpu.matmul %convert_element_type3A_490, %get3A_493, %dot_general3A_494 {dimension_numbers = #tpu.dot_dimension_numbers<[1], [0], [0], [1], [0, 0, 1, 1], [], []>, transpose_lhs_hint = false} : vector<256x512xbf16>, vector<512x64xbf16>, vector<256x64xf32> -> vector<256x64xf32>
    %add3A_496 = arith.addf %broadcast_in_dim3A_481, %dot_general3A_495 : vector<256x64xf32>
    %iota3A_497 = tpu.iota {dimensions = array<i32: 1>} : vector<256x512xi32>
    %add3A_498 = arith.constant 512 : i32
    %add3A_499 = vector.broadcast %add3A_498 : i32 to vector<256x512xi32>
    %add3A_500 = arith.addi %iota3A_497, %add3A_499 : vector<256x512xi32>
    %eq3A_501 = vector.broadcast %slice3A_479 : vector<256x1xi32> to vector<256x512xi32>
    %eq3A_502 = arith.cmpi eq, %eq3A_501, %add3A_500 : vector<256x512xi32>
    %convert_element_type3A_503 = arith.extui %eq3A_502 : vector<256x512xi1> to vector<256x512xi32>
    %convert_element_type3A_504 = arith.sitofp %convert_element_type3A_503 : vector<256x512xi32> to vector<256x512xf32>
    %convert_element_type3A_505 = arith.truncf %convert_element_type3A_504 : vector<256x512xf32> to vector<256x512xbf16>
    %get3A_506 = arith.constant 512 : index
    %get3A_507 = arith.constant 0 : index
    %get3A_508 = vector.load %arg3[%get3A_506, %get3A_507] : memref<2048x64xbf16, #tpu.memory_space<vmem>>, vector<512x64xbf16>
    %dot_general3A_509 = arith.constant dense<0.000000e+00> : vector<256x64xf32>
    %dot_general3A_510 = tpu.matmul %convert_element_type3A_505, %get3A_508, %dot_general3A_509 {dimension_numbers = #tpu.dot_dimension_numbers<[1], [0], [0], [1], [0, 0, 1, 1], [], []>, transpose_lhs_hint = false} : vector<256x512xbf16>, vector<512x64xbf16>, vector<256x64xf32> -> vector<256x64xf32>
    %add3A_511 = arith.addf %add3A_496, %dot_general3A_510 : vector<256x64xf32>
    %iota3A_512 = tpu.iota {dimensions = array<i32: 1>} : vector<256x512xi32>
    %add3A_513 = arith.constant 1024 : i32
    %add3A_514 = vector.broadcast %add3A_513 : i32 to vector<256x512xi32>
    %add3A_515 = arith.addi %iota3A_512, %add3A_514 : vector<256x512xi32>
    %eq3A_516 = vector.broadcast %slice3A_479 : vector<256x1xi32> to vector<256x512xi32>
    %eq3A_517 = arith.cmpi eq, %eq3A_516, %add3A_515 : vector<256x512xi32>
    %convert_element_type3A_518 = arith.extui %eq3A_517 : vector<256x512xi1> to vector<256x512xi32>
    %convert_element_type3A_519 = arith.sitofp %convert_element_type3A_518 : vector<256x512xi32> to vector<256x512xf32>
    %convert_element_type3A_520 = arith.truncf %convert_element_type3A_519 : vector<256x512xf32> to vector<256x512xbf16>
    %get3A_521 = arith.constant 1024 : index
    %get3A_522 = arith.constant 0 : index
    %get3A_523 = vector.load %arg3[%get3A_521, %get3A_522] : memref<2048x64xbf16, #tpu.memory_space<vmem>>, vector<512x64xbf16>
    %dot_general3A_524 = arith.constant dense<0.000000e+00> : vector<256x64xf32>
    %dot_general3A_525 = tpu.matmul %convert_element_type3A_520, %get3A_523, %dot_general3A_524 {dimension_numbers = #tpu.dot_dimension_numbers<[1], [0], [0], [1], [0, 0, 1, 1], [], []>, transpose_lhs_hint = false} : vector<256x512xbf16>, vector<512x64xbf16>, vector<256x64xf32> -> vector<256x64xf32>
    %add3A_526 = arith.addf %add3A_511, %dot_general3A_525 : vector<256x64xf32>
    %iota3A_527 = tpu.iota {dimensions = array<i32: 1>} : vector<256x512xi32>
    %add3A_528 = arith.constant 1536 : i32
    %add3A_529 = vector.broadcast %add3A_528 : i32 to vector<256x512xi32>
    %add3A_530 = arith.addi %iota3A_527, %add3A_529 : vector<256x512xi32>
    %eq3A_531 = vector.broadcast %slice3A_479 : vector<256x1xi32> to vector<256x512xi32>
    %eq3A_532 = arith.cmpi eq, %eq3A_531, %add3A_530 : vector<256x512xi32>
    %convert_element_type3A_533 = arith.extui %eq3A_532 : vector<256x512xi1> to vector<256x512xi32>
    %convert_element_type3A_534 = arith.sitofp %convert_element_type3A_533 : vector<256x512xi32> to vector<256x512xf32>
    %convert_element_type3A_535 = arith.truncf %convert_element_type3A_534 : vector<256x512xf32> to vector<256x512xbf16>
    %get3A_536 = arith.constant 1536 : index
    %get3A_537 = arith.constant 0 : index
    %get3A_538 = vector.load %arg3[%get3A_536, %get3A_537] : memref<2048x64xbf16, #tpu.memory_space<vmem>>, vector<512x64xbf16>
    %dot_general3A_539 = arith.constant dense<0.000000e+00> : vector<256x64xf32>
    %dot_general3A_540 = tpu.matmul %convert_element_type3A_535, %get3A_538, %dot_general3A_539 {dimension_numbers = #tpu.dot_dimension_numbers<[1], [0], [0], [1], [0, 0, 1, 1], [], []>, transpose_lhs_hint = false} : vector<256x512xbf16>, vector<512x64xbf16>, vector<256x64xf32> -> vector<256x64xf32>
    %add3A_541 = arith.addf %add3A_526, %dot_general3A_540 : vector<256x64xf32>
    %mul3A_542 = arith.mulf %convert_element_type3A_13, %add3A_541 : vector<256x64xf32>
    %reduce_sum3A_543 = arith.constant dense<0.000000e+00> : vector<256xf32>
    %reduce_sum3A_544 = vector.multi_reduction <add>, %mul3A_542, %reduce_sum3A_543 [1] : vector<256x64xf32> to vector<256xf32>
    %broadcast_in_dim3A_545 = vector.shape_cast %reduce_sum3A_544 : vector<256xf32> to vector<256x1xf32>
    %concatenate3A = tpu.concatenate %broadcast_in_dim3A_76, %broadcast_in_dim3A_143, %broadcast_in_dim3A_210, %broadcast_in_dim3A_277, %broadcast_in_dim3A_344, %broadcast_in_dim3A_411, %broadcast_in_dim3A_478, %broadcast_in_dim3A_545 in 1 : vector<256x1xf32>, vector<256x1xf32>, vector<256x1xf32>, vector<256x1xf32>, vector<256x1xf32>, vector<256x1xf32>, vector<256x1xf32>, vector<256x1xf32> -> vector<256x8xf32>
    %mul3A_546 = arith.constant 1.250000e-01 : f32
    %mul3A_547 = vector.broadcast %mul3A_546 : f32 to vector<256x8xf32>
    %mul3A_548 = arith.mulf %concatenate3A, %mul3A_547 : vector<256x8xf32>
    %jit3A = arith.constant -1.000000e+09 : f32
    %broadcast_in_dim3A_549 = vector.broadcast %jit3A : f32 to vector<256x8xf32>
    %select_n3A = arith.select %ge3A_8, %mul3A_548, %broadcast_in_dim3A_549 : vector<256x8xi1>, vector<256x8xf32>
    %get3A_550 = arith.constant 0 : index
    %get3A_551 = arith.constant 0 : index
    %get3A_552 = vector.load %arg2[%get3A_550, %get3A_551] : memref<256x128xf32, #tpu.memory_space<vmem>>, vector<256x1xf32>
    %slice3A_553 = vector.extract_strided_slice %select_n3A {offsets = [0, 0], sizes = [256, 4], strides = [1, 1]} : vector<256x8xf32> to vector<256x4xf32>
    %slice3A_554 = vector.extract_strided_slice %ge3A_8 {offsets = [0, 0], sizes = [256, 4], strides = [1, 1]} : vector<256x8xi1> to vector<256x4xi1>
    %convert_element_type3A_555 = arith.extui %slice3A_554 : vector<256x4xi1> to vector<256x4xi32>
    %convert_element_type3A_556 = arith.sitofp %convert_element_type3A_555 : vector<256x4xi32> to vector<256x4xf32>
    %reduce_max3A = arith.constant dense<0xFF800000> : vector<256xf32>
    %reduce_max3A_557 = vector.multi_reduction <maximumf>, %slice3A_553, %reduce_max3A [1] : vector<256x4xf32> to vector<256xf32>
    %broadcast_in_dim3A_558 = vector.shape_cast %reduce_max3A_557 : vector<256xf32> to vector<256x1xf32>
    %sub3A = vector.broadcast %broadcast_in_dim3A_558 : vector<256x1xf32> to vector<256x4xf32>
    %sub3A_559 = arith.subf %slice3A_553, %sub3A : vector<256x4xf32>
    %exp3A = math.exp %sub3A_559 : vector<256x4xf32>
    %mul3A_560 = arith.mulf %exp3A, %convert_element_type3A_556 : vector<256x4xf32>
    %reduce_sum3A_561 = arith.constant dense<0.000000e+00> : vector<256xf32>
    %reduce_sum3A_562 = vector.multi_reduction <add>, %mul3A_560, %reduce_sum3A_561 [1] : vector<256x4xf32> to vector<256xf32>
    %broadcast_in_dim3A_563 = vector.shape_cast %reduce_sum3A_562 : vector<256xf32> to vector<256x1xf32>
    %div3A = vector.broadcast %broadcast_in_dim3A_563 : vector<256x1xf32> to vector<256x4xf32>
    %div3A_564 = arith.divf %mul3A_560, %div3A : vector<256x4xf32>
    %div3A_565 = arith.constant 2.000000e+00 : f32
    %div3A_566 = vector.broadcast %div3A_565 : f32 to vector<256x1xf32>
    %div3A_567 = arith.divf %get3A_552, %div3A_566 : vector<256x1xf32>
    %mul3A_568 = vector.broadcast %div3A_567 : vector<256x1xf32> to vector<256x4xf32>
    %mul3A_569 = arith.mulf %div3A_564, %mul3A_568 : vector<256x4xf32>
    %slice3A_570 = vector.extract_strided_slice %select_n3A {offsets = [0, 4], sizes = [256, 4], strides = [1, 1]} : vector<256x8xf32> to vector<256x4xf32>
    %slice3A_571 = vector.extract_strided_slice %ge3A_8 {offsets = [0, 4], sizes = [256, 4], strides = [1, 1]} : vector<256x8xi1> to vector<256x4xi1>
    %convert_element_type3A_572 = arith.extui %slice3A_571 : vector<256x4xi1> to vector<256x4xi32>
    %convert_element_type3A_573 = arith.sitofp %convert_element_type3A_572 : vector<256x4xi32> to vector<256x4xf32>
    %reduce_max3A_574 = arith.constant dense<0xFF800000> : vector<256xf32>
    %reduce_max3A_575 = vector.multi_reduction <maximumf>, %slice3A_570, %reduce_max3A_574 [1] : vector<256x4xf32> to vector<256xf32>
    %broadcast_in_dim3A_576 = vector.shape_cast %reduce_max3A_575 : vector<256xf32> to vector<256x1xf32>
    %sub3A_577 = vector.broadcast %broadcast_in_dim3A_576 : vector<256x1xf32> to vector<256x4xf32>
    %sub3A_578 = arith.subf %slice3A_570, %sub3A_577 : vector<256x4xf32>
    %exp3A_579 = math.exp %sub3A_578 : vector<256x4xf32>
    %mul3A_580 = arith.mulf %exp3A_579, %convert_element_type3A_573 : vector<256x4xf32>
    %reduce_sum3A_581 = arith.constant dense<0.000000e+00> : vector<256xf32>
    %reduce_sum3A_582 = vector.multi_reduction <add>, %mul3A_580, %reduce_sum3A_581 [1] : vector<256x4xf32> to vector<256xf32>
    %broadcast_in_dim3A_583 = vector.shape_cast %reduce_sum3A_582 : vector<256xf32> to vector<256x1xf32>
    %div3A_584 = vector.broadcast %broadcast_in_dim3A_583 : vector<256x1xf32> to vector<256x4xf32>
    %div3A_585 = arith.divf %mul3A_580, %div3A_584 : vector<256x4xf32>
    %div3A_586 = arith.constant 2.000000e+00 : f32
    %div3A_587 = vector.broadcast %div3A_586 : f32 to vector<256x1xf32>
    %div3A_588 = arith.divf %get3A_552, %div3A_587 : vector<256x1xf32>
    %mul3A_589 = vector.broadcast %div3A_588 : vector<256x1xf32> to vector<256x4xf32>
    %mul3A_590 = arith.mulf %div3A_585, %mul3A_589 : vector<256x4xf32>
    %concatenate3A_591 = tpu.concatenate %mul3A_569, %mul3A_590 in 1 : vector<256x4xf32>, vector<256x4xf32> -> vector<256x8xf32>
    %broadcast_in_dim3A_592 = arith.constant 0.000000e+00 : f32
    %broadcast_in_dim3A_593 = vector.broadcast %broadcast_in_dim3A_592 : f32 to vector<256x768xf32>
    %iota3A_594 = tpu.iota {dimensions = array<i32: 1>} : vector<256x256xi32>
    %add3A_595 = arith.constant 0 : i32
    %add3A_596 = vector.broadcast %add3A_595 : i32 to vector<256x256xi32>
    %add3A_597 = arith.addi %iota3A_594, %add3A_596 : vector<256x256xi32>
    %broadcast_in_dim3A_598 = arith.constant 0.000000e+00 : f32
    %broadcast_in_dim3A_599 = vector.broadcast %broadcast_in_dim3A_598 : f32 to vector<256x256xf32>
    %slice3A_600 = vector.extract_strided_slice %convert_element_type3A_6 {offsets = [0, 0], sizes = [256, 1], strides = [1, 1]} : vector<256x8xi32> to vector<256x1xi32>
    %eq3A_601 = vector.broadcast %slice3A_600 : vector<256x1xi32> to vector<256x256xi32>
    %eq3A_602 = arith.cmpi eq, %eq3A_601, %add3A_597 : vector<256x256xi32>
    %slice3A_603 = vector.extract_strided_slice %concatenate3A_591 {offsets = [0, 0], sizes = [256, 1], strides = [1, 1]} : vector<256x8xf32> to vector<256x1xf32>
    %jit3A_604 = arith.constant 0.000000e+00 : f32
    %broadcast_in_dim3A_605 = vector.shape_cast %slice3A_603 : vector<256x1xf32> to vector<256x1xf32>
    %broadcast_in_dim3A_606 = vector.broadcast %broadcast_in_dim3A_605 : vector<256x1xf32> to vector<256x256xf32>
    %broadcast_in_dim3A_607 = vector.broadcast %jit3A_604 : f32 to vector<256x256xf32>
    %select_n3A_608 = arith.select %eq3A_602, %broadcast_in_dim3A_606, %broadcast_in_dim3A_607 : vector<256x256xi1>, vector<256x256xf32>
    %add3A_609 = arith.addf %broadcast_in_dim3A_599, %select_n3A_608 : vector<256x256xf32>
    %slice3A_610 = vector.extract_strided_slice %convert_element_type3A_6 {offsets = [0, 1], sizes = [256, 1], strides = [1, 1]} : vector<256x8xi32> to vector<256x1xi32>
    %eq3A_611 = vector.broadcast %slice3A_610 : vector<256x1xi32> to vector<256x256xi32>
    %eq3A_612 = arith.cmpi eq, %eq3A_611, %add3A_597 : vector<256x256xi32>
    %slice3A_613 = vector.extract_strided_slice %concatenate3A_591 {offsets = [0, 1], sizes = [256, 1], strides = [1, 1]} : vector<256x8xf32> to vector<256x1xf32>
    %jit3A_614 = arith.constant 0.000000e+00 : f32
    %broadcast_in_dim3A_615 = vector.shape_cast %slice3A_613 : vector<256x1xf32> to vector<256x1xf32>
    %broadcast_in_dim3A_616 = vector.broadcast %broadcast_in_dim3A_615 : vector<256x1xf32> to vector<256x256xf32>
    %broadcast_in_dim3A_617 = vector.broadcast %jit3A_614 : f32 to vector<256x256xf32>
    %select_n3A_618 = arith.select %eq3A_612, %broadcast_in_dim3A_616, %broadcast_in_dim3A_617 : vector<256x256xi1>, vector<256x256xf32>
    %add3A_619 = arith.addf %add3A_609, %select_n3A_618 : vector<256x256xf32>
    %slice3A_620 = vector.extract_strided_slice %convert_element_type3A_6 {offsets = [0, 2], sizes = [256, 1], strides = [1, 1]} : vector<256x8xi32> to vector<256x1xi32>
    %eq3A_621 = vector.broadcast %slice3A_620 : vector<256x1xi32> to vector<256x256xi32>
    %eq3A_622 = arith.cmpi eq, %eq3A_621, %add3A_597 : vector<256x256xi32>
    %slice3A_623 = vector.extract_strided_slice %concatenate3A_591 {offsets = [0, 2], sizes = [256, 1], strides = [1, 1]} : vector<256x8xf32> to vector<256x1xf32>
    %jit3A_624 = arith.constant 0.000000e+00 : f32
    %broadcast_in_dim3A_625 = vector.shape_cast %slice3A_623 : vector<256x1xf32> to vector<256x1xf32>
    %broadcast_in_dim3A_626 = vector.broadcast %broadcast_in_dim3A_625 : vector<256x1xf32> to vector<256x256xf32>
    %broadcast_in_dim3A_627 = vector.broadcast %jit3A_624 : f32 to vector<256x256xf32>
    %select_n3A_628 = arith.select %eq3A_622, %broadcast_in_dim3A_626, %broadcast_in_dim3A_627 : vector<256x256xi1>, vector<256x256xf32>
    %add3A_629 = arith.addf %add3A_619, %select_n3A_628 : vector<256x256xf32>
    %slice3A_630 = vector.extract_strided_slice %convert_element_type3A_6 {offsets = [0, 3], sizes = [256, 1], strides = [1, 1]} : vector<256x8xi32> to vector<256x1xi32>
    %eq3A_631 = vector.broadcast %slice3A_630 : vector<256x1xi32> to vector<256x256xi32>
    %eq3A_632 = arith.cmpi eq, %eq3A_631, %add3A_597 : vector<256x256xi32>
    %slice3A_633 = vector.extract_strided_slice %concatenate3A_591 {offsets = [0, 3], sizes = [256, 1], strides = [1, 1]} : vector<256x8xf32> to vector<256x1xf32>
    %jit3A_634 = arith.constant 0.000000e+00 : f32
    %broadcast_in_dim3A_635 = vector.shape_cast %slice3A_633 : vector<256x1xf32> to vector<256x1xf32>
    %broadcast_in_dim3A_636 = vector.broadcast %broadcast_in_dim3A_635 : vector<256x1xf32> to vector<256x256xf32>
    %broadcast_in_dim3A_637 = vector.broadcast %jit3A_634 : f32 to vector<256x256xf32>
    %select_n3A_638 = arith.select %eq3A_632, %broadcast_in_dim3A_636, %broadcast_in_dim3A_637 : vector<256x256xi1>, vector<256x256xf32>
    %add3A_639 = arith.addf %add3A_629, %select_n3A_638 : vector<256x256xf32>
    %slice3A_640 = vector.extract_strided_slice %convert_element_type3A_6 {offsets = [0, 4], sizes = [256, 1], strides = [1, 1]} : vector<256x8xi32> to vector<256x1xi32>
    %eq3A_641 = vector.broadcast %slice3A_640 : vector<256x1xi32> to vector<256x256xi32>
    %eq3A_642 = arith.cmpi eq, %eq3A_641, %add3A_597 : vector<256x256xi32>
    %slice3A_643 = vector.extract_strided_slice %concatenate3A_591 {offsets = [0, 4], sizes = [256, 1], strides = [1, 1]} : vector<256x8xf32> to vector<256x1xf32>
    %jit3A_644 = arith.constant 0.000000e+00 : f32
    %broadcast_in_dim3A_645 = vector.shape_cast %slice3A_643 : vector<256x1xf32> to vector<256x1xf32>
    %broadcast_in_dim3A_646 = vector.broadcast %broadcast_in_dim3A_645 : vector<256x1xf32> to vector<256x256xf32>
    %broadcast_in_dim3A_647 = vector.broadcast %jit3A_644 : f32 to vector<256x256xf32>
    %select_n3A_648 = arith.select %eq3A_642, %broadcast_in_dim3A_646, %broadcast_in_dim3A_647 : vector<256x256xi1>, vector<256x256xf32>
    %add3A_649 = arith.addf %add3A_639, %select_n3A_648 : vector<256x256xf32>
    %slice3A_650 = vector.extract_strided_slice %convert_element_type3A_6 {offsets = [0, 5], sizes = [256, 1], strides = [1, 1]} : vector<256x8xi32> to vector<256x1xi32>
    %eq3A_651 = vector.broadcast %slice3A_650 : vector<256x1xi32> to vector<256x256xi32>
    %eq3A_652 = arith.cmpi eq, %eq3A_651, %add3A_597 : vector<256x256xi32>
    %slice3A_653 = vector.extract_strided_slice %concatenate3A_591 {offsets = [0, 5], sizes = [256, 1], strides = [1, 1]} : vector<256x8xf32> to vector<256x1xf32>
    %jit3A_654 = arith.constant 0.000000e+00 : f32
    %broadcast_in_dim3A_655 = vector.shape_cast %slice3A_653 : vector<256x1xf32> to vector<256x1xf32>
    %broadcast_in_dim3A_656 = vector.broadcast %broadcast_in_dim3A_655 : vector<256x1xf32> to vector<256x256xf32>
    %broadcast_in_dim3A_657 = vector.broadcast %jit3A_654 : f32 to vector<256x256xf32>
    %select_n3A_658 = arith.select %eq3A_652, %broadcast_in_dim3A_656, %broadcast_in_dim3A_657 : vector<256x256xi1>, vector<256x256xf32>
    %add3A_659 = arith.addf %add3A_649, %select_n3A_658 : vector<256x256xf32>
    %slice3A_660 = vector.extract_strided_slice %convert_element_type3A_6 {offsets = [0, 6], sizes = [256, 1], strides = [1, 1]} : vector<256x8xi32> to vector<256x1xi32>
    %eq3A_661 = vector.broadcast %slice3A_660 : vector<256x1xi32> to vector<256x256xi32>
    %eq3A_662 = arith.cmpi eq, %eq3A_661, %add3A_597 : vector<256x256xi32>
    %slice3A_663 = vector.extract_strided_slice %concatenate3A_591 {offsets = [0, 6], sizes = [256, 1], strides = [1, 1]} : vector<256x8xf32> to vector<256x1xf32>
    %jit3A_664 = arith.constant 0.000000e+00 : f32
    %broadcast_in_dim3A_665 = vector.shape_cast %slice3A_663 : vector<256x1xf32> to vector<256x1xf32>
    %broadcast_in_dim3A_666 = vector.broadcast %broadcast_in_dim3A_665 : vector<256x1xf32> to vector<256x256xf32>
    %broadcast_in_dim3A_667 = vector.broadcast %jit3A_664 : f32 to vector<256x256xf32>
    %select_n3A_668 = arith.select %eq3A_662, %broadcast_in_dim3A_666, %broadcast_in_dim3A_667 : vector<256x256xi1>, vector<256x256xf32>
    %add3A_669 = arith.addf %add3A_659, %select_n3A_668 : vector<256x256xf32>
    %slice3A_670 = vector.extract_strided_slice %convert_element_type3A_6 {offsets = [0, 7], sizes = [256, 1], strides = [1, 1]} : vector<256x8xi32> to vector<256x1xi32>
    %eq3A_671 = vector.broadcast %slice3A_670 : vector<256x1xi32> to vector<256x256xi32>
    %eq3A_672 = arith.cmpi eq, %eq3A_671, %add3A_597 : vector<256x256xi32>
    %slice3A_673 = vector.extract_strided_slice %concatenate3A_591 {offsets = [0, 7], sizes = [256, 1], strides = [1, 1]} : vector<256x8xf32> to vector<256x1xf32>
    %jit3A_674 = arith.constant 0.000000e+00 : f32
    %broadcast_in_dim3A_675 = vector.shape_cast %slice3A_673 : vector<256x1xf32> to vector<256x1xf32>
    %broadcast_in_dim3A_676 = vector.broadcast %broadcast_in_dim3A_675 : vector<256x1xf32> to vector<256x256xf32>
    %broadcast_in_dim3A_677 = vector.broadcast %jit3A_674 : f32 to vector<256x256xf32>
    %select_n3A_678 = arith.select %eq3A_672, %broadcast_in_dim3A_676, %broadcast_in_dim3A_677 : vector<256x256xi1>, vector<256x256xf32>
    %add3A_679 = arith.addf %add3A_669, %select_n3A_678 : vector<256x256xf32>
    %convert_element_type3A_680 = arith.truncf %add3A_679 : vector<256x256xf32> to vector<256x256xbf16>
    %get3A_681 = arith.constant 0 : index
    %get3A_682 = arith.constant 0 : index
    %get3A_683 = vector.load %arg5[%get3A_681, %get3A_682] : memref<2048x768xbf16, #tpu.memory_space<vmem>>, vector<256x768xbf16>
    %dot_general3A_684 = arith.constant dense<0.000000e+00> : vector<256x768xf32>
    %dot_general3A_685 = tpu.matmul %convert_element_type3A_680, %get3A_683, %dot_general3A_684 {dimension_numbers = #tpu.dot_dimension_numbers<[1], [0], [0], [1], [0, 0, 1, 1], [], []>, transpose_lhs_hint = false} : vector<256x256xbf16>, vector<256x768xbf16>, vector<256x768xf32> -> vector<256x768xf32>
    %add3A_686 = arith.addf %broadcast_in_dim3A_593, %dot_general3A_685 : vector<256x768xf32>
    %iota3A_687 = tpu.iota {dimensions = array<i32: 1>} : vector<256x256xi32>
    %add3A_688 = arith.constant 256 : i32
    %add3A_689 = vector.broadcast %add3A_688 : i32 to vector<256x256xi32>
    %add3A_690 = arith.addi %iota3A_687, %add3A_689 : vector<256x256xi32>
    %broadcast_in_dim3A_691 = arith.constant 0.000000e+00 : f32
    %broadcast_in_dim3A_692 = vector.broadcast %broadcast_in_dim3A_691 : f32 to vector<256x256xf32>
    %slice3A_693 = vector.extract_strided_slice %convert_element_type3A_6 {offsets = [0, 0], sizes = [256, 1], strides = [1, 1]} : vector<256x8xi32> to vector<256x1xi32>
    %eq3A_694 = vector.broadcast %slice3A_693 : vector<256x1xi32> to vector<256x256xi32>
    %eq3A_695 = arith.cmpi eq, %eq3A_694, %add3A_690 : vector<256x256xi32>
    %slice3A_696 = vector.extract_strided_slice %concatenate3A_591 {offsets = [0, 0], sizes = [256, 1], strides = [1, 1]} : vector<256x8xf32> to vector<256x1xf32>
    %jit3A_697 = arith.constant 0.000000e+00 : f32
    %broadcast_in_dim3A_698 = vector.shape_cast %slice3A_696 : vector<256x1xf32> to vector<256x1xf32>
    %broadcast_in_dim3A_699 = vector.broadcast %broadcast_in_dim3A_698 : vector<256x1xf32> to vector<256x256xf32>
    %broadcast_in_dim3A_700 = vector.broadcast %jit3A_697 : f32 to vector<256x256xf32>
    %select_n3A_701 = arith.select %eq3A_695, %broadcast_in_dim3A_699, %broadcast_in_dim3A_700 : vector<256x256xi1>, vector<256x256xf32>
    %add3A_702 = arith.addf %broadcast_in_dim3A_692, %select_n3A_701 : vector<256x256xf32>
    %slice3A_703 = vector.extract_strided_slice %convert_element_type3A_6 {offsets = [0, 1], sizes = [256, 1], strides = [1, 1]} : vector<256x8xi32> to vector<256x1xi32>
    %eq3A_704 = vector.broadcast %slice3A_703 : vector<256x1xi32> to vector<256x256xi32>
    %eq3A_705 = arith.cmpi eq, %eq3A_704, %add3A_690 : vector<256x256xi32>
    %slice3A_706 = vector.extract_strided_slice %concatenate3A_591 {offsets = [0, 1], sizes = [256, 1], strides = [1, 1]} : vector<256x8xf32> to vector<256x1xf32>
    %jit3A_707 = arith.constant 0.000000e+00 : f32
    %broadcast_in_dim3A_708 = vector.shape_cast %slice3A_706 : vector<256x1xf32> to vector<256x1xf32>
    %broadcast_in_dim3A_709 = vector.broadcast %broadcast_in_dim3A_708 : vector<256x1xf32> to vector<256x256xf32>
    %broadcast_in_dim3A_710 = vector.broadcast %jit3A_707 : f32 to vector<256x256xf32>
    %select_n3A_711 = arith.select %eq3A_705, %broadcast_in_dim3A_709, %broadcast_in_dim3A_710 : vector<256x256xi1>, vector<256x256xf32>
    %add3A_712 = arith.addf %add3A_702, %select_n3A_711 : vector<256x256xf32>
    %slice3A_713 = vector.extract_strided_slice %convert_element_type3A_6 {offsets = [0, 2], sizes = [256, 1], strides = [1, 1]} : vector<256x8xi32> to vector<256x1xi32>
    %eq3A_714 = vector.broadcast %slice3A_713 : vector<256x1xi32> to vector<256x256xi32>
    %eq3A_715 = arith.cmpi eq, %eq3A_714, %add3A_690 : vector<256x256xi32>
    %slice3A_716 = vector.extract_strided_slice %concatenate3A_591 {offsets = [0, 2], sizes = [256, 1], strides = [1, 1]} : vector<256x8xf32> to vector<256x1xf32>
    %jit3A_717 = arith.constant 0.000000e+00 : f32
    %broadcast_in_dim3A_718 = vector.shape_cast %slice3A_716 : vector<256x1xf32> to vector<256x1xf32>
    %broadcast_in_dim3A_719 = vector.broadcast %broadcast_in_dim3A_718 : vector<256x1xf32> to vector<256x256xf32>
    %broadcast_in_dim3A_720 = vector.broadcast %jit3A_717 : f32 to vector<256x256xf32>
    %select_n3A_721 = arith.select %eq3A_715, %broadcast_in_dim3A_719, %broadcast_in_dim3A_720 : vector<256x256xi1>, vector<256x256xf32>
    %add3A_722 = arith.addf %add3A_712, %select_n3A_721 : vector<256x256xf32>
    %slice3A_723 = vector.extract_strided_slice %convert_element_type3A_6 {offsets = [0, 3], sizes = [256, 1], strides = [1, 1]} : vector<256x8xi32> to vector<256x1xi32>
    %eq3A_724 = vector.broadcast %slice3A_723 : vector<256x1xi32> to vector<256x256xi32>
    %eq3A_725 = arith.cmpi eq, %eq3A_724, %add3A_690 : vector<256x256xi32>
    %slice3A_726 = vector.extract_strided_slice %concatenate3A_591 {offsets = [0, 3], sizes = [256, 1], strides = [1, 1]} : vector<256x8xf32> to vector<256x1xf32>
    %jit3A_727 = arith.constant 0.000000e+00 : f32
    %broadcast_in_dim3A_728 = vector.shape_cast %slice3A_726 : vector<256x1xf32> to vector<256x1xf32>
    %broadcast_in_dim3A_729 = vector.broadcast %broadcast_in_dim3A_728 : vector<256x1xf32> to vector<256x256xf32>
    %broadcast_in_dim3A_730 = vector.broadcast %jit3A_727 : f32 to vector<256x256xf32>
    %select_n3A_731 = arith.select %eq3A_725, %broadcast_in_dim3A_729, %broadcast_in_dim3A_730 : vector<256x256xi1>, vector<256x256xf32>
    %add3A_732 = arith.addf %add3A_722, %select_n3A_731 : vector<256x256xf32>
    %slice3A_733 = vector.extract_strided_slice %convert_element_type3A_6 {offsets = [0, 4], sizes = [256, 1], strides = [1, 1]} : vector<256x8xi32> to vector<256x1xi32>
    %eq3A_734 = vector.broadcast %slice3A_733 : vector<256x1xi32> to vector<256x256xi32>
    %eq3A_735 = arith.cmpi eq, %eq3A_734, %add3A_690 : vector<256x256xi32>
    %slice3A_736 = vector.extract_strided_slice %concatenate3A_591 {offsets = [0, 4], sizes = [256, 1], strides = [1, 1]} : vector<256x8xf32> to vector<256x1xf32>
    %jit3A_737 = arith.constant 0.000000e+00 : f32
    %broadcast_in_dim3A_738 = vector.shape_cast %slice3A_736 : vector<256x1xf32> to vector<256x1xf32>
    %broadcast_in_dim3A_739 = vector.broadcast %broadcast_in_dim3A_738 : vector<256x1xf32> to vector<256x256xf32>
    %broadcast_in_dim3A_740 = vector.broadcast %jit3A_737 : f32 to vector<256x256xf32>
    %select_n3A_741 = arith.select %eq3A_735, %broadcast_in_dim3A_739, %broadcast_in_dim3A_740 : vector<256x256xi1>, vector<256x256xf32>
    %add3A_742 = arith.addf %add3A_732, %select_n3A_741 : vector<256x256xf32>
    %slice3A_743 = vector.extract_strided_slice %convert_element_type3A_6 {offsets = [0, 5], sizes = [256, 1], strides = [1, 1]} : vector<256x8xi32> to vector<256x1xi32>
    %eq3A_744 = vector.broadcast %slice3A_743 : vector<256x1xi32> to vector<256x256xi32>
    %eq3A_745 = arith.cmpi eq, %eq3A_744, %add3A_690 : vector<256x256xi32>
    %slice3A_746 = vector.extract_strided_slice %concatenate3A_591 {offsets = [0, 5], sizes = [256, 1], strides = [1, 1]} : vector<256x8xf32> to vector<256x1xf32>
    %jit3A_747 = arith.constant 0.000000e+00 : f32
    %broadcast_in_dim3A_748 = vector.shape_cast %slice3A_746 : vector<256x1xf32> to vector<256x1xf32>
    %broadcast_in_dim3A_749 = vector.broadcast %broadcast_in_dim3A_748 : vector<256x1xf32> to vector<256x256xf32>
    %broadcast_in_dim3A_750 = vector.broadcast %jit3A_747 : f32 to vector<256x256xf32>
    %select_n3A_751 = arith.select %eq3A_745, %broadcast_in_dim3A_749, %broadcast_in_dim3A_750 : vector<256x256xi1>, vector<256x256xf32>
    %add3A_752 = arith.addf %add3A_742, %select_n3A_751 : vector<256x256xf32>
    %slice3A_753 = vector.extract_strided_slice %convert_element_type3A_6 {offsets = [0, 6], sizes = [256, 1], strides = [1, 1]} : vector<256x8xi32> to vector<256x1xi32>
    %eq3A_754 = vector.broadcast %slice3A_753 : vector<256x1xi32> to vector<256x256xi32>
    %eq3A_755 = arith.cmpi eq, %eq3A_754, %add3A_690 : vector<256x256xi32>
    %slice3A_756 = vector.extract_strided_slice %concatenate3A_591 {offsets = [0, 6], sizes = [256, 1], strides = [1, 1]} : vector<256x8xf32> to vector<256x1xf32>
    %jit3A_757 = arith.constant 0.000000e+00 : f32
    %broadcast_in_dim3A_758 = vector.shape_cast %slice3A_756 : vector<256x1xf32> to vector<256x1xf32>
    %broadcast_in_dim3A_759 = vector.broadcast %broadcast_in_dim3A_758 : vector<256x1xf32> to vector<256x256xf32>
    %broadcast_in_dim3A_760 = vector.broadcast %jit3A_757 : f32 to vector<256x256xf32>
    %select_n3A_761 = arith.select %eq3A_755, %broadcast_in_dim3A_759, %broadcast_in_dim3A_760 : vector<256x256xi1>, vector<256x256xf32>
    %add3A_762 = arith.addf %add3A_752, %select_n3A_761 : vector<256x256xf32>
    %slice3A_763 = vector.extract_strided_slice %convert_element_type3A_6 {offsets = [0, 7], sizes = [256, 1], strides = [1, 1]} : vector<256x8xi32> to vector<256x1xi32>
    %eq3A_764 = vector.broadcast %slice3A_763 : vector<256x1xi32> to vector<256x256xi32>
    %eq3A_765 = arith.cmpi eq, %eq3A_764, %add3A_690 : vector<256x256xi32>
    %slice3A_766 = vector.extract_strided_slice %concatenate3A_591 {offsets = [0, 7], sizes = [256, 1], strides = [1, 1]} : vector<256x8xf32> to vector<256x1xf32>
    %jit3A_767 = arith.constant 0.000000e+00 : f32
    %broadcast_in_dim3A_768 = vector.shape_cast %slice3A_766 : vector<256x1xf32> to vector<256x1xf32>
    %broadcast_in_dim3A_769 = vector.broadcast %broadcast_in_dim3A_768 : vector<256x1xf32> to vector<256x256xf32>
    %broadcast_in_dim3A_770 = vector.broadcast %jit3A_767 : f32 to vector<256x256xf32>
    %select_n3A_771 = arith.select %eq3A_765, %broadcast_in_dim3A_769, %broadcast_in_dim3A_770 : vector<256x256xi1>, vector<256x256xf32>
    %add3A_772 = arith.addf %add3A_762, %select_n3A_771 : vector<256x256xf32>
    %convert_element_type3A_773 = arith.truncf %add3A_772 : vector<256x256xf32> to vector<256x256xbf16>
    %get3A_774 = arith.constant 256 : index
    %get3A_775 = arith.constant 0 : index
    %get3A_776 = vector.load %arg5[%get3A_774, %get3A_775] : memref<2048x768xbf16, #tpu.memory_space<vmem>>, vector<256x768xbf16>
    %dot_general3A_777 = arith.constant dense<0.000000e+00> : vector<256x768xf32>
    %dot_general3A_778 = tpu.matmul %convert_element_type3A_773, %get3A_776, %dot_general3A_777 {dimension_numbers = #tpu.dot_dimension_numbers<[1], [0], [0], [1], [0, 0, 1, 1], [], []>, transpose_lhs_hint = false} : vector<256x256xbf16>, vector<256x768xbf16>, vector<256x768xf32> -> vector<256x768xf32>
    %add3A_779 = arith.addf %add3A_686, %dot_general3A_778 : vector<256x768xf32>
    %iota3A_780 = tpu.iota {dimensions = array<i32: 1>} : vector<256x256xi32>
    %add3A_781 = arith.constant 512 : i32
    %add3A_782 = vector.broadcast %add3A_781 : i32 to vector<256x256xi32>
    %add3A_783 = arith.addi %iota3A_780, %add3A_782 : vector<256x256xi32>
    %broadcast_in_dim3A_784 = arith.constant 0.000000e+00 : f32
    %broadcast_in_dim3A_785 = vector.broadcast %broadcast_in_dim3A_784 : f32 to vector<256x256xf32>
    %slice3A_786 = vector.extract_strided_slice %convert_element_type3A_6 {offsets = [0, 0], sizes = [256, 1], strides = [1, 1]} : vector<256x8xi32> to vector<256x1xi32>
    %eq3A_787 = vector.broadcast %slice3A_786 : vector<256x1xi32> to vector<256x256xi32>
    %eq3A_788 = arith.cmpi eq, %eq3A_787, %add3A_783 : vector<256x256xi32>
    %slice3A_789 = vector.extract_strided_slice %concatenate3A_591 {offsets = [0, 0], sizes = [256, 1], strides = [1, 1]} : vector<256x8xf32> to vector<256x1xf32>
    %jit3A_790 = arith.constant 0.000000e+00 : f32
    %broadcast_in_dim3A_791 = vector.shape_cast %slice3A_789 : vector<256x1xf32> to vector<256x1xf32>
    %broadcast_in_dim3A_792 = vector.broadcast %broadcast_in_dim3A_791 : vector<256x1xf32> to vector<256x256xf32>
    %broadcast_in_dim3A_793 = vector.broadcast %jit3A_790 : f32 to vector<256x256xf32>
    %select_n3A_794 = arith.select %eq3A_788, %broadcast_in_dim3A_792, %broadcast_in_dim3A_793 : vector<256x256xi1>, vector<256x256xf32>
    %add3A_795 = arith.addf %broadcast_in_dim3A_785, %select_n3A_794 : vector<256x256xf32>
    %slice3A_796 = vector.extract_strided_slice %convert_element_type3A_6 {offsets = [0, 1], sizes = [256, 1], strides = [1, 1]} : vector<256x8xi32> to vector<256x1xi32>
    %eq3A_797 = vector.broadcast %slice3A_796 : vector<256x1xi32> to vector<256x256xi32>
    %eq3A_798 = arith.cmpi eq, %eq3A_797, %add3A_783 : vector<256x256xi32>
    %slice3A_799 = vector.extract_strided_slice %concatenate3A_591 {offsets = [0, 1], sizes = [256, 1], strides = [1, 1]} : vector<256x8xf32> to vector<256x1xf32>
    %jit3A_800 = arith.constant 0.000000e+00 : f32
    %broadcast_in_dim3A_801 = vector.shape_cast %slice3A_799 : vector<256x1xf32> to vector<256x1xf32>
    %broadcast_in_dim3A_802 = vector.broadcast %broadcast_in_dim3A_801 : vector<256x1xf32> to vector<256x256xf32>
    %broadcast_in_dim3A_803 = vector.broadcast %jit3A_800 : f32 to vector<256x256xf32>
    %select_n3A_804 = arith.select %eq3A_798, %broadcast_in_dim3A_802, %broadcast_in_dim3A_803 : vector<256x256xi1>, vector<256x256xf32>
    %add3A_805 = arith.addf %add3A_795, %select_n3A_804 : vector<256x256xf32>
    %slice3A_806 = vector.extract_strided_slice %convert_element_type3A_6 {offsets = [0, 2], sizes = [256, 1], strides = [1, 1]} : vector<256x8xi32> to vector<256x1xi32>
    %eq3A_807 = vector.broadcast %slice3A_806 : vector<256x1xi32> to vector<256x256xi32>
    %eq3A_808 = arith.cmpi eq, %eq3A_807, %add3A_783 : vector<256x256xi32>
    %slice3A_809 = vector.extract_strided_slice %concatenate3A_591 {offsets = [0, 2], sizes = [256, 1], strides = [1, 1]} : vector<256x8xf32> to vector<256x1xf32>
    %jit3A_810 = arith.constant 0.000000e+00 : f32
    %broadcast_in_dim3A_811 = vector.shape_cast %slice3A_809 : vector<256x1xf32> to vector<256x1xf32>
    %broadcast_in_dim3A_812 = vector.broadcast %broadcast_in_dim3A_811 : vector<256x1xf32> to vector<256x256xf32>
    %broadcast_in_dim3A_813 = vector.broadcast %jit3A_810 : f32 to vector<256x256xf32>
    %select_n3A_814 = arith.select %eq3A_808, %broadcast_in_dim3A_812, %broadcast_in_dim3A_813 : vector<256x256xi1>, vector<256x256xf32>
    %add3A_815 = arith.addf %add3A_805, %select_n3A_814 : vector<256x256xf32>
    %slice3A_816 = vector.extract_strided_slice %convert_element_type3A_6 {offsets = [0, 3], sizes = [256, 1], strides = [1, 1]} : vector<256x8xi32> to vector<256x1xi32>
    %eq3A_817 = vector.broadcast %slice3A_816 : vector<256x1xi32> to vector<256x256xi32>
    %eq3A_818 = arith.cmpi eq, %eq3A_817, %add3A_783 : vector<256x256xi32>
    %slice3A_819 = vector.extract_strided_slice %concatenate3A_591 {offsets = [0, 3], sizes = [256, 1], strides = [1, 1]} : vector<256x8xf32> to vector<256x1xf32>
    %jit3A_820 = arith.constant 0.000000e+00 : f32
    %broadcast_in_dim3A_821 = vector.shape_cast %slice3A_819 : vector<256x1xf32> to vector<256x1xf32>
    %broadcast_in_dim3A_822 = vector.broadcast %broadcast_in_dim3A_821 : vector<256x1xf32> to vector<256x256xf32>
    %broadcast_in_dim3A_823 = vector.broadcast %jit3A_820 : f32 to vector<256x256xf32>
    %select_n3A_824 = arith.select %eq3A_818, %broadcast_in_dim3A_822, %broadcast_in_dim3A_823 : vector<256x256xi1>, vector<256x256xf32>
    %add3A_825 = arith.addf %add3A_815, %select_n3A_824 : vector<256x256xf32>
    %slice3A_826 = vector.extract_strided_slice %convert_element_type3A_6 {offsets = [0, 4], sizes = [256, 1], strides = [1, 1]} : vector<256x8xi32> to vector<256x1xi32>
    %eq3A_827 = vector.broadcast %slice3A_826 : vector<256x1xi32> to vector<256x256xi32>
    %eq3A_828 = arith.cmpi eq, %eq3A_827, %add3A_783 : vector<256x256xi32>
    %slice3A_829 = vector.extract_strided_slice %concatenate3A_591 {offsets = [0, 4], sizes = [256, 1], strides = [1, 1]} : vector<256x8xf32> to vector<256x1xf32>
    %jit3A_830 = arith.constant 0.000000e+00 : f32
    %broadcast_in_dim3A_831 = vector.shape_cast %slice3A_829 : vector<256x1xf32> to vector<256x1xf32>
    %broadcast_in_dim3A_832 = vector.broadcast %broadcast_in_dim3A_831 : vector<256x1xf32> to vector<256x256xf32>
    %broadcast_in_dim3A_833 = vector.broadcast %jit3A_830 : f32 to vector<256x256xf32>
    %select_n3A_834 = arith.select %eq3A_828, %broadcast_in_dim3A_832, %broadcast_in_dim3A_833 : vector<256x256xi1>, vector<256x256xf32>
    %add3A_835 = arith.addf %add3A_825, %select_n3A_834 : vector<256x256xf32>
    %slice3A_836 = vector.extract_strided_slice %convert_element_type3A_6 {offsets = [0, 5], sizes = [256, 1], strides = [1, 1]} : vector<256x8xi32> to vector<256x1xi32>
    %eq3A_837 = vector.broadcast %slice3A_836 : vector<256x1xi32> to vector<256x256xi32>
    %eq3A_838 = arith.cmpi eq, %eq3A_837, %add3A_783 : vector<256x256xi32>
    %slice3A_839 = vector.extract_strided_slice %concatenate3A_591 {offsets = [0, 5], sizes = [256, 1], strides = [1, 1]} : vector<256x8xf32> to vector<256x1xf32>
    %jit3A_840 = arith.constant 0.000000e+00 : f32
    %broadcast_in_dim3A_841 = vector.shape_cast %slice3A_839 : vector<256x1xf32> to vector<256x1xf32>
    %broadcast_in_dim3A_842 = vector.broadcast %broadcast_in_dim3A_841 : vector<256x1xf32> to vector<256x256xf32>
    %broadcast_in_dim3A_843 = vector.broadcast %jit3A_840 : f32 to vector<256x256xf32>
    %select_n3A_844 = arith.select %eq3A_838, %broadcast_in_dim3A_842, %broadcast_in_dim3A_843 : vector<256x256xi1>, vector<256x256xf32>
    %add3A_845 = arith.addf %add3A_835, %select_n3A_844 : vector<256x256xf32>
    %slice3A_846 = vector.extract_strided_slice %convert_element_type3A_6 {offsets = [0, 6], sizes = [256, 1], strides = [1, 1]} : vector<256x8xi32> to vector<256x1xi32>
    %eq3A_847 = vector.broadcast %slice3A_846 : vector<256x1xi32> to vector<256x256xi32>
    %eq3A_848 = arith.cmpi eq, %eq3A_847, %add3A_783 : vector<256x256xi32>
    %slice3A_849 = vector.extract_strided_slice %concatenate3A_591 {offsets = [0, 6], sizes = [256, 1], strides = [1, 1]} : vector<256x8xf32> to vector<256x1xf32>
    %jit3A_850 = arith.constant 0.000000e+00 : f32
    %broadcast_in_dim3A_851 = vector.shape_cast %slice3A_849 : vector<256x1xf32> to vector<256x1xf32>
    %broadcast_in_dim3A_852 = vector.broadcast %broadcast_in_dim3A_851 : vector<256x1xf32> to vector<256x256xf32>
    %broadcast_in_dim3A_853 = vector.broadcast %jit3A_850 : f32 to vector<256x256xf32>
    %select_n3A_854 = arith.select %eq3A_848, %broadcast_in_dim3A_852, %broadcast_in_dim3A_853 : vector<256x256xi1>, vector<256x256xf32>
    %add3A_855 = arith.addf %add3A_845, %select_n3A_854 : vector<256x256xf32>
    %slice3A_856 = vector.extract_strided_slice %convert_element_type3A_6 {offsets = [0, 7], sizes = [256, 1], strides = [1, 1]} : vector<256x8xi32> to vector<256x1xi32>
    %eq3A_857 = vector.broadcast %slice3A_856 : vector<256x1xi32> to vector<256x256xi32>
    %eq3A_858 = arith.cmpi eq, %eq3A_857, %add3A_783 : vector<256x256xi32>
    %slice3A_859 = vector.extract_strided_slice %concatenate3A_591 {offsets = [0, 7], sizes = [256, 1], strides = [1, 1]} : vector<256x8xf32> to vector<256x1xf32>
    %jit3A_860 = arith.constant 0.000000e+00 : f32
    %broadcast_in_dim3A_861 = vector.shape_cast %slice3A_859 : vector<256x1xf32> to vector<256x1xf32>
    %broadcast_in_dim3A_862 = vector.broadcast %broadcast_in_dim3A_861 : vector<256x1xf32> to vector<256x256xf32>
    %broadcast_in_dim3A_863 = vector.broadcast %jit3A_860 : f32 to vector<256x256xf32>
    %select_n3A_864 = arith.select %eq3A_858, %broadcast_in_dim3A_862, %broadcast_in_dim3A_863 : vector<256x256xi1>, vector<256x256xf32>
    %add3A_865 = arith.addf %add3A_855, %select_n3A_864 : vector<256x256xf32>
    %convert_element_type3A_866 = arith.truncf %add3A_865 : vector<256x256xf32> to vector<256x256xbf16>
    %get3A_867 = arith.constant 512 : index
    %get3A_868 = arith.constant 0 : index
    %get3A_869 = vector.load %arg5[%get3A_867, %get3A_868] : memref<2048x768xbf16, #tpu.memory_space<vmem>>, vector<256x768xbf16>
    %dot_general3A_870 = arith.constant dense<0.000000e+00> : vector<256x768xf32>
    %dot_general3A_871 = tpu.matmul %convert_element_type3A_866, %get3A_869, %dot_general3A_870 {dimension_numbers = #tpu.dot_dimension_numbers<[1], [0], [0], [1], [0, 0, 1, 1], [], []>, transpose_lhs_hint = false} : vector<256x256xbf16>, vector<256x768xbf16>, vector<256x768xf32> -> vector<256x768xf32>
    %add3A_872 = arith.addf %add3A_779, %dot_general3A_871 : vector<256x768xf32>
    %iota3A_873 = tpu.iota {dimensions = array<i32: 1>} : vector<256x256xi32>
    %add3A_874 = arith.constant 768 : i32
    %add3A_875 = vector.broadcast %add3A_874 : i32 to vector<256x256xi32>
    %add3A_876 = arith.addi %iota3A_873, %add3A_875 : vector<256x256xi32>
    %broadcast_in_dim3A_877 = arith.constant 0.000000e+00 : f32
    %broadcast_in_dim3A_878 = vector.broadcast %broadcast_in_dim3A_877 : f32 to vector<256x256xf32>
    %slice3A_879 = vector.extract_strided_slice %convert_element_type3A_6 {offsets = [0, 0], sizes = [256, 1], strides = [1, 1]} : vector<256x8xi32> to vector<256x1xi32>
    %eq3A_880 = vector.broadcast %slice3A_879 : vector<256x1xi32> to vector<256x256xi32>
    %eq3A_881 = arith.cmpi eq, %eq3A_880, %add3A_876 : vector<256x256xi32>
    %slice3A_882 = vector.extract_strided_slice %concatenate3A_591 {offsets = [0, 0], sizes = [256, 1], strides = [1, 1]} : vector<256x8xf32> to vector<256x1xf32>
    %jit3A_883 = arith.constant 0.000000e+00 : f32
    %broadcast_in_dim3A_884 = vector.shape_cast %slice3A_882 : vector<256x1xf32> to vector<256x1xf32>
    %broadcast_in_dim3A_885 = vector.broadcast %broadcast_in_dim3A_884 : vector<256x1xf32> to vector<256x256xf32>
    %broadcast_in_dim3A_886 = vector.broadcast %jit3A_883 : f32 to vector<256x256xf32>
    %select_n3A_887 = arith.select %eq3A_881, %broadcast_in_dim3A_885, %broadcast_in_dim3A_886 : vector<256x256xi1>, vector<256x256xf32>
    %add3A_888 = arith.addf %broadcast_in_dim3A_878, %select_n3A_887 : vector<256x256xf32>
    %slice3A_889 = vector.extract_strided_slice %convert_element_type3A_6 {offsets = [0, 1], sizes = [256, 1], strides = [1, 1]} : vector<256x8xi32> to vector<256x1xi32>
    %eq3A_890 = vector.broadcast %slice3A_889 : vector<256x1xi32> to vector<256x256xi32>
    %eq3A_891 = arith.cmpi eq, %eq3A_890, %add3A_876 : vector<256x256xi32>
    %slice3A_892 = vector.extract_strided_slice %concatenate3A_591 {offsets = [0, 1], sizes = [256, 1], strides = [1, 1]} : vector<256x8xf32> to vector<256x1xf32>
    %jit3A_893 = arith.constant 0.000000e+00 : f32
    %broadcast_in_dim3A_894 = vector.shape_cast %slice3A_892 : vector<256x1xf32> to vector<256x1xf32>
    %broadcast_in_dim3A_895 = vector.broadcast %broadcast_in_dim3A_894 : vector<256x1xf32> to vector<256x256xf32>
    %broadcast_in_dim3A_896 = vector.broadcast %jit3A_893 : f32 to vector<256x256xf32>
    %select_n3A_897 = arith.select %eq3A_891, %broadcast_in_dim3A_895, %broadcast_in_dim3A_896 : vector<256x256xi1>, vector<256x256xf32>
    %add3A_898 = arith.addf %add3A_888, %select_n3A_897 : vector<256x256xf32>
    %slice3A_899 = vector.extract_strided_slice %convert_element_type3A_6 {offsets = [0, 2], sizes = [256, 1], strides = [1, 1]} : vector<256x8xi32> to vector<256x1xi32>
    %eq3A_900 = vector.broadcast %slice3A_899 : vector<256x1xi32> to vector<256x256xi32>
    %eq3A_901 = arith.cmpi eq, %eq3A_900, %add3A_876 : vector<256x256xi32>
    %slice3A_902 = vector.extract_strided_slice %concatenate3A_591 {offsets = [0, 2], sizes = [256, 1], strides = [1, 1]} : vector<256x8xf32> to vector<256x1xf32>
    %jit3A_903 = arith.constant 0.000000e+00 : f32
    %broadcast_in_dim3A_904 = vector.shape_cast %slice3A_902 : vector<256x1xf32> to vector<256x1xf32>
    %broadcast_in_dim3A_905 = vector.broadcast %broadcast_in_dim3A_904 : vector<256x1xf32> to vector<256x256xf32>
    %broadcast_in_dim3A_906 = vector.broadcast %jit3A_903 : f32 to vector<256x256xf32>
    %select_n3A_907 = arith.select %eq3A_901, %broadcast_in_dim3A_905, %broadcast_in_dim3A_906 : vector<256x256xi1>, vector<256x256xf32>
    %add3A_908 = arith.addf %add3A_898, %select_n3A_907 : vector<256x256xf32>
    %slice3A_909 = vector.extract_strided_slice %convert_element_type3A_6 {offsets = [0, 3], sizes = [256, 1], strides = [1, 1]} : vector<256x8xi32> to vector<256x1xi32>
    %eq3A_910 = vector.broadcast %slice3A_909 : vector<256x1xi32> to vector<256x256xi32>
    %eq3A_911 = arith.cmpi eq, %eq3A_910, %add3A_876 : vector<256x256xi32>
    %slice3A_912 = vector.extract_strided_slice %concatenate3A_591 {offsets = [0, 3], sizes = [256, 1], strides = [1, 1]} : vector<256x8xf32> to vector<256x1xf32>
    %jit3A_913 = arith.constant 0.000000e+00 : f32
    %broadcast_in_dim3A_914 = vector.shape_cast %slice3A_912 : vector<256x1xf32> to vector<256x1xf32>
    %broadcast_in_dim3A_915 = vector.broadcast %broadcast_in_dim3A_914 : vector<256x1xf32> to vector<256x256xf32>
    %broadcast_in_dim3A_916 = vector.broadcast %jit3A_913 : f32 to vector<256x256xf32>
    %select_n3A_917 = arith.select %eq3A_911, %broadcast_in_dim3A_915, %broadcast_in_dim3A_916 : vector<256x256xi1>, vector<256x256xf32>
    %add3A_918 = arith.addf %add3A_908, %select_n3A_917 : vector<256x256xf32>
    %slice3A_919 = vector.extract_strided_slice %convert_element_type3A_6 {offsets = [0, 4], sizes = [256, 1], strides = [1, 1]} : vector<256x8xi32> to vector<256x1xi32>
    %eq3A_920 = vector.broadcast %slice3A_919 : vector<256x1xi32> to vector<256x256xi32>
    %eq3A_921 = arith.cmpi eq, %eq3A_920, %add3A_876 : vector<256x256xi32>
    %slice3A_922 = vector.extract_strided_slice %concatenate3A_591 {offsets = [0, 4], sizes = [256, 1], strides = [1, 1]} : vector<256x8xf32> to vector<256x1xf32>
    %jit3A_923 = arith.constant 0.000000e+00 : f32
    %broadcast_in_dim3A_924 = vector.shape_cast %slice3A_922 : vector<256x1xf32> to vector<256x1xf32>
    %broadcast_in_dim3A_925 = vector.broadcast %broadcast_in_dim3A_924 : vector<256x1xf32> to vector<256x256xf32>
    %broadcast_in_dim3A_926 = vector.broadcast %jit3A_923 : f32 to vector<256x256xf32>
    %select_n3A_927 = arith.select %eq3A_921, %broadcast_in_dim3A_925, %broadcast_in_dim3A_926 : vector<256x256xi1>, vector<256x256xf32>
    %add3A_928 = arith.addf %add3A_918, %select_n3A_927 : vector<256x256xf32>
    %slice3A_929 = vector.extract_strided_slice %convert_element_type3A_6 {offsets = [0, 5], sizes = [256, 1], strides = [1, 1]} : vector<256x8xi32> to vector<256x1xi32>
    %eq3A_930 = vector.broadcast %slice3A_929 : vector<256x1xi32> to vector<256x256xi32>
    %eq3A_931 = arith.cmpi eq, %eq3A_930, %add3A_876 : vector<256x256xi32>
    %slice3A_932 = vector.extract_strided_slice %concatenate3A_591 {offsets = [0, 5], sizes = [256, 1], strides = [1, 1]} : vector<256x8xf32> to vector<256x1xf32>
    %jit3A_933 = arith.constant 0.000000e+00 : f32
    %broadcast_in_dim3A_934 = vector.shape_cast %slice3A_932 : vector<256x1xf32> to vector<256x1xf32>
    %broadcast_in_dim3A_935 = vector.broadcast %broadcast_in_dim3A_934 : vector<256x1xf32> to vector<256x256xf32>
    %broadcast_in_dim3A_936 = vector.broadcast %jit3A_933 : f32 to vector<256x256xf32>
    %select_n3A_937 = arith.select %eq3A_931, %broadcast_in_dim3A_935, %broadcast_in_dim3A_936 : vector<256x256xi1>, vector<256x256xf32>
    %add3A_938 = arith.addf %add3A_928, %select_n3A_937 : vector<256x256xf32>
    %slice3A_939 = vector.extract_strided_slice %convert_element_type3A_6 {offsets = [0, 6], sizes = [256, 1], strides = [1, 1]} : vector<256x8xi32> to vector<256x1xi32>
    %eq3A_940 = vector.broadcast %slice3A_939 : vector<256x1xi32> to vector<256x256xi32>
    %eq3A_941 = arith.cmpi eq, %eq3A_940, %add3A_876 : vector<256x256xi32>
    %slice3A_942 = vector.extract_strided_slice %concatenate3A_591 {offsets = [0, 6], sizes = [256, 1], strides = [1, 1]} : vector<256x8xf32> to vector<256x1xf32>
    %jit3A_943 = arith.constant 0.000000e+00 : f32
    %broadcast_in_dim3A_944 = vector.shape_cast %slice3A_942 : vector<256x1xf32> to vector<256x1xf32>
    %broadcast_in_dim3A_945 = vector.broadcast %broadcast_in_dim3A_944 : vector<256x1xf32> to vector<256x256xf32>
    %broadcast_in_dim3A_946 = vector.broadcast %jit3A_943 : f32 to vector<256x256xf32>
    %select_n3A_947 = arith.select %eq3A_941, %broadcast_in_dim3A_945, %broadcast_in_dim3A_946 : vector<256x256xi1>, vector<256x256xf32>
    %add3A_948 = arith.addf %add3A_938, %select_n3A_947 : vector<256x256xf32>
    %slice3A_949 = vector.extract_strided_slice %convert_element_type3A_6 {offsets = [0, 7], sizes = [256, 1], strides = [1, 1]} : vector<256x8xi32> to vector<256x1xi32>
    %eq3A_950 = vector.broadcast %slice3A_949 : vector<256x1xi32> to vector<256x256xi32>
    %eq3A_951 = arith.cmpi eq, %eq3A_950, %add3A_876 : vector<256x256xi32>
    %slice3A_952 = vector.extract_strided_slice %concatenate3A_591 {offsets = [0, 7], sizes = [256, 1], strides = [1, 1]} : vector<256x8xf32> to vector<256x1xf32>
    %jit3A_953 = arith.constant 0.000000e+00 : f32
    %broadcast_in_dim3A_954 = vector.shape_cast %slice3A_952 : vector<256x1xf32> to vector<256x1xf32>
    %broadcast_in_dim3A_955 = vector.broadcast %broadcast_in_dim3A_954 : vector<256x1xf32> to vector<256x256xf32>
    %broadcast_in_dim3A_956 = vector.broadcast %jit3A_953 : f32 to vector<256x256xf32>
    %select_n3A_957 = arith.select %eq3A_951, %broadcast_in_dim3A_955, %broadcast_in_dim3A_956 : vector<256x256xi1>, vector<256x256xf32>
    %add3A_958 = arith.addf %add3A_948, %select_n3A_957 : vector<256x256xf32>
    %convert_element_type3A_959 = arith.truncf %add3A_958 : vector<256x256xf32> to vector<256x256xbf16>
    %get3A_960 = arith.constant 768 : index
    %get3A_961 = arith.constant 0 : index
    %get3A_962 = vector.load %arg5[%get3A_960, %get3A_961] : memref<2048x768xbf16, #tpu.memory_space<vmem>>, vector<256x768xbf16>
    %dot_general3A_963 = arith.constant dense<0.000000e+00> : vector<256x768xf32>
    %dot_general3A_964 = tpu.matmul %convert_element_type3A_959, %get3A_962, %dot_general3A_963 {dimension_numbers = #tpu.dot_dimension_numbers<[1], [0], [0], [1], [0, 0, 1, 1], [], []>, transpose_lhs_hint = false} : vector<256x256xbf16>, vector<256x768xbf16>, vector<256x768xf32> -> vector<256x768xf32>
    %add3A_965 = arith.addf %add3A_872, %dot_general3A_964 : vector<256x768xf32>
    %iota3A_966 = tpu.iota {dimensions = array<i32: 1>} : vector<256x256xi32>
    %add3A_967 = arith.constant 1024 : i32
    %add3A_968 = vector.broadcast %add3A_967 : i32 to vector<256x256xi32>
    %add3A_969 = arith.addi %iota3A_966, %add3A_968 : vector<256x256xi32>
    %broadcast_in_dim3A_970 = arith.constant 0.000000e+00 : f32
    %broadcast_in_dim3A_971 = vector.broadcast %broadcast_in_dim3A_970 : f32 to vector<256x256xf32>
    %slice3A_972 = vector.extract_strided_slice %convert_element_type3A_6 {offsets = [0, 0], sizes = [256, 1], strides = [1, 1]} : vector<256x8xi32> to vector<256x1xi32>
    %eq3A_973 = vector.broadcast %slice3A_972 : vector<256x1xi32> to vector<256x256xi32>
    %eq3A_974 = arith.cmpi eq, %eq3A_973, %add3A_969 : vector<256x256xi32>
    %slice3A_975 = vector.extract_strided_slice %concatenate3A_591 {offsets = [0, 0], sizes = [256, 1], strides = [1, 1]} : vector<256x8xf32> to vector<256x1xf32>
    %jit3A_976 = arith.constant 0.000000e+00 : f32
    %broadcast_in_dim3A_977 = vector.shape_cast %slice3A_975 : vector<256x1xf32> to vector<256x1xf32>
    %broadcast_in_dim3A_978 = vector.broadcast %broadcast_in_dim3A_977 : vector<256x1xf32> to vector<256x256xf32>
    %broadcast_in_dim3A_979 = vector.broadcast %jit3A_976 : f32 to vector<256x256xf32>
    %select_n3A_980 = arith.select %eq3A_974, %broadcast_in_dim3A_978, %broadcast_in_dim3A_979 : vector<256x256xi1>, vector<256x256xf32>
    %add3A_981 = arith.addf %broadcast_in_dim3A_971, %select_n3A_980 : vector<256x256xf32>
    %slice3A_982 = vector.extract_strided_slice %convert_element_type3A_6 {offsets = [0, 1], sizes = [256, 1], strides = [1, 1]} : vector<256x8xi32> to vector<256x1xi32>
    %eq3A_983 = vector.broadcast %slice3A_982 : vector<256x1xi32> to vector<256x256xi32>
    %eq3A_984 = arith.cmpi eq, %eq3A_983, %add3A_969 : vector<256x256xi32>
    %slice3A_985 = vector.extract_strided_slice %concatenate3A_591 {offsets = [0, 1], sizes = [256, 1], strides = [1, 1]} : vector<256x8xf32> to vector<256x1xf32>
    %jit3A_986 = arith.constant 0.000000e+00 : f32
    %broadcast_in_dim3A_987 = vector.shape_cast %slice3A_985 : vector<256x1xf32> to vector<256x1xf32>
    %broadcast_in_dim3A_988 = vector.broadcast %broadcast_in_dim3A_987 : vector<256x1xf32> to vector<256x256xf32>
    %broadcast_in_dim3A_989 = vector.broadcast %jit3A_986 : f32 to vector<256x256xf32>
    %select_n3A_990 = arith.select %eq3A_984, %broadcast_in_dim3A_988, %broadcast_in_dim3A_989 : vector<256x256xi1>, vector<256x256xf32>
    %add3A_991 = arith.addf %add3A_981, %select_n3A_990 : vector<256x256xf32>
    %slice3A_992 = vector.extract_strided_slice %convert_element_type3A_6 {offsets = [0, 2], sizes = [256, 1], strides = [1, 1]} : vector<256x8xi32> to vector<256x1xi32>
    %eq3A_993 = vector.broadcast %slice3A_992 : vector<256x1xi32> to vector<256x256xi32>
    %eq3A_994 = arith.cmpi eq, %eq3A_993, %add3A_969 : vector<256x256xi32>
    %slice3A_995 = vector.extract_strided_slice %concatenate3A_591 {offsets = [0, 2], sizes = [256, 1], strides = [1, 1]} : vector<256x8xf32> to vector<256x1xf32>
    %jit3A_996 = arith.constant 0.000000e+00 : f32
    %broadcast_in_dim3A_997 = vector.shape_cast %slice3A_995 : vector<256x1xf32> to vector<256x1xf32>
    %broadcast_in_dim3A_998 = vector.broadcast %broadcast_in_dim3A_997 : vector<256x1xf32> to vector<256x256xf32>
    %broadcast_in_dim3A_999 = vector.broadcast %jit3A_996 : f32 to vector<256x256xf32>
    %select_n3A_1000 = arith.select %eq3A_994, %broadcast_in_dim3A_998, %broadcast_in_dim3A_999 : vector<256x256xi1>, vector<256x256xf32>
    %add3A_1001 = arith.addf %add3A_991, %select_n3A_1000 : vector<256x256xf32>
    %slice3A_1002 = vector.extract_strided_slice %convert_element_type3A_6 {offsets = [0, 3], sizes = [256, 1], strides = [1, 1]} : vector<256x8xi32> to vector<256x1xi32>
    %eq3A_1003 = vector.broadcast %slice3A_1002 : vector<256x1xi32> to vector<256x256xi32>
    %eq3A_1004 = arith.cmpi eq, %eq3A_1003, %add3A_969 : vector<256x256xi32>
    %slice3A_1005 = vector.extract_strided_slice %concatenate3A_591 {offsets = [0, 3], sizes = [256, 1], strides = [1, 1]} : vector<256x8xf32> to vector<256x1xf32>
    %jit3A_1006 = arith.constant 0.000000e+00 : f32
    %broadcast_in_dim3A_1007 = vector.shape_cast %slice3A_1005 : vector<256x1xf32> to vector<256x1xf32>
    %broadcast_in_dim3A_1008 = vector.broadcast %broadcast_in_dim3A_1007 : vector<256x1xf32> to vector<256x256xf32>
    %broadcast_in_dim3A_1009 = vector.broadcast %jit3A_1006 : f32 to vector<256x256xf32>
    %select_n3A_1010 = arith.select %eq3A_1004, %broadcast_in_dim3A_1008, %broadcast_in_dim3A_1009 : vector<256x256xi1>, vector<256x256xf32>
    %add3A_1011 = arith.addf %add3A_1001, %select_n3A_1010 : vector<256x256xf32>
    %slice3A_1012 = vector.extract_strided_slice %convert_element_type3A_6 {offsets = [0, 4], sizes = [256, 1], strides = [1, 1]} : vector<256x8xi32> to vector<256x1xi32>
    %eq3A_1013 = vector.broadcast %slice3A_1012 : vector<256x1xi32> to vector<256x256xi32>
    %eq3A_1014 = arith.cmpi eq, %eq3A_1013, %add3A_969 : vector<256x256xi32>
    %slice3A_1015 = vector.extract_strided_slice %concatenate3A_591 {offsets = [0, 4], sizes = [256, 1], strides = [1, 1]} : vector<256x8xf32> to vector<256x1xf32>
    %jit3A_1016 = arith.constant 0.000000e+00 : f32
    %broadcast_in_dim3A_1017 = vector.shape_cast %slice3A_1015 : vector<256x1xf32> to vector<256x1xf32>
    %broadcast_in_dim3A_1018 = vector.broadcast %broadcast_in_dim3A_1017 : vector<256x1xf32> to vector<256x256xf32>
    %broadcast_in_dim3A_1019 = vector.broadcast %jit3A_1016 : f32 to vector<256x256xf32>
    %select_n3A_1020 = arith.select %eq3A_1014, %broadcast_in_dim3A_1018, %broadcast_in_dim3A_1019 : vector<256x256xi1>, vector<256x256xf32>
    %add3A_1021 = arith.addf %add3A_1011, %select_n3A_1020 : vector<256x256xf32>
    %slice3A_1022 = vector.extract_strided_slice %convert_element_type3A_6 {offsets = [0, 5], sizes = [256, 1], strides = [1, 1]} : vector<256x8xi32> to vector<256x1xi32>
    %eq3A_1023 = vector.broadcast %slice3A_1022 : vector<256x1xi32> to vector<256x256xi32>
    %eq3A_1024 = arith.cmpi eq, %eq3A_1023, %add3A_969 : vector<256x256xi32>
    %slice3A_1025 = vector.extract_strided_slice %concatenate3A_591 {offsets = [0, 5], sizes = [256, 1], strides = [1, 1]} : vector<256x8xf32> to vector<256x1xf32>
    %jit3A_1026 = arith.constant 0.000000e+00 : f32
    %broadcast_in_dim3A_1027 = vector.shape_cast %slice3A_1025 : vector<256x1xf32> to vector<256x1xf32>
    %broadcast_in_dim3A_1028 = vector.broadcast %broadcast_in_dim3A_1027 : vector<256x1xf32> to vector<256x256xf32>
    %broadcast_in_dim3A_1029 = vector.broadcast %jit3A_1026 : f32 to vector<256x256xf32>
    %select_n3A_1030 = arith.select %eq3A_1024, %broadcast_in_dim3A_1028, %broadcast_in_dim3A_1029 : vector<256x256xi1>, vector<256x256xf32>
    %add3A_1031 = arith.addf %add3A_1021, %select_n3A_1030 : vector<256x256xf32>
    %slice3A_1032 = vector.extract_strided_slice %convert_element_type3A_6 {offsets = [0, 6], sizes = [256, 1], strides = [1, 1]} : vector<256x8xi32> to vector<256x1xi32>
    %eq3A_1033 = vector.broadcast %slice3A_1032 : vector<256x1xi32> to vector<256x256xi32>
    %eq3A_1034 = arith.cmpi eq, %eq3A_1033, %add3A_969 : vector<256x256xi32>
    %slice3A_1035 = vector.extract_strided_slice %concatenate3A_591 {offsets = [0, 6], sizes = [256, 1], strides = [1, 1]} : vector<256x8xf32> to vector<256x1xf32>
    %jit3A_1036 = arith.constant 0.000000e+00 : f32
    %broadcast_in_dim3A_1037 = vector.shape_cast %slice3A_1035 : vector<256x1xf32> to vector<256x1xf32>
    %broadcast_in_dim3A_1038 = vector.broadcast %broadcast_in_dim3A_1037 : vector<256x1xf32> to vector<256x256xf32>
    %broadcast_in_dim3A_1039 = vector.broadcast %jit3A_1036 : f32 to vector<256x256xf32>
    %select_n3A_1040 = arith.select %eq3A_1034, %broadcast_in_dim3A_1038, %broadcast_in_dim3A_1039 : vector<256x256xi1>, vector<256x256xf32>
    %add3A_1041 = arith.addf %add3A_1031, %select_n3A_1040 : vector<256x256xf32>
    %slice3A_1042 = vector.extract_strided_slice %convert_element_type3A_6 {offsets = [0, 7], sizes = [256, 1], strides = [1, 1]} : vector<256x8xi32> to vector<256x1xi32>
    %eq3A_1043 = vector.broadcast %slice3A_1042 : vector<256x1xi32> to vector<256x256xi32>
    %eq3A_1044 = arith.cmpi eq, %eq3A_1043, %add3A_969 : vector<256x256xi32>
    %slice3A_1045 = vector.extract_strided_slice %concatenate3A_591 {offsets = [0, 7], sizes = [256, 1], strides = [1, 1]} : vector<256x8xf32> to vector<256x1xf32>
    %jit3A_1046 = arith.constant 0.000000e+00 : f32
    %broadcast_in_dim3A_1047 = vector.shape_cast %slice3A_1045 : vector<256x1xf32> to vector<256x1xf32>
    %broadcast_in_dim3A_1048 = vector.broadcast %broadcast_in_dim3A_1047 : vector<256x1xf32> to vector<256x256xf32>
    %broadcast_in_dim3A_1049 = vector.broadcast %jit3A_1046 : f32 to vector<256x256xf32>
    %select_n3A_1050 = arith.select %eq3A_1044, %broadcast_in_dim3A_1048, %broadcast_in_dim3A_1049 : vector<256x256xi1>, vector<256x256xf32>
    %add3A_1051 = arith.addf %add3A_1041, %select_n3A_1050 : vector<256x256xf32>
    %convert_element_type3A_1052 = arith.truncf %add3A_1051 : vector<256x256xf32> to vector<256x256xbf16>
    %get3A_1053 = arith.constant 1024 : index
    %get3A_1054 = arith.constant 0 : index
    %get3A_1055 = vector.load %arg5[%get3A_1053, %get3A_1054] : memref<2048x768xbf16, #tpu.memory_space<vmem>>, vector<256x768xbf16>
    %dot_general3A_1056 = arith.constant dense<0.000000e+00> : vector<256x768xf32>
    %dot_general3A_1057 = tpu.matmul %convert_element_type3A_1052, %get3A_1055, %dot_general3A_1056 {dimension_numbers = #tpu.dot_dimension_numbers<[1], [0], [0], [1], [0, 0, 1, 1], [], []>, transpose_lhs_hint = false} : vector<256x256xbf16>, vector<256x768xbf16>, vector<256x768xf32> -> vector<256x768xf32>
    %add3A_1058 = arith.addf %add3A_965, %dot_general3A_1057 : vector<256x768xf32>
    %iota3A_1059 = tpu.iota {dimensions = array<i32: 1>} : vector<256x256xi32>
    %add3A_1060 = arith.constant 1280 : i32
    %add3A_1061 = vector.broadcast %add3A_1060 : i32 to vector<256x256xi32>
    %add3A_1062 = arith.addi %iota3A_1059, %add3A_1061 : vector<256x256xi32>
    %broadcast_in_dim3A_1063 = arith.constant 0.000000e+00 : f32
    %broadcast_in_dim3A_1064 = vector.broadcast %broadcast_in_dim3A_1063 : f32 to vector<256x256xf32>
    %slice3A_1065 = vector.extract_strided_slice %convert_element_type3A_6 {offsets = [0, 0], sizes = [256, 1], strides = [1, 1]} : vector<256x8xi32> to vector<256x1xi32>
    %eq3A_1066 = vector.broadcast %slice3A_1065 : vector<256x1xi32> to vector<256x256xi32>
    %eq3A_1067 = arith.cmpi eq, %eq3A_1066, %add3A_1062 : vector<256x256xi32>
    %slice3A_1068 = vector.extract_strided_slice %concatenate3A_591 {offsets = [0, 0], sizes = [256, 1], strides = [1, 1]} : vector<256x8xf32> to vector<256x1xf32>
    %jit3A_1069 = arith.constant 0.000000e+00 : f32
    %broadcast_in_dim3A_1070 = vector.shape_cast %slice3A_1068 : vector<256x1xf32> to vector<256x1xf32>
    %broadcast_in_dim3A_1071 = vector.broadcast %broadcast_in_dim3A_1070 : vector<256x1xf32> to vector<256x256xf32>
    %broadcast_in_dim3A_1072 = vector.broadcast %jit3A_1069 : f32 to vector<256x256xf32>
    %select_n3A_1073 = arith.select %eq3A_1067, %broadcast_in_dim3A_1071, %broadcast_in_dim3A_1072 : vector<256x256xi1>, vector<256x256xf32>
    %add3A_1074 = arith.addf %broadcast_in_dim3A_1064, %select_n3A_1073 : vector<256x256xf32>
    %slice3A_1075 = vector.extract_strided_slice %convert_element_type3A_6 {offsets = [0, 1], sizes = [256, 1], strides = [1, 1]} : vector<256x8xi32> to vector<256x1xi32>
    %eq3A_1076 = vector.broadcast %slice3A_1075 : vector<256x1xi32> to vector<256x256xi32>
    %eq3A_1077 = arith.cmpi eq, %eq3A_1076, %add3A_1062 : vector<256x256xi32>
    %slice3A_1078 = vector.extract_strided_slice %concatenate3A_591 {offsets = [0, 1], sizes = [256, 1], strides = [1, 1]} : vector<256x8xf32> to vector<256x1xf32>
    %jit3A_1079 = arith.constant 0.000000e+00 : f32
    %broadcast_in_dim3A_1080 = vector.shape_cast %slice3A_1078 : vector<256x1xf32> to vector<256x1xf32>
    %broadcast_in_dim3A_1081 = vector.broadcast %broadcast_in_dim3A_1080 : vector<256x1xf32> to vector<256x256xf32>
    %broadcast_in_dim3A_1082 = vector.broadcast %jit3A_1079 : f32 to vector<256x256xf32>
    %select_n3A_1083 = arith.select %eq3A_1077, %broadcast_in_dim3A_1081, %broadcast_in_dim3A_1082 : vector<256x256xi1>, vector<256x256xf32>
    %add3A_1084 = arith.addf %add3A_1074, %select_n3A_1083 : vector<256x256xf32>
    %slice3A_1085 = vector.extract_strided_slice %convert_element_type3A_6 {offsets = [0, 2], sizes = [256, 1], strides = [1, 1]} : vector<256x8xi32> to vector<256x1xi32>
    %eq3A_1086 = vector.broadcast %slice3A_1085 : vector<256x1xi32> to vector<256x256xi32>
    %eq3A_1087 = arith.cmpi eq, %eq3A_1086, %add3A_1062 : vector<256x256xi32>
    %slice3A_1088 = vector.extract_strided_slice %concatenate3A_591 {offsets = [0, 2], sizes = [256, 1], strides = [1, 1]} : vector<256x8xf32> to vector<256x1xf32>
    %jit3A_1089 = arith.constant 0.000000e+00 : f32
    %broadcast_in_dim3A_1090 = vector.shape_cast %slice3A_1088 : vector<256x1xf32> to vector<256x1xf32>
    %broadcast_in_dim3A_1091 = vector.broadcast %broadcast_in_dim3A_1090 : vector<256x1xf32> to vector<256x256xf32>
    %broadcast_in_dim3A_1092 = vector.broadcast %jit3A_1089 : f32 to vector<256x256xf32>
    %select_n3A_1093 = arith.select %eq3A_1087, %broadcast_in_dim3A_1091, %broadcast_in_dim3A_1092 : vector<256x256xi1>, vector<256x256xf32>
    %add3A_1094 = arith.addf %add3A_1084, %select_n3A_1093 : vector<256x256xf32>
    %slice3A_1095 = vector.extract_strided_slice %convert_element_type3A_6 {offsets = [0, 3], sizes = [256, 1], strides = [1, 1]} : vector<256x8xi32> to vector<256x1xi32>
    %eq3A_1096 = vector.broadcast %slice3A_1095 : vector<256x1xi32> to vector<256x256xi32>
    %eq3A_1097 = arith.cmpi eq, %eq3A_1096, %add3A_1062 : vector<256x256xi32>
    %slice3A_1098 = vector.extract_strided_slice %concatenate3A_591 {offsets = [0, 3], sizes = [256, 1], strides = [1, 1]} : vector<256x8xf32> to vector<256x1xf32>
    %jit3A_1099 = arith.constant 0.000000e+00 : f32
    %broadcast_in_dim3A_1100 = vector.shape_cast %slice3A_1098 : vector<256x1xf32> to vector<256x1xf32>
    %broadcast_in_dim3A_1101 = vector.broadcast %broadcast_in_dim3A_1100 : vector<256x1xf32> to vector<256x256xf32>
    %broadcast_in_dim3A_1102 = vector.broadcast %jit3A_1099 : f32 to vector<256x256xf32>
    %select_n3A_1103 = arith.select %eq3A_1097, %broadcast_in_dim3A_1101, %broadcast_in_dim3A_1102 : vector<256x256xi1>, vector<256x256xf32>
    %add3A_1104 = arith.addf %add3A_1094, %select_n3A_1103 : vector<256x256xf32>
    %slice3A_1105 = vector.extract_strided_slice %convert_element_type3A_6 {offsets = [0, 4], sizes = [256, 1], strides = [1, 1]} : vector<256x8xi32> to vector<256x1xi32>
    %eq3A_1106 = vector.broadcast %slice3A_1105 : vector<256x1xi32> to vector<256x256xi32>
    %eq3A_1107 = arith.cmpi eq, %eq3A_1106, %add3A_1062 : vector<256x256xi32>
    %slice3A_1108 = vector.extract_strided_slice %concatenate3A_591 {offsets = [0, 4], sizes = [256, 1], strides = [1, 1]} : vector<256x8xf32> to vector<256x1xf32>
    %jit3A_1109 = arith.constant 0.000000e+00 : f32
    %broadcast_in_dim3A_1110 = vector.shape_cast %slice3A_1108 : vector<256x1xf32> to vector<256x1xf32>
    %broadcast_in_dim3A_1111 = vector.broadcast %broadcast_in_dim3A_1110 : vector<256x1xf32> to vector<256x256xf32>
    %broadcast_in_dim3A_1112 = vector.broadcast %jit3A_1109 : f32 to vector<256x256xf32>
    %select_n3A_1113 = arith.select %eq3A_1107, %broadcast_in_dim3A_1111, %broadcast_in_dim3A_1112 : vector<256x256xi1>, vector<256x256xf32>
    %add3A_1114 = arith.addf %add3A_1104, %select_n3A_1113 : vector<256x256xf32>
    %slice3A_1115 = vector.extract_strided_slice %convert_element_type3A_6 {offsets = [0, 5], sizes = [256, 1], strides = [1, 1]} : vector<256x8xi32> to vector<256x1xi32>
    %eq3A_1116 = vector.broadcast %slice3A_1115 : vector<256x1xi32> to vector<256x256xi32>
    %eq3A_1117 = arith.cmpi eq, %eq3A_1116, %add3A_1062 : vector<256x256xi32>
    %slice3A_1118 = vector.extract_strided_slice %concatenate3A_591 {offsets = [0, 5], sizes = [256, 1], strides = [1, 1]} : vector<256x8xf32> to vector<256x1xf32>
    %jit3A_1119 = arith.constant 0.000000e+00 : f32
    %broadcast_in_dim3A_1120 = vector.shape_cast %slice3A_1118 : vector<256x1xf32> to vector<256x1xf32>
    %broadcast_in_dim3A_1121 = vector.broadcast %broadcast_in_dim3A_1120 : vector<256x1xf32> to vector<256x256xf32>
    %broadcast_in_dim3A_1122 = vector.broadcast %jit3A_1119 : f32 to vector<256x256xf32>
    %select_n3A_1123 = arith.select %eq3A_1117, %broadcast_in_dim3A_1121, %broadcast_in_dim3A_1122 : vector<256x256xi1>, vector<256x256xf32>
    %add3A_1124 = arith.addf %add3A_1114, %select_n3A_1123 : vector<256x256xf32>
    %slice3A_1125 = vector.extract_strided_slice %convert_element_type3A_6 {offsets = [0, 6], sizes = [256, 1], strides = [1, 1]} : vector<256x8xi32> to vector<256x1xi32>
    %eq3A_1126 = vector.broadcast %slice3A_1125 : vector<256x1xi32> to vector<256x256xi32>
    %eq3A_1127 = arith.cmpi eq, %eq3A_1126, %add3A_1062 : vector<256x256xi32>
    %slice3A_1128 = vector.extract_strided_slice %concatenate3A_591 {offsets = [0, 6], sizes = [256, 1], strides = [1, 1]} : vector<256x8xf32> to vector<256x1xf32>
    %jit3A_1129 = arith.constant 0.000000e+00 : f32
    %broadcast_in_dim3A_1130 = vector.shape_cast %slice3A_1128 : vector<256x1xf32> to vector<256x1xf32>
    %broadcast_in_dim3A_1131 = vector.broadcast %broadcast_in_dim3A_1130 : vector<256x1xf32> to vector<256x256xf32>
    %broadcast_in_dim3A_1132 = vector.broadcast %jit3A_1129 : f32 to vector<256x256xf32>
    %select_n3A_1133 = arith.select %eq3A_1127, %broadcast_in_dim3A_1131, %broadcast_in_dim3A_1132 : vector<256x256xi1>, vector<256x256xf32>
    %add3A_1134 = arith.addf %add3A_1124, %select_n3A_1133 : vector<256x256xf32>
    %slice3A_1135 = vector.extract_strided_slice %convert_element_type3A_6 {offsets = [0, 7], sizes = [256, 1], strides = [1, 1]} : vector<256x8xi32> to vector<256x1xi32>
    %eq3A_1136 = vector.broadcast %slice3A_1135 : vector<256x1xi32> to vector<256x256xi32>
    %eq3A_1137 = arith.cmpi eq, %eq3A_1136, %add3A_1062 : vector<256x256xi32>
    %slice3A_1138 = vector.extract_strided_slice %concatenate3A_591 {offsets = [0, 7], sizes = [256, 1], strides = [1, 1]} : vector<256x8xf32> to vector<256x1xf32>
    %jit3A_1139 = arith.constant 0.000000e+00 : f32
    %broadcast_in_dim3A_1140 = vector.shape_cast %slice3A_1138 : vector<256x1xf32> to vector<256x1xf32>
    %broadcast_in_dim3A_1141 = vector.broadcast %broadcast_in_dim3A_1140 : vector<256x1xf32> to vector<256x256xf32>
    %broadcast_in_dim3A_1142 = vector.broadcast %jit3A_1139 : f32 to vector<256x256xf32>
    %select_n3A_1143 = arith.select %eq3A_1137, %broadcast_in_dim3A_1141, %broadcast_in_dim3A_1142 : vector<256x256xi1>, vector<256x256xf32>
    %add3A_1144 = arith.addf %add3A_1134, %select_n3A_1143 : vector<256x256xf32>
    %convert_element_type3A_1145 = arith.truncf %add3A_1144 : vector<256x256xf32> to vector<256x256xbf16>
    %get3A_1146 = arith.constant 1280 : index
    %get3A_1147 = arith.constant 0 : index
    %get3A_1148 = vector.load %arg5[%get3A_1146, %get3A_1147] : memref<2048x768xbf16, #tpu.memory_space<vmem>>, vector<256x768xbf16>
    %dot_general3A_1149 = arith.constant dense<0.000000e+00> : vector<256x768xf32>
    %dot_general3A_1150 = tpu.matmul %convert_element_type3A_1145, %get3A_1148, %dot_general3A_1149 {dimension_numbers = #tpu.dot_dimension_numbers<[1], [0], [0], [1], [0, 0, 1, 1], [], []>, transpose_lhs_hint = false} : vector<256x256xbf16>, vector<256x768xbf16>, vector<256x768xf32> -> vector<256x768xf32>
    %add3A_1151 = arith.addf %add3A_1058, %dot_general3A_1150 : vector<256x768xf32>
    %iota3A_1152 = tpu.iota {dimensions = array<i32: 1>} : vector<256x256xi32>
    %add3A_1153 = arith.constant 1536 : i32
    %add3A_1154 = vector.broadcast %add3A_1153 : i32 to vector<256x256xi32>
    %add3A_1155 = arith.addi %iota3A_1152, %add3A_1154 : vector<256x256xi32>
    %broadcast_in_dim3A_1156 = arith.constant 0.000000e+00 : f32
    %broadcast_in_dim3A_1157 = vector.broadcast %broadcast_in_dim3A_1156 : f32 to vector<256x256xf32>
    %slice3A_1158 = vector.extract_strided_slice %convert_element_type3A_6 {offsets = [0, 0], sizes = [256, 1], strides = [1, 1]} : vector<256x8xi32> to vector<256x1xi32>
    %eq3A_1159 = vector.broadcast %slice3A_1158 : vector<256x1xi32> to vector<256x256xi32>
    %eq3A_1160 = arith.cmpi eq, %eq3A_1159, %add3A_1155 : vector<256x256xi32>
    %slice3A_1161 = vector.extract_strided_slice %concatenate3A_591 {offsets = [0, 0], sizes = [256, 1], strides = [1, 1]} : vector<256x8xf32> to vector<256x1xf32>
    %jit3A_1162 = arith.constant 0.000000e+00 : f32
    %broadcast_in_dim3A_1163 = vector.shape_cast %slice3A_1161 : vector<256x1xf32> to vector<256x1xf32>
    %broadcast_in_dim3A_1164 = vector.broadcast %broadcast_in_dim3A_1163 : vector<256x1xf32> to vector<256x256xf32>
    %broadcast_in_dim3A_1165 = vector.broadcast %jit3A_1162 : f32 to vector<256x256xf32>
    %select_n3A_1166 = arith.select %eq3A_1160, %broadcast_in_dim3A_1164, %broadcast_in_dim3A_1165 : vector<256x256xi1>, vector<256x256xf32>
    %add3A_1167 = arith.addf %broadcast_in_dim3A_1157, %select_n3A_1166 : vector<256x256xf32>
    %slice3A_1168 = vector.extract_strided_slice %convert_element_type3A_6 {offsets = [0, 1], sizes = [256, 1], strides = [1, 1]} : vector<256x8xi32> to vector<256x1xi32>
    %eq3A_1169 = vector.broadcast %slice3A_1168 : vector<256x1xi32> to vector<256x256xi32>
    %eq3A_1170 = arith.cmpi eq, %eq3A_1169, %add3A_1155 : vector<256x256xi32>
    %slice3A_1171 = vector.extract_strided_slice %concatenate3A_591 {offsets = [0, 1], sizes = [256, 1], strides = [1, 1]} : vector<256x8xf32> to vector<256x1xf32>
    %jit3A_1172 = arith.constant 0.000000e+00 : f32
    %broadcast_in_dim3A_1173 = vector.shape_cast %slice3A_1171 : vector<256x1xf32> to vector<256x1xf32>
    %broadcast_in_dim3A_1174 = vector.broadcast %broadcast_in_dim3A_1173 : vector<256x1xf32> to vector<256x256xf32>
    %broadcast_in_dim3A_1175 = vector.broadcast %jit3A_1172 : f32 to vector<256x256xf32>
    %select_n3A_1176 = arith.select %eq3A_1170, %broadcast_in_dim3A_1174, %broadcast_in_dim3A_1175 : vector<256x256xi1>, vector<256x256xf32>
    %add3A_1177 = arith.addf %add3A_1167, %select_n3A_1176 : vector<256x256xf32>
    %slice3A_1178 = vector.extract_strided_slice %convert_element_type3A_6 {offsets = [0, 2], sizes = [256, 1], strides = [1, 1]} : vector<256x8xi32> to vector<256x1xi32>
    %eq3A_1179 = vector.broadcast %slice3A_1178 : vector<256x1xi32> to vector<256x256xi32>
    %eq3A_1180 = arith.cmpi eq, %eq3A_1179, %add3A_1155 : vector<256x256xi32>
    %slice3A_1181 = vector.extract_strided_slice %concatenate3A_591 {offsets = [0, 2], sizes = [256, 1], strides = [1, 1]} : vector<256x8xf32> to vector<256x1xf32>
    %jit3A_1182 = arith.constant 0.000000e+00 : f32
    %broadcast_in_dim3A_1183 = vector.shape_cast %slice3A_1181 : vector<256x1xf32> to vector<256x1xf32>
    %broadcast_in_dim3A_1184 = vector.broadcast %broadcast_in_dim3A_1183 : vector<256x1xf32> to vector<256x256xf32>
    %broadcast_in_dim3A_1185 = vector.broadcast %jit3A_1182 : f32 to vector<256x256xf32>
    %select_n3A_1186 = arith.select %eq3A_1180, %broadcast_in_dim3A_1184, %broadcast_in_dim3A_1185 : vector<256x256xi1>, vector<256x256xf32>
    %add3A_1187 = arith.addf %add3A_1177, %select_n3A_1186 : vector<256x256xf32>
    %slice3A_1188 = vector.extract_strided_slice %convert_element_type3A_6 {offsets = [0, 3], sizes = [256, 1], strides = [1, 1]} : vector<256x8xi32> to vector<256x1xi32>
    %eq3A_1189 = vector.broadcast %slice3A_1188 : vector<256x1xi32> to vector<256x256xi32>
    %eq3A_1190 = arith.cmpi eq, %eq3A_1189, %add3A_1155 : vector<256x256xi32>
    %slice3A_1191 = vector.extract_strided_slice %concatenate3A_591 {offsets = [0, 3], sizes = [256, 1], strides = [1, 1]} : vector<256x8xf32> to vector<256x1xf32>
    %jit3A_1192 = arith.constant 0.000000e+00 : f32
    %broadcast_in_dim3A_1193 = vector.shape_cast %slice3A_1191 : vector<256x1xf32> to vector<256x1xf32>
    %broadcast_in_dim3A_1194 = vector.broadcast %broadcast_in_dim3A_1193 : vector<256x1xf32> to vector<256x256xf32>
    %broadcast_in_dim3A_1195 = vector.broadcast %jit3A_1192 : f32 to vector<256x256xf32>
    %select_n3A_1196 = arith.select %eq3A_1190, %broadcast_in_dim3A_1194, %broadcast_in_dim3A_1195 : vector<256x256xi1>, vector<256x256xf32>
    %add3A_1197 = arith.addf %add3A_1187, %select_n3A_1196 : vector<256x256xf32>
    %slice3A_1198 = vector.extract_strided_slice %convert_element_type3A_6 {offsets = [0, 4], sizes = [256, 1], strides = [1, 1]} : vector<256x8xi32> to vector<256x1xi32>
    %eq3A_1199 = vector.broadcast %slice3A_1198 : vector<256x1xi32> to vector<256x256xi32>
    %eq3A_1200 = arith.cmpi eq, %eq3A_1199, %add3A_1155 : vector<256x256xi32>
    %slice3A_1201 = vector.extract_strided_slice %concatenate3A_591 {offsets = [0, 4], sizes = [256, 1], strides = [1, 1]} : vector<256x8xf32> to vector<256x1xf32>
    %jit3A_1202 = arith.constant 0.000000e+00 : f32
    %broadcast_in_dim3A_1203 = vector.shape_cast %slice3A_1201 : vector<256x1xf32> to vector<256x1xf32>
    %broadcast_in_dim3A_1204 = vector.broadcast %broadcast_in_dim3A_1203 : vector<256x1xf32> to vector<256x256xf32>
    %broadcast_in_dim3A_1205 = vector.broadcast %jit3A_1202 : f32 to vector<256x256xf32>
    %select_n3A_1206 = arith.select %eq3A_1200, %broadcast_in_dim3A_1204, %broadcast_in_dim3A_1205 : vector<256x256xi1>, vector<256x256xf32>
    %add3A_1207 = arith.addf %add3A_1197, %select_n3A_1206 : vector<256x256xf32>
    %slice3A_1208 = vector.extract_strided_slice %convert_element_type3A_6 {offsets = [0, 5], sizes = [256, 1], strides = [1, 1]} : vector<256x8xi32> to vector<256x1xi32>
    %eq3A_1209 = vector.broadcast %slice3A_1208 : vector<256x1xi32> to vector<256x256xi32>
    %eq3A_1210 = arith.cmpi eq, %eq3A_1209, %add3A_1155 : vector<256x256xi32>
    %slice3A_1211 = vector.extract_strided_slice %concatenate3A_591 {offsets = [0, 5], sizes = [256, 1], strides = [1, 1]} : vector<256x8xf32> to vector<256x1xf32>
    %jit3A_1212 = arith.constant 0.000000e+00 : f32
    %broadcast_in_dim3A_1213 = vector.shape_cast %slice3A_1211 : vector<256x1xf32> to vector<256x1xf32>
    %broadcast_in_dim3A_1214 = vector.broadcast %broadcast_in_dim3A_1213 : vector<256x1xf32> to vector<256x256xf32>
    %broadcast_in_dim3A_1215 = vector.broadcast %jit3A_1212 : f32 to vector<256x256xf32>
    %select_n3A_1216 = arith.select %eq3A_1210, %broadcast_in_dim3A_1214, %broadcast_in_dim3A_1215 : vector<256x256xi1>, vector<256x256xf32>
    %add3A_1217 = arith.addf %add3A_1207, %select_n3A_1216 : vector<256x256xf32>
    %slice3A_1218 = vector.extract_strided_slice %convert_element_type3A_6 {offsets = [0, 6], sizes = [256, 1], strides = [1, 1]} : vector<256x8xi32> to vector<256x1xi32>
    %eq3A_1219 = vector.broadcast %slice3A_1218 : vector<256x1xi32> to vector<256x256xi32>
    %eq3A_1220 = arith.cmpi eq, %eq3A_1219, %add3A_1155 : vector<256x256xi32>
    %slice3A_1221 = vector.extract_strided_slice %concatenate3A_591 {offsets = [0, 6], sizes = [256, 1], strides = [1, 1]} : vector<256x8xf32> to vector<256x1xf32>
    %jit3A_1222 = arith.constant 0.000000e+00 : f32
    %broadcast_in_dim3A_1223 = vector.shape_cast %slice3A_1221 : vector<256x1xf32> to vector<256x1xf32>
    %broadcast_in_dim3A_1224 = vector.broadcast %broadcast_in_dim3A_1223 : vector<256x1xf32> to vector<256x256xf32>
    %broadcast_in_dim3A_1225 = vector.broadcast %jit3A_1222 : f32 to vector<256x256xf32>
    %select_n3A_1226 = arith.select %eq3A_1220, %broadcast_in_dim3A_1224, %broadcast_in_dim3A_1225 : vector<256x256xi1>, vector<256x256xf32>
    %add3A_1227 = arith.addf %add3A_1217, %select_n3A_1226 : vector<256x256xf32>
    %slice3A_1228 = vector.extract_strided_slice %convert_element_type3A_6 {offsets = [0, 7], sizes = [256, 1], strides = [1, 1]} : vector<256x8xi32> to vector<256x1xi32>
    %eq3A_1229 = vector.broadcast %slice3A_1228 : vector<256x1xi32> to vector<256x256xi32>
    %eq3A_1230 = arith.cmpi eq, %eq3A_1229, %add3A_1155 : vector<256x256xi32>
    %slice3A_1231 = vector.extract_strided_slice %concatenate3A_591 {offsets = [0, 7], sizes = [256, 1], strides = [1, 1]} : vector<256x8xf32> to vector<256x1xf32>
    %jit3A_1232 = arith.constant 0.000000e+00 : f32
    %broadcast_in_dim3A_1233 = vector.shape_cast %slice3A_1231 : vector<256x1xf32> to vector<256x1xf32>
    %broadcast_in_dim3A_1234 = vector.broadcast %broadcast_in_dim3A_1233 : vector<256x1xf32> to vector<256x256xf32>
    %broadcast_in_dim3A_1235 = vector.broadcast %jit3A_1232 : f32 to vector<256x256xf32>
    %select_n3A_1236 = arith.select %eq3A_1230, %broadcast_in_dim3A_1234, %broadcast_in_dim3A_1235 : vector<256x256xi1>, vector<256x256xf32>
    %add3A_1237 = arith.addf %add3A_1227, %select_n3A_1236 : vector<256x256xf32>
    %convert_element_type3A_1238 = arith.truncf %add3A_1237 : vector<256x256xf32> to vector<256x256xbf16>
    %get3A_1239 = arith.constant 1536 : index
    %get3A_1240 = arith.constant 0 : index
    %get3A_1241 = vector.load %arg5[%get3A_1239, %get3A_1240] : memref<2048x768xbf16, #tpu.memory_space<vmem>>, vector<256x768xbf16>
    %dot_general3A_1242 = arith.constant dense<0.000000e+00> : vector<256x768xf32>
    %dot_general3A_1243 = tpu.matmul %convert_element_type3A_1238, %get3A_1241, %dot_general3A_1242 {dimension_numbers = #tpu.dot_dimension_numbers<[1], [0], [0], [1], [0, 0, 1, 1], [], []>, transpose_lhs_hint = false} : vector<256x256xbf16>, vector<256x768xbf16>, vector<256x768xf32> -> vector<256x768xf32>
    %add3A_1244 = arith.addf %add3A_1151, %dot_general3A_1243 : vector<256x768xf32>
    %iota3A_1245 = tpu.iota {dimensions = array<i32: 1>} : vector<256x256xi32>
    %add3A_1246 = arith.constant 1792 : i32
    %add3A_1247 = vector.broadcast %add3A_1246 : i32 to vector<256x256xi32>
    %add3A_1248 = arith.addi %iota3A_1245, %add3A_1247 : vector<256x256xi32>
    %broadcast_in_dim3A_1249 = arith.constant 0.000000e+00 : f32
    %broadcast_in_dim3A_1250 = vector.broadcast %broadcast_in_dim3A_1249 : f32 to vector<256x256xf32>
    %slice3A_1251 = vector.extract_strided_slice %convert_element_type3A_6 {offsets = [0, 0], sizes = [256, 1], strides = [1, 1]} : vector<256x8xi32> to vector<256x1xi32>
    %eq3A_1252 = vector.broadcast %slice3A_1251 : vector<256x1xi32> to vector<256x256xi32>
    %eq3A_1253 = arith.cmpi eq, %eq3A_1252, %add3A_1248 : vector<256x256xi32>
    %slice3A_1254 = vector.extract_strided_slice %concatenate3A_591 {offsets = [0, 0], sizes = [256, 1], strides = [1, 1]} : vector<256x8xf32> to vector<256x1xf32>
    %jit3A_1255 = arith.constant 0.000000e+00 : f32
    %broadcast_in_dim3A_1256 = vector.shape_cast %slice3A_1254 : vector<256x1xf32> to vector<256x1xf32>
    %broadcast_in_dim3A_1257 = vector.broadcast %broadcast_in_dim3A_1256 : vector<256x1xf32> to vector<256x256xf32>
    %broadcast_in_dim3A_1258 = vector.broadcast %jit3A_1255 : f32 to vector<256x256xf32>
    %select_n3A_1259 = arith.select %eq3A_1253, %broadcast_in_dim3A_1257, %broadcast_in_dim3A_1258 : vector<256x256xi1>, vector<256x256xf32>
    %add3A_1260 = arith.addf %broadcast_in_dim3A_1250, %select_n3A_1259 : vector<256x256xf32>
    %slice3A_1261 = vector.extract_strided_slice %convert_element_type3A_6 {offsets = [0, 1], sizes = [256, 1], strides = [1, 1]} : vector<256x8xi32> to vector<256x1xi32>
    %eq3A_1262 = vector.broadcast %slice3A_1261 : vector<256x1xi32> to vector<256x256xi32>
    %eq3A_1263 = arith.cmpi eq, %eq3A_1262, %add3A_1248 : vector<256x256xi32>
    %slice3A_1264 = vector.extract_strided_slice %concatenate3A_591 {offsets = [0, 1], sizes = [256, 1], strides = [1, 1]} : vector<256x8xf32> to vector<256x1xf32>
    %jit3A_1265 = arith.constant 0.000000e+00 : f32
    %broadcast_in_dim3A_1266 = vector.shape_cast %slice3A_1264 : vector<256x1xf32> to vector<256x1xf32>
    %broadcast_in_dim3A_1267 = vector.broadcast %broadcast_in_dim3A_1266 : vector<256x1xf32> to vector<256x256xf32>
    %broadcast_in_dim3A_1268 = vector.broadcast %jit3A_1265 : f32 to vector<256x256xf32>
    %select_n3A_1269 = arith.select %eq3A_1263, %broadcast_in_dim3A_1267, %broadcast_in_dim3A_1268 : vector<256x256xi1>, vector<256x256xf32>
    %add3A_1270 = arith.addf %add3A_1260, %select_n3A_1269 : vector<256x256xf32>
    %slice3A_1271 = vector.extract_strided_slice %convert_element_type3A_6 {offsets = [0, 2], sizes = [256, 1], strides = [1, 1]} : vector<256x8xi32> to vector<256x1xi32>
    %eq3A_1272 = vector.broadcast %slice3A_1271 : vector<256x1xi32> to vector<256x256xi32>
    %eq3A_1273 = arith.cmpi eq, %eq3A_1272, %add3A_1248 : vector<256x256xi32>
    %slice3A_1274 = vector.extract_strided_slice %concatenate3A_591 {offsets = [0, 2], sizes = [256, 1], strides = [1, 1]} : vector<256x8xf32> to vector<256x1xf32>
    %jit3A_1275 = arith.constant 0.000000e+00 : f32
    %broadcast_in_dim3A_1276 = vector.shape_cast %slice3A_1274 : vector<256x1xf32> to vector<256x1xf32>
    %broadcast_in_dim3A_1277 = vector.broadcast %broadcast_in_dim3A_1276 : vector<256x1xf32> to vector<256x256xf32>
    %broadcast_in_dim3A_1278 = vector.broadcast %jit3A_1275 : f32 to vector<256x256xf32>
    %select_n3A_1279 = arith.select %eq3A_1273, %broadcast_in_dim3A_1277, %broadcast_in_dim3A_1278 : vector<256x256xi1>, vector<256x256xf32>
    %add3A_1280 = arith.addf %add3A_1270, %select_n3A_1279 : vector<256x256xf32>
    %slice3A_1281 = vector.extract_strided_slice %convert_element_type3A_6 {offsets = [0, 3], sizes = [256, 1], strides = [1, 1]} : vector<256x8xi32> to vector<256x1xi32>
    %eq3A_1282 = vector.broadcast %slice3A_1281 : vector<256x1xi32> to vector<256x256xi32>
    %eq3A_1283 = arith.cmpi eq, %eq3A_1282, %add3A_1248 : vector<256x256xi32>
    %slice3A_1284 = vector.extract_strided_slice %concatenate3A_591 {offsets = [0, 3], sizes = [256, 1], strides = [1, 1]} : vector<256x8xf32> to vector<256x1xf32>
    %jit3A_1285 = arith.constant 0.000000e+00 : f32
    %broadcast_in_dim3A_1286 = vector.shape_cast %slice3A_1284 : vector<256x1xf32> to vector<256x1xf32>
    %broadcast_in_dim3A_1287 = vector.broadcast %broadcast_in_dim3A_1286 : vector<256x1xf32> to vector<256x256xf32>
    %broadcast_in_dim3A_1288 = vector.broadcast %jit3A_1285 : f32 to vector<256x256xf32>
    %select_n3A_1289 = arith.select %eq3A_1283, %broadcast_in_dim3A_1287, %broadcast_in_dim3A_1288 : vector<256x256xi1>, vector<256x256xf32>
    %add3A_1290 = arith.addf %add3A_1280, %select_n3A_1289 : vector<256x256xf32>
    %slice3A_1291 = vector.extract_strided_slice %convert_element_type3A_6 {offsets = [0, 4], sizes = [256, 1], strides = [1, 1]} : vector<256x8xi32> to vector<256x1xi32>
    %eq3A_1292 = vector.broadcast %slice3A_1291 : vector<256x1xi32> to vector<256x256xi32>
    %eq3A_1293 = arith.cmpi eq, %eq3A_1292, %add3A_1248 : vector<256x256xi32>
    %slice3A_1294 = vector.extract_strided_slice %concatenate3A_591 {offsets = [0, 4], sizes = [256, 1], strides = [1, 1]} : vector<256x8xf32> to vector<256x1xf32>
    %jit3A_1295 = arith.constant 0.000000e+00 : f32
    %broadcast_in_dim3A_1296 = vector.shape_cast %slice3A_1294 : vector<256x1xf32> to vector<256x1xf32>
    %broadcast_in_dim3A_1297 = vector.broadcast %broadcast_in_dim3A_1296 : vector<256x1xf32> to vector<256x256xf32>
    %broadcast_in_dim3A_1298 = vector.broadcast %jit3A_1295 : f32 to vector<256x256xf32>
    %select_n3A_1299 = arith.select %eq3A_1293, %broadcast_in_dim3A_1297, %broadcast_in_dim3A_1298 : vector<256x256xi1>, vector<256x256xf32>
    %add3A_1300 = arith.addf %add3A_1290, %select_n3A_1299 : vector<256x256xf32>
    %slice3A_1301 = vector.extract_strided_slice %convert_element_type3A_6 {offsets = [0, 5], sizes = [256, 1], strides = [1, 1]} : vector<256x8xi32> to vector<256x1xi32>
    %eq3A_1302 = vector.broadcast %slice3A_1301 : vector<256x1xi32> to vector<256x256xi32>
    %eq3A_1303 = arith.cmpi eq, %eq3A_1302, %add3A_1248 : vector<256x256xi32>
    %slice3A_1304 = vector.extract_strided_slice %concatenate3A_591 {offsets = [0, 5], sizes = [256, 1], strides = [1, 1]} : vector<256x8xf32> to vector<256x1xf32>
    %jit3A_1305 = arith.constant 0.000000e+00 : f32
    %broadcast_in_dim3A_1306 = vector.shape_cast %slice3A_1304 : vector<256x1xf32> to vector<256x1xf32>
    %broadcast_in_dim3A_1307 = vector.broadcast %broadcast_in_dim3A_1306 : vector<256x1xf32> to vector<256x256xf32>
    %broadcast_in_dim3A_1308 = vector.broadcast %jit3A_1305 : f32 to vector<256x256xf32>
    %select_n3A_1309 = arith.select %eq3A_1303, %broadcast_in_dim3A_1307, %broadcast_in_dim3A_1308 : vector<256x256xi1>, vector<256x256xf32>
    %add3A_1310 = arith.addf %add3A_1300, %select_n3A_1309 : vector<256x256xf32>
    %slice3A_1311 = vector.extract_strided_slice %convert_element_type3A_6 {offsets = [0, 6], sizes = [256, 1], strides = [1, 1]} : vector<256x8xi32> to vector<256x1xi32>
    %eq3A_1312 = vector.broadcast %slice3A_1311 : vector<256x1xi32> to vector<256x256xi32>
    %eq3A_1313 = arith.cmpi eq, %eq3A_1312, %add3A_1248 : vector<256x256xi32>
    %slice3A_1314 = vector.extract_strided_slice %concatenate3A_591 {offsets = [0, 6], sizes = [256, 1], strides = [1, 1]} : vector<256x8xf32> to vector<256x1xf32>
    %jit3A_1315 = arith.constant 0.000000e+00 : f32
    %broadcast_in_dim3A_1316 = vector.shape_cast %slice3A_1314 : vector<256x1xf32> to vector<256x1xf32>
    %broadcast_in_dim3A_1317 = vector.broadcast %broadcast_in_dim3A_1316 : vector<256x1xf32> to vector<256x256xf32>
    %broadcast_in_dim3A_1318 = vector.broadcast %jit3A_1315 : f32 to vector<256x256xf32>
    %select_n3A_1319 = arith.select %eq3A_1313, %broadcast_in_dim3A_1317, %broadcast_in_dim3A_1318 : vector<256x256xi1>, vector<256x256xf32>
    %add3A_1320 = arith.addf %add3A_1310, %select_n3A_1319 : vector<256x256xf32>
    %slice3A_1321 = vector.extract_strided_slice %convert_element_type3A_6 {offsets = [0, 7], sizes = [256, 1], strides = [1, 1]} : vector<256x8xi32> to vector<256x1xi32>
    %eq3A_1322 = vector.broadcast %slice3A_1321 : vector<256x1xi32> to vector<256x256xi32>
    %eq3A_1323 = arith.cmpi eq, %eq3A_1322, %add3A_1248 : vector<256x256xi32>
    %slice3A_1324 = vector.extract_strided_slice %concatenate3A_591 {offsets = [0, 7], sizes = [256, 1], strides = [1, 1]} : vector<256x8xf32> to vector<256x1xf32>
    %jit3A_1325 = arith.constant 0.000000e+00 : f32
    %broadcast_in_dim3A_1326 = vector.shape_cast %slice3A_1324 : vector<256x1xf32> to vector<256x1xf32>
    %broadcast_in_dim3A_1327 = vector.broadcast %broadcast_in_dim3A_1326 : vector<256x1xf32> to vector<256x256xf32>
    %broadcast_in_dim3A_1328 = vector.broadcast %jit3A_1325 : f32 to vector<256x256xf32>
    %select_n3A_1329 = arith.select %eq3A_1323, %broadcast_in_dim3A_1327, %broadcast_in_dim3A_1328 : vector<256x256xi1>, vector<256x256xf32>
    %add3A_1330 = arith.addf %add3A_1320, %select_n3A_1329 : vector<256x256xf32>
    %convert_element_type3A_1331 = arith.truncf %add3A_1330 : vector<256x256xf32> to vector<256x256xbf16>
    %get3A_1332 = arith.constant 1792 : index
    %get3A_1333 = arith.constant 0 : index
    %get3A_1334 = vector.load %arg5[%get3A_1332, %get3A_1333] : memref<2048x768xbf16, #tpu.memory_space<vmem>>, vector<256x768xbf16>
    %dot_general3A_1335 = arith.constant dense<0.000000e+00> : vector<256x768xf32>
    %dot_general3A_1336 = tpu.matmul %convert_element_type3A_1331, %get3A_1334, %dot_general3A_1335 {dimension_numbers = #tpu.dot_dimension_numbers<[1], [0], [0], [1], [0, 0, 1, 1], [], []>, transpose_lhs_hint = false} : vector<256x256xbf16>, vector<256x768xbf16>, vector<256x768xf32> -> vector<256x768xf32>
    %add3A_1337 = arith.addf %add3A_1244, %dot_general3A_1336 : vector<256x768xf32>
    %get3A_1338 = arith.constant 0 : index
    %get3A_1339 = arith.constant 0 : index
    %get3A_1340 = vector.load %arg4[%get3A_1338, %get3A_1339] : memref<256x768xf32, #tpu.memory_space<vmem>>, vector<256x768xf32>
    %add3A_1341 = arith.addf %get3A_1340, %add3A_1337 : vector<256x768xf32>
    %swap3A = arith.constant 0 : index
    %swap3A_1342 = arith.constant 0 : index
    %swap3A_1343 = vector.load %arg6[%swap3A, %swap3A_1342] : memref<256x768xf32, #tpu.memory_space<vmem>>, vector<256x768xf32>
    tpu.vector_store %arg6[%swap3A, %swap3A_1342], %add3A_1341 {strides = array<i32>} : memref<256x768xf32, #tpu.memory_space<vmem>>, vector<256x768xf32>,
    return
  }
  func.func @transform_0(%arg0: i32) -> (i32, i32) {
    %c0_i32 = arith.constant 0 : i32
    %c0_i32_0 = arith.constant 0 : i32
    return %c0_i32, %arg0 : i32, i32
  }
  func.func @transform_1(%arg0: i32) -> (i32, i32) {
    %c0_i32 = arith.constant 0 : i32
    %c0_i32_0 = arith.constant 0 : i32
    return %arg0, %c0_i32 : i32, i32
  }
  func.func @transform_2(%arg0: i32) -> (i32, i32) {
    %c0_i32 = arith.constant 0 : i32
    %c0_i32_0 = arith.constant 0 : i32
    %c0_i32_1 = arith.constant 0 : i32
    return %c0_i32, %c0_i32_0 : i32, i32
  }
  func.func @transform_3(%arg0: i32) -> (i32, i32) {
    %c0_i32 = arith.constant 0 : i32
    %c0_i32_0 = arith.constant 0 : i32
    return %arg0, %c0_i32 : i32, i32
  }
  func.func @transform_4(%arg0: i32) -> (i32, i32) {
    %c0_i32 = arith.constant 0 : i32
    %c0_i32_0 = arith.constant 0 : i32
    %c0_i32_1 = arith.constant 0 : i32
    return %c0_i32, %c0_i32_0 : i32, i32
  }
  func.func @transform_5(%arg0: i32) -> (i32, i32) {
    %c0_i32 = arith.constant 0 : i32
    %c0_i32_0 = arith.constant 0 : i32
    return %arg0, %c0_i32 : i32, i32
  }
}

</mosaic_0001>

<sc_bundles>
// kernel: kernel.6.cloned.1.call-start
scs
__scs_entry_jumppad:
0x0: {  	(pc) =	sbr.rel $0x88, $3  }
0x1: {  	(tag) =	ssettag $0x0;
	lr =	simm.s32 $0x1  }
0x2: {  	[smem:$0x3F8E] =	sst lr;
	_ =	strace $0xD0000000  }
0x3: {  	_ = 	snop  }
0x4: {  	_ = 	snop  }
0x5: {  	_ = 	snop  }
0x6: {  	_ = 	snop  }
0x7: {  	_ = 	snop  }
__scs_overlays_trampoline_lowered:
0x8: {  	[smem:$0x3F9D] =	sst s0  }
0x9: {  	[smem:$0x3F9E] =	sst s1  }
0xa: {  	[smem:$0x3F9F] =	sst s2  }
0xb: {  	[smem:$0x3FA0] =	sst s3  }
0xc: {  	[smem:$0x3FA1] =	sst s4  }
0xd: {  	[smem:$0x3FA2] =	sst s5  }
0xe: {  	[smem:$0x3FA3] =	sst s6  }
0xf: {  	[smem:$0x3FA4] =	sst s7  }
0x10: {  	[smem:$0x3FA5] =	sst s8  }
0x11: {  	[smem:$0x3FA6] =	sst s9;
	s0 =	simm.s32 @!p0 $0x0  }
0x12: {  	s1 =	sld [smem:$0x3F8C];
	s0 =	simm.s32 @p0 $0x1  }
0x13: {  	[smem:$0x3FA7] =	sst s0;
	s0 =	simm.s32 @!p1 $0x0  }
0x14: {  	s2 =	sld [smem:$0x3F8B];
	s0 =	simm.s32 @p1 $0x1  }
0x15: {  	[smem:$0x3FA8] =	sst s0;
	s0 =	simm.s32 @!p2 $0x0  }
0x16: {  	s3 =	sld [smem:$0x3FDB];
	s0 =	simm.s32 @p2 $0x1  }
0x17: {  	s4 =	simm.s32 $0x1BF5;
	[smem:$0x3FAA] =	sst s0  }
0x18: {  	s0 =	sld [smem:$0x3F8D];
	_ =	swait.ge [sflag:s4], $0x0  }
0x19: {  	s7 =	sld [smem:$0x3F8E]  }
0x1a: {  	s8 =	sadd.s32 $0xFFFFE003, lr  }
0x1b: {  	s9 =	sadd.s32 $0xFFFFFEF7, lr;
	s5 =	simm.s32 $0xFFFFFFFF;
	p2 =	slt.u32 s8, $0xFFFFF086  }
0x1c: {  	p1 =	slt.u32 s9, $0xF7A;
	s5 =	simm.s32 @!p2 $0x0  }
0x1d: {  	s5 =	simm.s32 @p1 $0x1;
	p0 =	seq.s32 s7, s2  }
0x1e: {  	s7 =	smul.u32 @!p0 $0xF7A, s2;
	p2 =	seq.s32 @!p0 s5, $0x0  }
0x1f: {  	s9 =	smul.u32 $0xF7A, s1;
	s8 =	simm.s32 @!p0 $0x1BF5;
	p2 =	por !p2, p0  }
0x20: {  	[sflag:s8] =	ssyncset.s32 @!p0 $0xFFFFF086;
	s6 =	sadd.s32 @!p0 s3, s7;
	s7 =	simm.s32 @!p0 $0x108  }
0x21: {  	s3 =	sadd.s32 s3, s9;
	s6 =	sadd.s32 @!p0 $0x88, s6;
	s7 =	simm.s32 @p2 $0x1082  }
0x22: {  	[simem:s7], [sflag:s8] =	dma.local @!p0 [hbm:s6], $0xF7A  }
0x23: {  	s9 =	sor.u32 $0xD0000000, s2;
	s6 =	simm.s32 $0x108;
	_ =	swait.ge @!p0 [sflag:s8], $0x0  }
0x24: {  	s3 =	sadd.s32 $0x88, s3;
	s6 =	simm.s32 @!p1 $0x1082;
	[sflag:s4] =	ssyncset.s32 $0xFFFFF086  }
0x25: {  	[simem:s6], [sflag:s4] =	dma.local [hbm:s3], $0xF7A  }
0x26: {  	[smem:$0x3F8E] =	sst s1;
	(tag) =	ssettag s2;
	_ =	strace s9  }
0x27: {  	s1 =	sld [smem:$0x3F9E]  }
0x28: {  	s2 =	sld [smem:$0x3F9F]  }
0x29: {  	s4 =	sld [smem:$0x3FA1]  }
0x2a: {  	p0 =	seq.s32 s5, $0x0;
	s5 =	sld [smem:$0x3FA2]  }
0x2b: {  	s6 =	sld [smem:$0x3FA3]  }
0x2c: {  	s7 =	sld [smem:$0x3FA4]  }
0x2d: {  	s3 =	simm.s32 $0x108;
	s8 =	sld [smem:$0x3FA5]  }
0x2e: {  	s3 =	simm.s32 @!p0 $0x1082;
	s9 =	sld [smem:$0x3FA6]  }
0x2f: {  	lr =	sadd.s32 s0, s3;
	s0 =	sld [smem:$0x3F9D]  }
0x30: {  	s3 =	sld [smem:$0x3FA0]  }
0x31: {  	[smem:$0x3FA9] =	sst s10  }
0x32: {  	s10 =	sld [smem:$0x3FA7];
	_ =	sdelay $0x3  }
0x33: {  	p0 =	seq.s32 s10, $0x1;
	s10 =	sld [smem:$0x3FA9];
	_ =	sdelay $0x3  }
0x34: {  	[smem:$0x3FA9] =	sst s10  }
0x35: {  	s10 =	sld [smem:$0x3FA8];
	_ =	sdelay $0x3  }
0x36: {  	p1 =	seq.s32 s10, $0x1;
	s10 =	sld [smem:$0x3FA9];
	_ =	sdelay $0x3  }
0x37: {  	[smem:$0x3FA9] =	sst s10  }
0x38: {  	s10 =	sld [smem:$0x3FAA]  }
0x39: {  	_ = 	snop;
	(pc) =	sbr.ind lr, $3  }
0x3a: {  	_ = 	snop  }
0x3b: {  	_ = 	snop  }
0x3c: {  	p2 =	seq.s32 s10, $0x1;
	s10 =	sld [smem:$0x3FA9]  }
0x3d: {  	_ =	shalt  }
0x3e: {  	_ =	shalt  }
0x3f: {  	_ =	shalt  }
0x40: {  	_ =	shalt  }
0x41: {  	_ =	shalt  }
0x42: {  	_ =	shalt  }
0x43: {  	_ =	shalt  }
0x44: {  	_ =	shalt  }
0x45: {  	_ =	shalt  }
0x46: {  	_ =	shalt  }
0x47: {  	_ =	shalt  }
0x48: {  	_ =	shalt  }
0x49: {  	_ =	shalt  }
0x4a: {  	_ =	shalt  }
0x4b: {  	_ =	shalt  }
0x4c: {  	_ =	shalt  }
0x4d: {  	_ =	shalt  }
0x4e: {  	_ =	shalt  }
0x4f: {  	_ =	shalt  }
0x50: {  	_ =	shalt  }
0x51: {  	_ =	shalt  }
0x52: {  	_ =	shalt  }
0x53: {  	_ =	shalt  }
0x54: {  	_ =	shalt  }
0x55: {  	_ =	shalt  }
0x56: {  	_ =	shalt  }
0x57: {  	_ =	shalt  }
0x58: {  	_ =	shalt  }
0x59: {  	_ =	shalt  }
0x5a: {  	_ =	shalt  }
0x5b: {  	_ =	shalt  }
0x5c: {  	_ =	shalt  }
0x5d: {  	_ =	shalt  }
0x5e: {  	_ =	shalt  }
0x5f: {  	_ =	shalt  }
0x60: {  	_ =	shalt  }
0x61: {  	_ =	shalt  }
0x62: {  	_ =	shalt  }
0x63: {  	_ =	shalt  }
0x64: {  	_ =	shalt  }
0x65: {  	_ =	shalt  }
0x66: {  	_ =	shalt  }
0x67: {  	_ =	shalt  }
0x68: {  	_ =	shalt  }
0x69: {  	_ =	shalt  }
0x6a: {  	_ =	shalt  }
0x6b: {  	_ =	shalt  }
0x6c: {  	_ =	shalt  }
0x6d: {  	_ =	shalt  }
0x6e: {  	_ =	shalt  }
0x6f: {  	_ =	shalt  }
0x70: {  	_ =	shalt  }
0x71: {  	_ =	shalt  }
0x72: {  	_ =	shalt  }
0x73: {  	_ =	shalt  }
0x74: {  	_ =	shalt  }
0x75: {  	_ =	shalt  }
0x76: {  	_ =	shalt  }
0x77: {  	_ =	shalt  }
0x78: {  	_ =	shalt  }
0x79: {  	_ =	shalt  }
0x7a: {  	_ =	shalt  }
0x7b: {  	_ =	shalt  }
0x7c: {  	_ =	shalt  }
0x7d: {  	_ =	shalt  }
0x7e: {  	_ =	shalt  }
0x7f: {  	_ =	shalt  }
0x80: {  	_ =	shalt  }
0x81: {  	_ =	shalt  }
0x82: {  	_ =	shalt  }
0x83: {  	_ =	shalt  }
0x84: {  	_ =	shalt  }
0x85: {  	_ =	shalt  }
0x86: {  	_ =	shalt  }
0x87: {  	_ =	shalt  }
.Lfunc_end0:
.L_simem_size_0:
called_computation_lowered:
.L_overlay_start_0:
0x88: {  	s2 =	sld [smem:$0x3FD9]  }
0x89: {  	s3 =	sld [smem:$0x3FFE];
	_ =	sdelay $0x1  }
0x8a: {  	s1 =	srdreg.scid  }
0x8b: {  	s0 =	sand.u32 $0x1, s1  }
0x8c: {  	s16 =	sshll.u32 s0, $0xA;
	s2 =	sadd.s32 s3, s2  }
0x8d: {  	s2 =	sadd.s32 s2, s16  }
0x8e: {  	[smem:$0x3FB5] =	sst s2  }
0x8f: {  	_ = 	snop  }
0x90: {  	(tm) =	ssettm $0x1  }
0x91: {  	s17 =	sld [smem:$0x3FFB];
	_ =	sdelay $0x3  }
0x92: {  	_ =	strace s17  }
0x93: {  	s2 =	sld [smem:$0x3FFC];
	_ =	sdelay $0x3  }
0x94: {  	_ =	strace s2  }
0x95: {  	s2 =	sld [smem:$0x3FFD];
	_ =	sdelay $0x3  }
0x96: {  	_ =	strace s2  }
0x97: {  	_ =	strace $0x8FFFFFFF  }
0x98: {  	s18 =	sld [smem:$0x3FDB];
	_ =	sdelay $0x1  }
0x99: {  	s19 =	simm.s32 $_scs_section_size  }
0x9a: {  	s4 =	simm.s32 $_size__tile_overlayer_lowered;
	s5 =	simm.s32 $_tile_overlayer_lowered  }
0x9b: {  	s22 =	simm.s32 $0x1BFF;
	s21 =	sshll.u32 s5, $0x1;
	s2 =	sadd.s32 s19, s18  }
0x9c: {  	s6 =	simm.s32 $0x0;
	s20 =	sshll.u32 s4, $0x1;
	s4 =	sadd.s32 s21, s2  }
0x9d: {  	[timem:s6], [sflag:s22] =	dma.local [hbm:s4], s20  }
0x9e: {  	_ =	swait.ge [sflag:s22], s20  }
0x9f: {  	s3 =	ssub.s32 $0x0, s20;
	[sflag:s22] =	ssyncset.done $0x0  }
0xa0: {  	[sflag:s22] =	ssyncadd.s32 s3;
	_ =	sdelay $0x1  }
0xa1: {  	s23 =	simm.s32 $0x1B8B  }
0xa2: {  	_ =	swait.ge [sflag:s23], $0x1  }
0xa3: {  	[sflag:s23] =	ssyncset.done $0x0  }
0xa4: {  	s25 =	simm.s32 $0x1B8E;
	s24 =	sld [smem:$0x3FFE];
	[sflag:s23] =	ssyncadd.s32 $0xFFFFFFFF  }
0xa5: {  	s26 =	simm.s32 $execute0_lowered;
	[smem:$0x3FD2] =	sst s25  }
0xa6: {  	s4 =	sshll.u32 s26, $0x1;
	_ =	strace $0x80000046;
	[dreg:$0x1] =	wrdreg $0xFFFFFFFF  }
0xa7: {  	s28 =	simm.s32 $_size_execute0_lowered;
	s2 =	sadd.s32 s2, s4;
	[dreg:$0x0] =	wrdreg $0x0  }
0xa8: {  	s4 =	sshll.u32 s28, $0x1;
	[dreg:$0x2] =	wrdreg s2  }
0xa9: {  	[dreg:$0x3] =	wrdreg s4  }
0xaa: {  	[dreg:$0x4] =	wrdreg $0xC0  }
0xab: {  	_ =	task [dreg:s6], $0x5FFFF  }
0xac: {  	[dreg:$0x1] =	wrdreg $0xFFFFFFFF  }
0xad: {  	[dreg:$0x0] =	wrdreg $0x60  }
0xae: {  	[dreg:$0x2] =	wrdreg s24  }
0xaf: {  	[dreg:$0x3] =	wrdreg $0x9  }
0xb0: {  	_ =	task.clear_ibuf [dreg:s6], $0x4FFFF;
	_ =	strace $0x90000046  }
0xb1: {  	s29 =	simm.s32 $0x9;
	_ =	strace $0x80000048  }
0xb2: {  	_ =	swait.ge [sflag:s29], $0x1  }
0xb3: {  	[sflag:s29] =	ssyncadd.s32 $0xFFFFFFFF  }
0xb4: {  	_ =	strace $0x90000048  }
0xb5: {  	_ =	sfence  }
0xb6: {  	s30 =	sld [smem:$0x0];
	_ =	sdelay $0x2  }
0xb7: {  	s31 =	sshll.u32 s1, $0xD;
	s1 =	sshrl.u32 s1, $0x2  }
0xb8: {  	s3 =	sand.u32 $0x4000, s31;
	s1 =	sadd.s32 s1, s30  }
0xb9: {  	s0 =	sor.u32 s3, s0;
	s1 =	sshll.u32 s1, $0x11  }
0xba: {  	s0 =	sor.u32 s1, s0  }
0xbb: {  	s0 =	sadd.s32 $0x8F2B, s0  }
0xbc: {  	[sflag:s0] =	ssyncadd.remote.s32 $0x1  }
0xbd: {  	_ =	sfence.sel $0xFFFF  }
0xbe: {  	[dreg:$0x0] =	wrdreg $0xFFFFFFFF;
	(pc) =	sbr.abs _section_cstart, $3  }
0xbf: {  	[dreg:$0x1] =	wrdreg $0xFFFFFFFF  }
0xc0: {  	_ =	task.clear_ibuf [dreg:s6], $0x2FFFF;
	_ =	strace $0x9FFFFFFF  }
0xc1: {  	(tm) =	ssettm $0x7FFFFFFF  }
tec
execute0_lowered:
.L_overlay_start_1:
0x0: {  	(tag) =	ssettag $0x1  }
0x1: {  	s1 =	stileid.u32  }
0x2: {  	p0 =	sgt.u32 s1, $0x3  }
.Ltmp0:
0x3: {  	_ = 	snop;
	(pc) =	sbr.rel @p0 .LBB2_9-.Ltmp0, $4  }
0x4: {  	_ = 	snop  }
0x5: {  	s4 =	rddreg [dreg:$0x0];
	s2 =	simm.s32 $0x0  }
0x6: {  	[smem:$0x7FF] =	sst s2  }
0x7: {  	s0 =	rddreg [dreg:$0x1];
	_ =	strace $0x80000047  }
0x8: {  	s3 =	srdreg.scid;
	s29 =	sshll.u32 s1, $0x5;
	v0 =	vimm.s32 $0xFFEDCBA9;
	v1 =	vimm.s32 $0x87654321  }
0x9: {  	s30 =	sshll.u32 s1, $0xA;
	s9 =	sshll.u32 s1, $0x1;
	s10 =	simm.s32 $0x80;
	v0 =	vunpack.c.l.s4.s8 v0;
	v1 =	vunpack.c.l.s4.s8 v1  }
0xa: {  	s11 =	simm.s32 $0x400;
	s12 =	simm.s32 $0x5000;
	s5 =	sand.u32 $0x1, s3  }
0xb: {  	s13 =	simm.s32 $0x0;
	s3 =	sadd.s32 $0x2A00, s4;
	s6 =	sshll.u32 s5, $0x4;
	v0 =	vunpack.c.0.s8.s32 v0;
	v1 =	vunpack.c.0.s8.s32 v1  }
0xc: {  	s7 =	ssub.s32 $0x2, s5;
	s31 =	sor.u32 s5, s9;
	s6 =	sor.u32 s6, s29  }
0xd: {  	s9 =	simm.s32 $0x4000;
	s8 =	sshrl.u32 s7, $0x1;
	s6 =	sadd.s32 s6, s4;
	v3 =	vcombine.low v1, v0  }
0xe: {  	vm0 =	vcmask $0x3F3C;
	s4 =	sand.u32 $0x3800, s30;
	s7 =	ssub.s32 s7, s8;
	s8 =	simm.s32 $0x1;
	v1 =	vlaneseq.u32  }
0xf: {  	s5 =	sadd.s32 $0x3200, s6;
	s6 =	smax.u32 s7, $0x1;
	s7 =	sand.u32 $0x3, s31;
	v0 =	vimm.s32 $0xFFFFFFFF;
	v2 =	vmul.u32 $0x4, v1;
	v3 =	vand.u32 $0xF, v3  }
.LBB2_2:
0x10: {  	s15 =	simm.s32 $0x0  }
0x11: {  	[tilespmem:s15], [sflag:$0x1] =	stream.linear.gather [hbm4b:s3+s15], $0x4000, $0x38;
	[tilespmem:$0x5800] =	vst v63  }
0x12: {  	_ =	swait.ge [sflag:s8], $0x4000  }
0x13: {  	[sflag:s8] =	ssyncset.done $0x0  }
0x14: {  	s16 =	simm.s32 $0x40;
	s14 =	simm.s32 $0x0;
	[sflag:s8] =	ssyncadd.s32 $0xFFFFC000  }
.LBB2_3:
0x15: {  	p0 =	sne.s32 s16, $0x3FC0;
	[tilespmem:s14+$0x4000] =	vst v0;
	s14 =	smov.u32 s16;
	s16 =	sadd.s32 $0x40, s16  }
.Ltmp1:
0x16: {  	(pc) =	sbr.rel @p0 .LBB2_3-.Ltmp1, $2  }
0x17: {  	_ =	sdelay $0x2  }
0x18: {  	s14 =	sshra.s32 s14, $0x2  }
0x19: {  	s16 =	sadd.s32 s4, s7  }
0x1a: {  	v4 =	vmov s16  }
0x1b: {  	v4 =	vshrl.u32 v4, $0x7  }
0x1c: {  	v4 =	vshll.u32 v4, $0x7  }
0x1d: {  	v5 =	vor.u32 s7, v2;
	v4 =	vbroadcast v4, $0x0  }
0x1e: {  	v6 =	vand.u32 $0x7F, v5  }
0x1f: {  	v4 =	vor.u32 v6, v4;
	_ =	sdelay $0x3  }
0x20: {  	[tilespmem:s14+$0x4000] =	vst v0;
	s14 =	simm.s32 $0x0  }
0x21: {  	v4 =	vld.idx.msk [tilespmem:v4+s14+$0x0], $0xffff;
	_ =	sdelay $0x4  }
0x22: {  	v4 =	vshll.u32 v4, $0x9  }
0x23: {  	v4 =	vadd.s32 s15, v4  }
0x24: {  	v4 =	vadd.s32 v1, v4  }
0x25: {  	v4 =	vxor.u32 $0x80000000, v4  }
0x26: {  	(xrf1) =	vsort.ascd.msk.u32 $0xffff, v4, v5;
	_ =	sdelay $0xd  }
0x27: {  	v5, v4, _ =	vpop (xrf1)  }
0x28: {  	v6 =	vshrl.u32 v5, $0x9  }
0x29: {  	v7 =	vxor.u32 $0x400000, v6  }
0x2a: {  	s15 =	simm.s32 $0x5000;
	[tilespmem:$0x5000] =	vst v7  }
0x2b: {  	v8 =	vld.idx.msk [tilespmem:v3+s15+$0x0], $0xffff  }
0x2c: {  	s16 =	sadd.s32 $0x40, s7  }
0x2d: {  	s17 =	sadd.s32 s4, s16  }
0x2e: {  	v5 =	vmov s17  }
0x2f: {  	v5 =	vshrl.u32 v5, $0x7;
	v6 =	vand.u32 $0x7F, v6  }
0x30: {  	v9 =	vshll.u32 v5, $0x7;
	v10 =	vand.u32 $0x7FFF80, v7;
	vm1 =	vne.s32 v7, v8  }
0x31: {  	v5 =	vor.u32 s16, v2;
	v9 =	vbroadcast v9, $0x0;
	vm1 =	vmor vm1, vm0  }
0x32: {  	v8 =	vand.u32 $0x7F, v5;
	v7 =	vor.u32 v6, v10  }
0x33: {  	s18 =	simm.s32 $0x20;
	s19 =	simm.s32 $0x0;
	s17 =	simm.s32 $0x10;
	v6 =	vor.u32 v8, v9  }
.LBB2_5:
0x34: {  	_ =	sdelay $0x2  }
0x35: {  	p0 =	sne.s32 s18, $0x1F0;
	[tilespmem:v7+s9+$0x0] =	vst.idx.msk vm1, v4;
	s20 =	smov.u32 s18;
	s18 =	sadd.s32 $0x10, s18  }
0x36: {  	v4 =	vld.idx.msk [tilespmem:v6+s19+$0x0], $0xffff;
	s19 =	smov.u32 s14;
	_ =	sdelay $0x5  }
0x37: {  	v4 =	vshll.u32 v4, $0x9  }
0x38: {  	v4 =	vadd.s32 s17, v4;
	s17 =	smov.u32 s20  }
0x39: {  	v4 =	vadd.s32 v1, v4  }
0x3a: {  	v4 =	vxor.u32 $0x80000000, v4  }
0x3b: {  	(xrf1) =	vsort.ascd.msk.u32 $0xffff, v4, v5;
	_ =	sdelay $0xd  }
0x3c: {  	v5, v4, _ =	vpop (xrf1)  }
0x3d: {  	v6 =	vshrl.u32 v5, $0x9  }
0x3e: {  	v7 =	vxor.u32 $0x400000, v6  }
0x3f: {  	[tilespmem:$0x5000] =	vst v7;
	v8 =	vand.u32 $0x7FFF80, v7  }
0x40: {  	v9 =	vld.idx.msk [tilespmem:v3+s15+$0x0], $0xffff;
	_ =	sdelay $0x1  }
0x41: {  	s16 =	sadd.s32 $0x40, s16  }
0x42: {  	s20 =	sadd.s32 s4, s16  }
0x43: {  	v5 =	vmov s20  }
.Ltmp2:
0x44: {  	v10 =	vshrl.u32 v5, $0x7;
	(pc) =	sbr.rel @p0 .LBB2_5-.Ltmp2, $4  }
0x45: {  	v5 =	vor.u32 s16, v2;
	v10 =	vshll.u32 v10, $0x7;
	vm1 =	vne.s32 v7, v9  }
0x46: {  	v6 =	vand.u32 $0x7F, v6;
	v9 =	vbroadcast v10, $0x0;
	vm1 =	vmor vm1, vm0  }
0x47: {  	v10 =	vand.u32 $0x7F, v5;
	v7 =	vor.u32 v6, v8  }
0x48: {  	v6 =	vor.u32 v10, v9  }
0x49: {  	_ =	sdelay $0x4  }
0x4a: {  	[tilespmem:v7+s9+$0x0] =	vst.idx.msk vm1, v4  }
0x4b: {  	v4 =	vld.idx.msk [tilespmem:v6+s19+$0x0], $0xffff;
	_ =	sdelay $0x4  }
0x4c: {  	v4 =	vshll.u32 v4, $0x9  }
0x4d: {  	v4 =	vadd.s32 s17, v4  }
0x4e: {  	v4 =	vadd.s32 v1, v4  }
0x4f: {  	v4 =	vxor.u32 $0x80000000, v4  }
0x50: {  	(xrf1) =	vsort.ascd.msk.u32 $0xffff, v4, v5;
	_ =	sdelay $0xd  }
0x51: {  	v4, v5, _ =	vpop (xrf1)  }
0x52: {  	v4 =	vshrl.u32 v4, $0x9  }
0x53: {  	v6 =	vxor.u32 $0x400000, v4  }
0x54: {  	s15 =	simm.s32 $0x5000;
	[tilespmem:$0x5000] =	vst v6  }
0x55: {  	v7 =	vld.idx.msk [tilespmem:v3+s15+$0x0], $0xffff;
	_ =	sdelay $0x2  }
0x56: {  	s16 =	sadd.s32 $0x0, s4  }
0x57: {  	v8 =	vmov s16  }
0x58: {  	vm1 =	vne.s32 v6, v7;
	v7 =	vshrl.u32 v8, $0x7  }
0x59: {  	v63 =	vor.u32 s14, v1;
	v4 =	vand.u32 $0x7F, v4;
	v7 =	vshll.u32 v7, $0x7  }
0x5a: {  	v6 =	vand.u32 $0x7FFF80, v6;
	vm1 =	vmor vm1, vm0;
	v7 =	vbroadcast v7, $0x0  }
0x5b: {  	v4 =	vor.u32 v4, v6;
	v6 =	vand.u32 $0x7F, v63  }
0x5c: {  	v6 =	vor.u32 v6, v7;
	_ =	sdelay $0x3  }
0x5d: {  	[tilespmem:v4+s9+$0x0] =	vst.idx.msk vm1, v5  }
0x5e: {  	v4 =	vld.idx.msk [tilespmem:v6+s2+$0x0], $0xffff;
	_ =	sdelay $0x2  }
0x5f: {  	s30 =	sadd.s32 $0x10, s4  }
0x60: {  	v5 =	vmov s30  }
0x61: {  	v5 =	vshrl.u32 v5, $0x7  }
0x62: {  	s31 =	simm.s32 $0x10;
	v5 =	vshll.u32 v5, $0x7  }
0x63: {  	v6 =	vor.u32 s31, v1;
	v5 =	vbroadcast v5, $0x0  }
0x64: {  	v6 =	vand.u32 $0x7F, v6;
	v4 =	vld.idx.msk [tilespmem:v4+s9+$0x0], $0xffff  }
0x65: {  	v5 =	vor.u32 v6, v5;
	_ =	sdelay $0x3  }
0x66: {  	[tilespmem:s15+$0x0] =	vst v4  }
0x67: {  	v4 =	vld.idx.msk [tilespmem:v5+s2+$0x0], $0xffff;
	_ =	sdelay $0x3  }
0x68: {  	s14 =	simm.s32 $0x20;
	s16 =	simm.s32 $0x30;
	s17 =	sadd.s32 $0x20, s4  }
.LBB2_7:
0x69: {  	p0 =	sne.s32 s16, $0x7F0;
	v5 =	vmov s17  }
0x6a: {  	v5 =	vshrl.u32 v5, $0x7  }
0x6b: {  	v5 =	vshll.u32 v5, $0x7  }
0x6c: {  	v6 =	vor.u32 s14, v1;
	s14 =	smov.u32 s16;
	v5 =	vbroadcast v5, $0x0;
	v4 =	vld.idx.msk [tilespmem:v4+s9+$0x0], $0xffff  }
0x6d: {  	v6 =	vand.u32 $0x7F, v6  }
0x6e: {  	v5 =	vor.u32 v6, v5;
	_ =	sdelay $0x2  }
0x6f: {  	s15 =	sadd.s32 $0x10, s15  }
0x70: {  	[tilespmem:s15+$0x0] =	vst v4  }
.Ltmp3:
0x71: {  	v4 =	vld.idx.msk [tilespmem:v5+s2+$0x0], $0xffff;
	(pc) =	sbr.rel @p0 .LBB2_7-.Ltmp3, $2  }
0x72: {  	_ =	sdelay $0x2  }
0x73: {  	s16 =	sadd.s32 $0x10, s16;
	s17 =	sadd.s32 s4, s14  }
0x74: {  	v5 =	vmov s17  }
0x75: {  	v5 =	vshrl.u32 v5, $0x7  }
0x76: {  	v5 =	vshll.u32 v5, $0x7  }
0x77: {  	v6 =	vor.u32 s14, v1;
	v5 =	vbroadcast v5, $0x0  }
0x78: {  	v4 =	vld.idx.msk [tilespmem:v4+s9+$0x0], $0xffff;
	v6 =	vand.u32 $0x7F, v6  }
0x79: {  	v5 =	vor.u32 v6, v5;
	_ =	sdelay $0x2  }
0x7a: {  	s31 =	sadd.s32 $0x10, s15  }
0x7b: {  	[tilespmem:s31+$0x0] =	vst v4  }
0x7c: {  	v4 =	vld.idx.msk [tilespmem:v5+s2+$0x0], $0xffff;
	_ =	sdelay $0x7  }
0x7d: {  	v4 =	vld.idx.msk [tilespmem:v4+s9+$0x0], $0xffff;
	_ =	sdelay $0x2  }
0x7e: {  	s13 =	sadd.s32 $0x1, s13  }
0x7f: {  	s14 =	sadd.s32 $0x10, s31;
	p0 =	sne.s32 s13, s6  }
.Ltmp4:
0x80: {  	[tilespmem:s14+$0x0] =	vst v4;
	(pc) =	sbr.rel @p0 .LBB2_2-.Ltmp4, $4  }
0x81: {  	[hbm4b:s5+s10] =	stream.strided.scatter [tilespmem:s12], [sflag:$0x1], $0x800, s11, s10, $0x38;
	[tilespmem:$0x5800] =	vst v63  }
0x82: {  	_ =	swait.ge [sflag:s8], $0x800  }
0x83: {  	[sflag:s8] =	ssyncset.done $0x0  }
0x84: {  	[sflag:s8] =	ssyncadd.s32 $0xFFFFF800  }
.LBB2_9:
0x85: {  	_ =	sfence.sel $0x180000  }
0x86: {  	[bflag:$0x0] =	sbarrier.arrive $0xFFFF  }
0x87: {  	p0 =	sne.s32 s1, $0x0;
	_ =	strace $0x90000047  }
0x88: {  	s0 =	sadd.s32 @!p0 $0x100000, s0;
	[bflag:$0x2] =	sbarrier.arrive $0xFFFF  }
0x89: {  	[sflag:s0] =	ssyncadd.tile.s32 @!p0 $0x1;
	_ =	shalt  }
.Lfunc_end2:
_tile_overlayer_lowered:
.L_overlay_start_2:
0x8a: {  	(tag) =	ssettag $0x2  }
0x8b: {  	s0 =	rddreg [dreg:$0x0];
	s2 =	stileid.u32  }
0x8c: {  	s1 =	rddreg [dreg:$0x1];
	p0 =	sne.s32 s2, $0x0  }
0x8d: {  	s3 =	rddreg [dreg:$0x2];
	[bflag:$0x3] =	sbarrier.arrive $0xFFFF;
	s2 =	simm.s32 @!p0 $0x1C01  }
0x8e: {  	[timem:s3], [sflag:s2] =	dma.local @!p0 [hbm:s0], s1  }
0x8f: {  	s0 =	simm.s32 @!p0 $0x1  }
0x90: {  	_ =	swait.ge @!p0 [sflag:s0], s1  }
0x91: {  	s1 =	ssub.s32 @!p0 $0x0, s1;
	[sflag:s0] =	ssyncset.done @!p0 $0x0  }
0x92: {  	[sflag:s0] =	ssyncadd.s32 @!p0 s1  }
0x93: {  	[bflag:$0x3] =	sbarrier.arrive $0xFFFF  }
0x94: {  	_ =	shalt  }

</sc_bundles>
